<compile_context>
chip_gen: v7x
topology: tpu7x:2x2x1
jax: 0.10.2.dev20260603
libtpu: 0.0.44.dev20260713+nightly
codegen_flags: <defaults>
</compile_context>

<pallas_src>
import functools

import jax
import jax.numpy as jnp
from jax import lax
from jax.experimental import pallas as pl
from jax.experimental.pallas import tpu as pltpu
from jax.experimental.pallas import tpu_sc as plsc

N = 10000
E = 320000
D = 128
NP = 10240
NC = 2
NS = 16
NW = NC * NS
B = 128
EROWS = 2560
EP = EROWS * B
RPT = NP // NS
RING = 2
CHUNK = 16
NBAT0 = 80
NBAT1 = 80
NROWS0 = NS * NBAT0
NBAT_S = 160
RING2 = 16
NOUT2 = NBAT_S // RING2

_mesh = plsc.VectorSubcoreMesh(core_axis_name="c", subcore_axis_name="s")


def _zero_fill_2d(ref, rows):
    def row(i, _):
        def col(j, _):
            ref[i, pl.ds(j * 16, 16)] = jnp.zeros((16,), jnp.float32)
            return 0
        return lax.fori_loop(0, D // 16, col, 0)
    lax.fori_loop(0, rows, row, 0)


def _zero_fill_1d(ref, n):
    def body(j, _):
        ref[pl.ds(j * 16, 16)] = jnp.zeros((16,), jnp.float32)
        return 0
    lax.fori_loop(0, n // 16, body, 0)


@functools.partial(
    pl.kernel,
    out_type=(
        jax.ShapeDtypeStruct((NP, D), jnp.float32),
        jax.ShapeDtypeStruct((NP, D), jnp.float32),
        jax.ShapeDtypeStruct((NC, NP), jnp.float32),
    ),
    mesh=_mesh,
    scratch_types=(
        pltpu.VMEM((CHUNK, B), jnp.int32),
        pltpu.VMEM((CHUNK, B), jnp.int32),
        tuple(pltpu.VMEM((B, D), jnp.float32) for _ in range(RING)),
        pltpu.VMEM((B,), jnp.float32),
        pltpu.VMEM((RPT,), jnp.float32),
        pltpu.VMEM_SHARED((NP, D), jnp.float32),
        pltpu.VMEM_SHARED((NP,), jnp.float32),
        pltpu.SemaphoreType.DMA,
    ),
)
def _sc_agg_wide(src_hbm, dst_hbm, x_hbm, agg0_out, agg1_out, cnt_out,
                 src_v, dst_v, rows_bufs, ones_v, zrow_v,
                 agg_sh, cnt_sh, sem):
    cid = lax.axis_index("c")
    sid = lax.axis_index("s")
    w = cid * NS + sid

    _zero_fill_1d(zrow_v, RPT)
    _zero_fill_2d(rows_bufs[0], B)

    def fill_ones(j, _):
        ones_v[pl.ds(j * 16, 16)] = jnp.ones((16,), jnp.float32)
        return 0
    lax.fori_loop(0, B // 16, fill_ones, 0)

    rbase = sid * RPT
    for k in range(RPT // B):
        pltpu.sync_copy(rows_bufs[0], agg_sh.at[pl.ds(rbase + k * B, B)])
    pltpu.sync_copy(zrow_v, cnt_sh.at[pl.ds(rbase, RPT)])
    plsc.subcore_barrier()

    nch = jnp.where(cid == 0, NBAT0 // CHUNK, NBAT1 // CHUNK)
    rb = jnp.where(cid == 0, sid * NBAT0, NROWS0 + sid * NBAT1)

    def chunk_body(ch, _):
        r0 = rb + ch * CHUNK
        pltpu.sync_copy(src_hbm.at[pl.ds(r0, CHUNK)], src_v)
        pltpu.sync_copy(dst_hbm.at[pl.ds(r0, CHUNK)], dst_v)
        for b in range(RING):
            pltpu.async_copy(x_hbm.at[src_v.at[b]], rows_bufs[b], sem)

        def inner(g, _):
            for b in range(RING):
                j = g * RING + b
                pltpu.make_async_copy(
                    x_hbm.at[src_v.at[j]], rows_bufs[b], sem).wait()
                pltpu.sync_copy(rows_bufs[b], agg_sh.at[dst_v.at[j]],
                                add=True)
                pltpu.sync_copy(ones_v, cnt_sh.at[dst_v.at[j]], add=True)

                @pl.when(g < CHUNK // RING - 1)
                def _():
                    pltpu.async_copy(
                        x_hbm.at[src_v.at[j + RING]], rows_bufs[b], sem)
            return 0
        lax.fori_loop(0, CHUNK // RING, inner, 0)
        return 0
    lax.fori_loop(0, nch, chunk_body, 0)
    plsc.subcore_barrier()

    @pl.when(cid == 0)
    def _():
        pltpu.sync_copy(agg_sh.at[pl.ds(rbase, RPT)],
                        agg0_out.at[pl.ds(rbase, RPT)])

    @pl.when(cid == 1)
    def _():
        pltpu.sync_copy(agg_sh.at[pl.ds(rbase, RPT)],
                        agg1_out.at[pl.ds(rbase, RPT)])

    pltpu.sync_copy(cnt_sh.at[pl.ds(rbase, RPT)],
                    cnt_out.at[cid, pl.ds(rbase, RPT)])


@functools.partial(
    pl.kernel,
    out_type=jax.ShapeDtypeStruct((NP,), jnp.float32),
    mesh=_mesh,
    scratch_types=(
        pltpu.VMEM((NBAT_S, B), jnp.int32),
        pltpu.VMEM((NBAT_S, B), jnp.int32),
        tuple(pltpu.VMEM((B,), jnp.float32) for _ in range(RING2)),
        pltpu.VMEM((RPT,), jnp.float32),
        pltpu.VMEM((RPT,), jnp.float32),
        pltpu.VMEM((RPT,), jnp.float32),
        pltpu.VMEM((RPT,), jnp.float32),
        pltpu.VMEM_SHARED((NP,), jnp.float32),
        pltpu.SemaphoreType.DMA,
    ),
)
def _sc_agg_scalar(src_hbm, dst_hbm, s_hbm, inv_hbm, r_hbm, out_hbm,
                   src_v, dst_v, val_bufs, acc_v, iv_v, rr_v, out_v,
                   agg_sh, sem):
    cid = lax.axis_index("c")
    sid = lax.axis_index("s")

    @pl.when(cid == 0)
    def _():
        _zero_fill_1d(acc_v, RPT)

        pltpu.sync_copy(src_hbm.at[pl.ds(sid * NBAT_S, NBAT_S)], src_v)
        pltpu.sync_copy(dst_hbm.at[pl.ds(sid * NBAT_S, NBAT_S)], dst_v)

        rbase = sid * RPT
        pltpu.sync_copy(acc_v, agg_sh.at[pl.ds(rbase, RPT)])
        plsc.subcore_barrier()

        for b in range(RING2):
            pltpu.async_copy(s_hbm.at[src_v.at[b]], val_bufs[b], sem)

        def outer(g, _):
            for b in range(RING2):
                j = g * RING2 + b
                pltpu.make_async_copy(
                    s_hbm.at[src_v.at[j]], val_bufs[b], sem).wait()
                pltpu.sync_copy(val_bufs[b], agg_sh.at[dst_v.at[j]],
                                add=True)

                @pl.when(g < NOUT2 - 1)
                def _():
                    pltpu.async_copy(
                        s_hbm.at[src_v.at[j + RING2]], val_bufs[b], sem)
            return 0
        lax.fori_loop(0, NOUT2, outer, 0)
        plsc.subcore_barrier()

        pltpu.sync_copy(agg_sh.at[pl.ds(rbase, RPT)], acc_v)
        pltpu.sync_copy(inv_hbm.at[pl.ds(rbase, RPT)], iv_v)
        pltpu.sync_copy(r_hbm.at[pl.ds(rbase, RPT)], rr_v)

        def combine(k, _):
            sl = pl.ds(k * 16, 16)
            out_v[sl] = acc_v[sl] * iv_v[sl] + rr_v[sl]
            return 0
        lax.fori_loop(0, RPT // 16, combine, 0)
        pltpu.sync_copy(out_v, out_hbm.at[pl.ds(rbase, RPT)])


_RB = 1024


def _dense_body(agg0_ref, agg1_ref, x_ref, cnt0_ref, cnt1_ref,
                w1l_ref, w1r_ref, b1_ref, w2_ref, b2_ref,
                s_ref, r_ref, inv_ref):
    cnt = cnt0_ref[...] + cnt1_ref[...]
    inv = 1.0 / jnp.maximum(cnt, 1.0)
    mean = (agg0_ref[...] + agg1_ref[...]) * inv
    h = jnp.maximum(
        jnp.dot(mean, w1l_ref[...], preferred_element_type=jnp.float32)
        + jnp.dot(x_ref[...], w1r_ref[...], preferred_element_type=jnp.float32)
        + b1_ref[...],
        0.0,
    )
    sr = (jnp.dot(h, w2_ref[...], preferred_element_type=jnp.float32)
          + b2_ref[...])
    s_ref[...] = sr[:, 0:1]
    r_ref[...] = sr[:, 1:2]
    inv_ref[...] = inv


def _dense(agg0, agg1, x, cnt0, cnt1, w1l, w1r, b1, w2, b2):
    grid = (NP // _RB,)
    return pl.pallas_call(
        _dense_body,
        grid=grid,
        in_specs=[
            pl.BlockSpec((_RB, D), lambda i: (i, 0)),
            pl.BlockSpec((_RB, D), lambda i: (i, 0)),
            pl.BlockSpec((_RB, D), lambda i: (i, 0)),
            pl.BlockSpec((_RB, 1), lambda i: (i, 0)),
            pl.BlockSpec((_RB, 1), lambda i: (i, 0)),
            pl.BlockSpec((D, D), lambda i: (0, 0)),
            pl.BlockSpec((D, D), lambda i: (0, 0)),
            pl.BlockSpec((1, D), lambda i: (0, 0)),
            pl.BlockSpec((D, 2), lambda i: (0, 0)),
            pl.BlockSpec((1, 2), lambda i: (0, 0)),
        ],
        out_specs=[
            pl.BlockSpec((_RB, 1), lambda i: (i, 0)),
            pl.BlockSpec((_RB, 1), lambda i: (i, 0)),
            pl.BlockSpec((_RB, 1), lambda i: (i, 0)),
        ],
        out_shape=[
            jax.ShapeDtypeStruct((NP, 1), jnp.float32),
            jax.ShapeDtypeStruct((NP, 1), jnp.float32),
            jax.ShapeDtypeStruct((NP, 1), jnp.float32),
        ],
    )(agg0, agg1, x, cnt0, cnt1, w1l, w1r, b1, w2, b2)


@jax.jit
def kernel(x, edge_index, W1l, W1r, b1, W2l, W2r, b2):
    xp = jnp.pad(x, ((0, NP - N), (0, 0)))
    npad = EP - E
    pad_src = jnp.arange(npad, dtype=jnp.int32) % N
    pad_dst = N + jnp.arange(npad, dtype=jnp.int32) % (NP - N)
    src = jnp.concatenate([edge_index[0], pad_src]).reshape(EROWS, B)
    dst = jnp.concatenate([edge_index[1], pad_dst]).reshape(EROWS, B)

    agg0, agg1, cnt = _sc_agg_wide(src, dst, x)

    w2 = jnp.concatenate([W2l, W2r], axis=1)
    b2r = jnp.concatenate([jnp.zeros((1,), b2.dtype), b2]).reshape(1, 2)

    s, r, inv = _dense(
        agg0, agg1, xp,
        cnt[0].reshape(NP, 1), cnt[1].reshape(NP, 1),
        W1l, W1r, b1.reshape(1, D), w2, b2r,
    )

    out = _sc_agg_scalar(src, dst, s.reshape(NP), inv.reshape(NP),
                         r.reshape(NP))
    return out[:N]

# --- scband reference (transcript-rebuilt; emitter-appended) ---
"""Pipeline reference for scband-graph-sage-91250875171025 (READ-ONLY COPY).

The authoritative reference and input builder live on the scoring server;
editing this copy changes nothing except your own understanding.
"""

import jax, jax.numpy as jnp
import numpy as np

N = 10000
E = 320000
D = 128
H = 128

def setup_inputs(seed: int = 0) -> dict:
    key = jax.random.key(seed)
    ks = jax.random.split(key, 8)
    x = jax.random.normal(ks[0], (N, D), dtype=jnp.float32)
    edge_index = jax.random.randint(ks[1], (2, E), 0, N, dtype=jnp.int32)
    W1l = jax.random.normal(ks[2], (D, H), dtype=jnp.float32) * (1.0 / np.sqrt(D))
    W1r = jax.random.normal(ks[3], (D, H), dtype=jnp.float32) * (1.0 / np.sqrt(D))
    b1 = jnp.zeros((H,), dtype=jnp.float32)
    W2l = jax.random.normal(ks[4], (H, 1), dtype=jnp.float32) * (1.0 / np.sqrt(H))
    W2r = jax.random.normal(ks[5], (H, 1), dtype=jnp.float32) * (1.0 / np.sqrt(H))
    b2 = jnp.zeros((1,), dtype=jnp.float32)
    return {"x": x, "edge_index": edge_index, "W1l": W1l, "W1r": W1r, "b1": b1, "W2l": W2l, "W2r": W2r, "b2": b2}

def _sage_conv(h, src, dst, Wl, Wr, b):
    # PyG SAGEConv (mean aggr): out = lin_l(mean_{j in N(i)} x_j) + lin_r(x_i)
    msg = h[src]
    agg = jax.ops.segment_sum(msg, dst, num_segments=N)
    cnt = jax.ops.segment_sum(jnp.ones((src.shape[0],), dtype=h.dtype), dst, num_segments=N)
    mean = agg / jnp.clip(cnt, 1.0)[:, None]
    return mean @ Wl + b + h @ Wr

def reference(x, edge_index, W1l, W1r, b1, W2l, W2r, b2):
    src = edge_index[0]
    dst = edge_index[1]
    h = jax.nn.relu(_sage_conv(x, src, dst, W1l, W1r, b1))
    # dropout is identity in eval mode (training=False)
    out = _sage_conv(h, src, dst, W2l, W2r, b2).reshape(-1)
    return out

if __name__ == "__main__":
    import jax
    _d = setup_inputs()
    print(jax.jit(kernel)(*tuple(_d.values())))

</pallas_src>

<mosaic_0001>
#map = affine_map<(d0, d1) -> (0, 0)>
#map1 = affine_map<(d0, d1) -> (0)>
module attributes {stable_mosaic.version = 14 : i64} {
  func.func @_sc_agg_scalar(%arg0: i32, %arg1: i32, %arg2: memref<2560x128xi32, #tpu.memory_space<hbm>>, %arg3: memref<2560x128xi32, #tpu.memory_space<hbm>>, %arg4: memref<10240xf32, #tpu.memory_space<hbm>>, %arg5: memref<10240xf32, #tpu.memory_space<hbm>>, %arg6: memref<10240xf32, #tpu.memory_space<hbm>>, %arg7: memref<10240xf32, #tpu.memory_space<hbm>>, %arg8: memref<160x128xi32, #tpu.memory_space<vmem>>, %arg9: memref<160x128xi32, #tpu.memory_space<vmem>>, %arg10: memref<128xf32, #tpu.memory_space<vmem>>, %arg11: memref<128xf32, #tpu.memory_space<vmem>>, %arg12: memref<128xf32, #tpu.memory_space<vmem>>, %arg13: memref<128xf32, #tpu.memory_space<vmem>>, %arg14: memref<128xf32, #tpu.memory_space<vmem>>, %arg15: memref<128xf32, #tpu.memory_space<vmem>>, %arg16: memref<128xf32, #tpu.memory_space<vmem>>, %arg17: memref<128xf32, #tpu.memory_space<vmem>>, %arg18: memref<128xf32, #tpu.memory_space<vmem>>, %arg19: memref<128xf32, #tpu.memory_space<vmem>>, %arg20: memref<128xf32, #tpu.memory_space<vmem>>, %arg21: memref<128xf32, #tpu.memory_space<vmem>>, %arg22: memref<128xf32, #tpu.memory_space<vmem>>, %arg23: memref<128xf32, #tpu.memory_space<vmem>>, %arg24: memref<128xf32, #tpu.memory_space<vmem>>, %arg25: memref<128xf32, #tpu.memory_space<vmem>>, %arg26: memref<640xf32, #tpu.memory_space<vmem>>, %arg27: memref<640xf32, #tpu.memory_space<vmem>>, %arg28: memref<640xf32, #tpu.memory_space<vmem>>, %arg29: memref<640xf32, #tpu.memory_space<vmem>>, %arg30: memref<10240xf32, #tpu.memory_space<vmem_shared>>, %arg31: memref<!tpu.dma_semaphore, #tpu.memory_space<semaphore_mem>>) attributes {dimension_semantics = [#tpu.dimension_semantics<core_parallel>, #tpu.dimension_semantics<subcore_parallel>], iteration_bounds = array<i64: 2, 16>, scalar_prefetch = 0 : i64, scratch_operands = 24 : i64, tpu.core_type = #tpu.core_type<sc_vector_subcore>, window_params = [{transform_indices = #map}, {transform_indices = #map}, {transform_indices = #map1}, {transform_indices = #map1}, {transform_indices = #map1}, {transform_indices = #map1}]} {
    %eq3A = arith.constant 0 : i32
    %eq3A_0 = arith.cmpi eq, %arg0, %eq3A : i32
    %convert_element_type3A = arith.extui %eq3A_0 : i1 to i32
    %cond3A = arith.constant 0 : i32
    %cond3A_1 = arith.cmpi ne, %convert_element_type3A, %cond3A : i32
    scf.if %cond3A_1 {
      %scan3A = arith.constant 0 : i32
      %scan3A_2 = arith.constant 0 : i32
      %scan3A_3 = arith.constant 40 : i32
      %scan3A_4 = arith.addi %scan3A_2, %scan3A_3 : i32
      %scan3A_5 = arith.constant 1 : i32
      %scan3A_6 = scf.for %scan3A_123 = %scan3A_2 to %scan3A_4 step %scan3A_5 iter_args(%scan3A_124 = %scan3A) -> (i32)  : i32 {
        %broadcast_in_dim3A = arith.constant 0.000000e+00 : f32
        %broadcast_in_dim3A_125 = vector.broadcast %broadcast_in_dim3A : f32 to vector<16xf32>
        %mul3A_126 = arith.constant 16 : i32
        %mul3A_127 = arith.muli %scan3A_123, %mul3A_126 : i32
        %swap3A = arith.index_cast %mul3A_127 : i32 to index
        %swap3A_128 = tpu.vector_load %arg26[%swap3A] {strides = array<i32>} : memref<640xf32, #tpu.memory_space<vmem>>, vector<16xf32>,
        %swap3A_129 = vector.shape_cast %swap3A_128 : vector<16xf32> to vector<16xf32>
        %swap3A_130 = vector.shape_cast %broadcast_in_dim3A_125 : vector<16xf32> to vector<16xf32>
        tpu.vector_store %arg26[%swap3A], %swap3A_130 {strides = array<i32>} : memref<640xf32, #tpu.memory_space<vmem>>, vector<16xf32>,
        %scan3A_131 = arith.constant 0 : i32
        scf.yield %scan3A_131 : i32
      }
      %scan3A_7 = arith.constant 40 : i32
      %mul3A = arith.constant 160 : i32
      %mul3A_8 = arith.muli %arg1, %mul3A : i32
      "tpu.region"() ({
        %run_scoped3A = tpu.sem_alloc : memref<!tpu.dma_semaphore, #tpu.memory_space<semaphore_mem>>
        %dma_start3A_123 = arith.constant 0 : i32
        %dma_start3A_124 = tpu.memref_slice %arg2[%mul3A_8, %dma_start3A_123] : memref<2560x128xi32, #tpu.memory_space<hbm>> -> memref<160x128xi32, #tpu.memory_space<hbm>>
        %dma_start3A_125 = arith.constant 0 : i32
        %dma_start3A_126 = tpu.memref_slice %arg2[%mul3A_8, %dma_start3A_125] : memref<2560x128xi32, #tpu.memory_space<hbm>> -> memref<160x128xi32, #tpu.memory_space<hbm>>
        tpu.enqueue_dma source(%dma_start3A_126 : memref<160x128xi32, #tpu.memory_space<hbm>>) target(%arg8 : memref<160x128xi32, #tpu.memory_space<vmem>>) target_semaphore(%run_scoped3A : memref<!tpu.dma_semaphore, #tpu.memory_space<semaphore_mem>>)
        %dma_wait3A = arith.constant 0 : i32
        %dma_wait3A_127 = tpu.memref_slice %arg2[%mul3A_8, %dma_wait3A] : memref<2560x128xi32, #tpu.memory_space<hbm>> -> memref<160x128xi32, #tpu.memory_space<hbm>>
        %dma_wait3A_128 = arith.constant 0 : i32
        %dma_wait3A_129 = tpu.memref_slice %arg2[%mul3A_8, %dma_wait3A_128] : memref<2560x128xi32, #tpu.memory_space<hbm>> -> memref<160x128xi32, #tpu.memory_space<hbm>>
        tpu.wait_dma2 semaphore(%run_scoped3A : memref<!tpu.dma_semaphore, #tpu.memory_space<semaphore_mem>>) src(%dma_wait3A_129 : memref<160x128xi32, #tpu.memory_space<hbm>>) dst(%arg8 : memref<160x128xi32, #tpu.memory_space<vmem>>)
        tpu.yield
      }) : () -> ()
      %mul3A_9 = arith.constant 160 : i32
      %mul3A_10 = arith.muli %arg1, %mul3A_9 : i32
      "tpu.region"() ({
        %run_scoped3A = tpu.sem_alloc : memref<!tpu.dma_semaphore, #tpu.memory_space<semaphore_mem>>
        %dma_start3A_123 = arith.constant 0 : i32
        %dma_start3A_124 = tpu.memref_slice %arg3[%mul3A_10, %dma_start3A_123] : memref<2560x128xi32, #tpu.memory_space<hbm>> -> memref<160x128xi32, #tpu.memory_space<hbm>>
        %dma_start3A_125 = arith.constant 0 : i32
        %dma_start3A_126 = tpu.memref_slice %arg3[%mul3A_10, %dma_start3A_125] : memref<2560x128xi32, #tpu.memory_space<hbm>> -> memref<160x128xi32, #tpu.memory_space<hbm>>
        tpu.enqueue_dma source(%dma_start3A_126 : memref<160x128xi32, #tpu.memory_space<hbm>>) target(%arg9 : memref<160x128xi32, #tpu.memory_space<vmem>>) target_semaphore(%run_scoped3A : memref<!tpu.dma_semaphore, #tpu.memory_space<semaphore_mem>>)
        %dma_wait3A = arith.constant 0 : i32
        %dma_wait3A_127 = tpu.memref_slice %arg3[%mul3A_10, %dma_wait3A] : memref<2560x128xi32, #tpu.memory_space<hbm>> -> memref<160x128xi32, #tpu.memory_space<hbm>>
        %dma_wait3A_128 = arith.constant 0 : i32
        %dma_wait3A_129 = tpu.memref_slice %arg3[%mul3A_10, %dma_wait3A_128] : memref<2560x128xi32, #tpu.memory_space<hbm>> -> memref<160x128xi32, #tpu.memory_space<hbm>>
        tpu.wait_dma2 semaphore(%run_scoped3A : memref<!tpu.dma_semaphore, #tpu.memory_space<semaphore_mem>>) src(%dma_wait3A_129 : memref<160x128xi32, #tpu.memory_space<hbm>>) dst(%arg9 : memref<160x128xi32, #tpu.memory_space<vmem>>)
        tpu.yield
      }) : () -> ()
      %mul3A_11 = arith.constant 640 : i32
      %mul3A_12 = arith.muli %arg1, %mul3A_11 : i32
      "tpu.region"() ({
        %run_scoped3A = tpu.sem_alloc : memref<!tpu.dma_semaphore, #tpu.memory_space<semaphore_mem>>
        %dma_start3A_123 = tpu.memref_slice %arg30[%mul3A_12] : memref<10240xf32, #tpu.memory_space<vmem_shared>> -> memref<640xf32, #tpu.memory_space<vmem_shared>>
        %dma_start3A_124 = tpu.memref_slice %arg30[%mul3A_12] : memref<10240xf32, #tpu.memory_space<vmem_shared>> -> memref<640xf32, #tpu.memory_space<vmem_shared>>
        tpu.enqueue_dma source(%arg26 : memref<640xf32, #tpu.memory_space<vmem>>) target(%dma_start3A_124 : memref<640xf32, #tpu.memory_space<vmem_shared>>) target_semaphore(%run_scoped3A : memref<!tpu.dma_semaphore, #tpu.memory_space<semaphore_mem>>)
        %dma_wait3A = tpu.memref_slice %arg30[%mul3A_12] : memref<10240xf32, #tpu.memory_space<vmem_shared>> -> memref<640xf32, #tpu.memory_space<vmem_shared>>
        %dma_wait3A_125 = tpu.memref_slice %arg30[%mul3A_12] : memref<10240xf32, #tpu.memory_space<vmem_shared>> -> memref<640xf32, #tpu.memory_space<vmem_shared>>
        tpu.wait_dma2 semaphore(%run_scoped3A : memref<!tpu.dma_semaphore, #tpu.memory_space<semaphore_mem>>) src(%arg26 : memref<640xf32, #tpu.memory_space<vmem>>) dst(%dma_wait3A_125 : memref<640xf32, #tpu.memory_space<vmem_shared>>)
        tpu.yield
      }) : () -> ()
      %barrier3A = arith.constant 0 : index
      tpu.barrier barrier_id(%barrier3A)
      %dma_start3A = arith.constant 0 : i32
      %dma_start3A_13 = arith.constant 0 : i32
      %dma_start3A_14 = tpu.memref_slice %arg8[%dma_start3A, %dma_start3A_13] : memref<160x128xi32, #tpu.memory_space<vmem>> -> memref<1x128xi32, #tpu.memory_space<vmem>>
      %dma_start3A_15 = tpu.memref_squeeze %dma_start3A_14 : memref<1x128xi32, #tpu.memory_space<vmem>> -> memref<128xi32, #tpu.memory_space<vmem>>
      %dma_start3A_16 = arith.constant 0 : i32
      %dma_start3A_17 = tpu.memref_slice %arg4[%dma_start3A_16] : memref<10240xf32, #tpu.memory_space<hbm>> -> memref<10240xf32, #tpu.memory_space<hbm>>
      tpu.enqueue_indirect_dma source(%dma_start3A_17 : memref<10240xf32, #tpu.memory_space<hbm>>) target(%arg10 : memref<128xf32, #tpu.memory_space<vmem>>) offsets(%dma_start3A_15 : memref<128xi32, #tpu.memory_space<vmem>>) semaphore(%arg31 : memref<!tpu.dma_semaphore, #tpu.memory_space<semaphore_mem>>)
      %dma_start3A_18 = arith.constant 1 : i32
      %dma_start3A_19 = arith.constant 0 : i32
      %dma_start3A_20 = tpu.memref_slice %arg8[%dma_start3A_18, %dma_start3A_19] : memref<160x128xi32, #tpu.memory_space<vmem>> -> memref<1x128xi32, #tpu.memory_space<vmem>>
      %dma_start3A_21 = tpu.memref_squeeze %dma_start3A_20 : memref<1x128xi32, #tpu.memory_space<vmem>> -> memref<128xi32, #tpu.memory_space<vmem>>
      %dma_start3A_22 = arith.constant 0 : i32
      %dma_start3A_23 = tpu.memref_slice %arg4[%dma_start3A_22] : memref<10240xf32, #tpu.memory_space<hbm>> -> memref<10240xf32, #tpu.memory_space<hbm>>
      tpu.enqueue_indirect_dma source(%dma_start3A_23 : memref<10240xf32, #tpu.memory_space<hbm>>) target(%arg11 : memref<128xf32, #tpu.memory_space<vmem>>) offsets(%dma_start3A_21 : memref<128xi32, #tpu.memory_space<vmem>>) semaphore(%arg31 : memref<!tpu.dma_semaphore, #tpu.memory_space<semaphore_mem>>)
      %dma_start3A_24 = arith.constant 2 : i32
      %dma_start3A_25 = arith.constant 0 : i32
      %dma_start3A_26 = tpu.memref_slice %arg8[%dma_start3A_24, %dma_start3A_25] : memref<160x128xi32, #tpu.memory_space<vmem>> -> memref<1x128xi32, #tpu.memory_space<vmem>>
      %dma_start3A_27 = tpu.memref_squeeze %dma_start3A_26 : memref<1x128xi32, #tpu.memory_space<vmem>> -> memref<128xi32, #tpu.memory_space<vmem>>
      %dma_start3A_28 = arith.constant 0 : i32
      %dma_start3A_29 = tpu.memref_slice %arg4[%dma_start3A_28] : memref<10240xf32, #tpu.memory_space<hbm>> -> memref<10240xf32, #tpu.memory_space<hbm>>
      tpu.enqueue_indirect_dma source(%dma_start3A_29 : memref<10240xf32, #tpu.memory_space<hbm>>) target(%arg12 : memref<128xf32, #tpu.memory_space<vmem>>) offsets(%dma_start3A_27 : memref<128xi32, #tpu.memory_space<vmem>>) semaphore(%arg31 : memref<!tpu.dma_semaphore, #tpu.memory_space<semaphore_mem>>)
      %dma_start3A_30 = arith.constant 3 : i32
      %dma_start3A_31 = arith.constant 0 : i32
      %dma_start3A_32 = tpu.memref_slice %arg8[%dma_start3A_30, %dma_start3A_31] : memref<160x128xi32, #tpu.memory_space<vmem>> -> memref<1x128xi32, #tpu.memory_space<vmem>>
      %dma_start3A_33 = tpu.memref_squeeze %dma_start3A_32 : memref<1x128xi32, #tpu.memory_space<vmem>> -> memref<128xi32, #tpu.memory_space<vmem>>
      %dma_start3A_34 = arith.constant 0 : i32
      %dma_start3A_35 = tpu.memref_slice %arg4[%dma_start3A_34] : memref<10240xf32, #tpu.memory_space<hbm>> -> memref<10240xf32, #tpu.memory_space<hbm>>
      tpu.enqueue_indirect_dma source(%dma_start3A_35 : memref<10240xf32, #tpu.memory_space<hbm>>) target(%arg13 : memref<128xf32, #tpu.memory_space<vmem>>) offsets(%dma_start3A_33 : memref<128xi32, #tpu.memory_space<vmem>>) semaphore(%arg31 : memref<!tpu.dma_semaphore, #tpu.memory_space<semaphore_mem>>)
      %dma_start3A_36 = arith.constant 4 : i32
      %dma_start3A_37 = arith.constant 0 : i32
      %dma_start3A_38 = tpu.memref_slice %arg8[%dma_start3A_36, %dma_start3A_37] : memref<160x128xi32, #tpu.memory_space<vmem>> -> memref<1x128xi32, #tpu.memory_space<vmem>>
      %dma_start3A_39 = tpu.memref_squeeze %dma_start3A_38 : memref<1x128xi32, #tpu.memory_space<vmem>> -> memref<128xi32, #tpu.memory_space<vmem>>
      %dma_start3A_40 = arith.constant 0 : i32
      %dma_start3A_41 = tpu.memref_slice %arg4[%dma_start3A_40] : memref<10240xf32, #tpu.memory_space<hbm>> -> memref<10240xf32, #tpu.memory_space<hbm>>
      tpu.enqueue_indirect_dma source(%dma_start3A_41 : memref<10240xf32, #tpu.memory_space<hbm>>) target(%arg14 : memref<128xf32, #tpu.memory_space<vmem>>) offsets(%dma_start3A_39 : memref<128xi32, #tpu.memory_space<vmem>>) semaphore(%arg31 : memref<!tpu.dma_semaphore, #tpu.memory_space<semaphore_mem>>)
      %dma_start3A_42 = arith.constant 5 : i32
      %dma_start3A_43 = arith.constant 0 : i32
      %dma_start3A_44 = tpu.memref_slice %arg8[%dma_start3A_42, %dma_start3A_43] : memref<160x128xi32, #tpu.memory_space<vmem>> -> memref<1x128xi32, #tpu.memory_space<vmem>>
      %dma_start3A_45 = tpu.memref_squeeze %dma_start3A_44 : memref<1x128xi32, #tpu.memory_space<vmem>> -> memref<128xi32, #tpu.memory_space<vmem>>
      %dma_start3A_46 = arith.constant 0 : i32
      %dma_start3A_47 = tpu.memref_slice %arg4[%dma_start3A_46] : memref<10240xf32, #tpu.memory_space<hbm>> -> memref<10240xf32, #tpu.memory_space<hbm>>
      tpu.enqueue_indirect_dma source(%dma_start3A_47 : memref<10240xf32, #tpu.memory_space<hbm>>) target(%arg15 : memref<128xf32, #tpu.memory_space<vmem>>) offsets(%dma_start3A_45 : memref<128xi32, #tpu.memory_space<vmem>>) semaphore(%arg31 : memref<!tpu.dma_semaphore, #tpu.memory_space<semaphore_mem>>)
      %dma_start3A_48 = arith.constant 6 : i32
      %dma_start3A_49 = arith.constant 0 : i32
      %dma_start3A_50 = tpu.memref_slice %arg8[%dma_start3A_48, %dma_start3A_49] : memref<160x128xi32, #tpu.memory_space<vmem>> -> memref<1x128xi32, #tpu.memory_space<vmem>>
      %dma_start3A_51 = tpu.memref_squeeze %dma_start3A_50 : memref<1x128xi32, #tpu.memory_space<vmem>> -> memref<128xi32, #tpu.memory_space<vmem>>
      %dma_start3A_52 = arith.constant 0 : i32
      %dma_start3A_53 = tpu.memref_slice %arg4[%dma_start3A_52] : memref<10240xf32, #tpu.memory_space<hbm>> -> memref<10240xf32, #tpu.memory_space<hbm>>
      tpu.enqueue_indirect_dma source(%dma_start3A_53 : memref<10240xf32, #tpu.memory_space<hbm>>) target(%arg16 : memref<128xf32, #tpu.memory_space<vmem>>) offsets(%dma_start3A_51 : memref<128xi32, #tpu.memory_space<vmem>>) semaphore(%arg31 : memref<!tpu.dma_semaphore, #tpu.memory_space<semaphore_mem>>)
      %dma_start3A_54 = arith.constant 7 : i32
      %dma_start3A_55 = arith.constant 0 : i32
      %dma_start3A_56 = tpu.memref_slice %arg8[%dma_start3A_54, %dma_start3A_55] : memref<160x128xi32, #tpu.memory_space<vmem>> -> memref<1x128xi32, #tpu.memory_space<vmem>>
      %dma_start3A_57 = tpu.memref_squeeze %dma_start3A_56 : memref<1x128xi32, #tpu.memory_space<vmem>> -> memref<128xi32, #tpu.memory_space<vmem>>
      %dma_start3A_58 = arith.constant 0 : i32
      %dma_start3A_59 = tpu.memref_slice %arg4[%dma_start3A_58] : memref<10240xf32, #tpu.memory_space<hbm>> -> memref<10240xf32, #tpu.memory_space<hbm>>
      tpu.enqueue_indirect_dma source(%dma_start3A_59 : memref<10240xf32, #tpu.memory_space<hbm>>) target(%arg17 : memref<128xf32, #tpu.memory_space<vmem>>) offsets(%dma_start3A_57 : memref<128xi32, #tpu.memory_space<vmem>>) semaphore(%arg31 : memref<!tpu.dma_semaphore, #tpu.memory_space<semaphore_mem>>)
      %dma_start3A_60 = arith.constant 8 : i32
      %dma_start3A_61 = arith.constant 0 : i32
      %dma_start3A_62 = tpu.memref_slice %arg8[%dma_start3A_60, %dma_start3A_61] : memref<160x128xi32, #tpu.memory_space<vmem>> -> memref<1x128xi32, #tpu.memory_space<vmem>>
      %dma_start3A_63 = tpu.memref_squeeze %dma_start3A_62 : memref<1x128xi32, #tpu.memory_space<vmem>> -> memref<128xi32, #tpu.memory_space<vmem>>
      %dma_start3A_64 = arith.constant 0 : i32
      %dma_start3A_65 = tpu.memref_slice %arg4[%dma_start3A_64] : memref<10240xf32, #tpu.memory_space<hbm>> -> memref<10240xf32, #tpu.memory_space<hbm>>
      tpu.enqueue_indirect_dma source(%dma_start3A_65 : memref<10240xf32, #tpu.memory_space<hbm>>) target(%arg18 : memref<128xf32, #tpu.memory_space<vmem>>) offsets(%dma_start3A_63 : memref<128xi32, #tpu.memory_space<vmem>>) semaphore(%arg31 : memref<!tpu.dma_semaphore, #tpu.memory_space<semaphore_mem>>)
      %dma_start3A_66 = arith.constant 9 : i32
      %dma_start3A_67 = arith.constant 0 : i32
      %dma_start3A_68 = tpu.memref_slice %arg8[%dma_start3A_66, %dma_start3A_67] : memref<160x128xi32, #tpu.memory_space<vmem>> -> memref<1x128xi32, #tpu.memory_space<vmem>>
      %dma_start3A_69 = tpu.memref_squeeze %dma_start3A_68 : memref<1x128xi32, #tpu.memory_space<vmem>> -> memref<128xi32, #tpu.memory_space<vmem>>
      %dma_start3A_70 = arith.constant 0 : i32
      %dma_start3A_71 = tpu.memref_slice %arg4[%dma_start3A_70] : memref<10240xf32, #tpu.memory_space<hbm>> -> memref<10240xf32, #tpu.memory_space<hbm>>
      tpu.enqueue_indirect_dma source(%dma_start3A_71 : memref<10240xf32, #tpu.memory_space<hbm>>) target(%arg19 : memref<128xf32, #tpu.memory_space<vmem>>) offsets(%dma_start3A_69 : memref<128xi32, #tpu.memory_space<vmem>>) semaphore(%arg31 : memref<!tpu.dma_semaphore, #tpu.memory_space<semaphore_mem>>)
      %dma_start3A_72 = arith.constant 10 : i32
      %dma_start3A_73 = arith.constant 0 : i32
      %dma_start3A_74 = tpu.memref_slice %arg8[%dma_start3A_72, %dma_start3A_73] : memref<160x128xi32, #tpu.memory_space<vmem>> -> memref<1x128xi32, #tpu.memory_space<vmem>>
      %dma_start3A_75 = tpu.memref_squeeze %dma_start3A_74 : memref<1x128xi32, #tpu.memory_space<vmem>> -> memref<128xi32, #tpu.memory_space<vmem>>
      %dma_start3A_76 = arith.constant 0 : i32
      %dma_start3A_77 = tpu.memref_slice %arg4[%dma_start3A_76] : memref<10240xf32, #tpu.memory_space<hbm>> -> memref<10240xf32, #tpu.memory_space<hbm>>
      tpu.enqueue_indirect_dma source(%dma_start3A_77 : memref<10240xf32, #tpu.memory_space<hbm>>) target(%arg20 : memref<128xf32, #tpu.memory_space<vmem>>) offsets(%dma_start3A_75 : memref<128xi32, #tpu.memory_space<vmem>>) semaphore(%arg31 : memref<!tpu.dma_semaphore, #tpu.memory_space<semaphore_mem>>)
      %dma_start3A_78 = arith.constant 11 : i32
      %dma_start3A_79 = arith.constant 0 : i32
      %dma_start3A_80 = tpu.memref_slice %arg8[%dma_start3A_78, %dma_start3A_79] : memref<160x128xi32, #tpu.memory_space<vmem>> -> memref<1x128xi32, #tpu.memory_space<vmem>>
      %dma_start3A_81 = tpu.memref_squeeze %dma_start3A_80 : memref<1x128xi32, #tpu.memory_space<vmem>> -> memref<128xi32, #tpu.memory_space<vmem>>
      %dma_start3A_82 = arith.constant 0 : i32
      %dma_start3A_83 = tpu.memref_slice %arg4[%dma_start3A_82] : memref<10240xf32, #tpu.memory_space<hbm>> -> memref<10240xf32, #tpu.memory_space<hbm>>
      tpu.enqueue_indirect_dma source(%dma_start3A_83 : memref<10240xf32, #tpu.memory_space<hbm>>) target(%arg21 : memref<128xf32, #tpu.memory_space<vmem>>) offsets(%dma_start3A_81 : memref<128xi32, #tpu.memory_space<vmem>>) semaphore(%arg31 : memref<!tpu.dma_semaphore, #tpu.memory_space<semaphore_mem>>)
      %dma_start3A_84 = arith.constant 12 : i32
      %dma_start3A_85 = arith.constant 0 : i32
      %dma_start3A_86 = tpu.memref_slice %arg8[%dma_start3A_84, %dma_start3A_85] : memref<160x128xi32, #tpu.memory_space<vmem>> -> memref<1x128xi32, #tpu.memory_space<vmem>>
      %dma_start3A_87 = tpu.memref_squeeze %dma_start3A_86 : memref<1x128xi32, #tpu.memory_space<vmem>> -> memref<128xi32, #tpu.memory_space<vmem>>
      %dma_start3A_88 = arith.constant 0 : i32
      %dma_start3A_89 = tpu.memref_slice %arg4[%dma_start3A_88] : memref<10240xf32, #tpu.memory_space<hbm>> -> memref<10240xf32, #tpu.memory_space<hbm>>
      tpu.enqueue_indirect_dma source(%dma_start3A_89 : memref<10240xf32, #tpu.memory_space<hbm>>) target(%arg22 : memref<128xf32, #tpu.memory_space<vmem>>) offsets(%dma_start3A_87 : memref<128xi32, #tpu.memory_space<vmem>>) semaphore(%arg31 : memref<!tpu.dma_semaphore, #tpu.memory_space<semaphore_mem>>)
      %dma_start3A_90 = arith.constant 13 : i32
      %dma_start3A_91 = arith.constant 0 : i32
      %dma_start3A_92 = tpu.memref_slice %arg8[%dma_start3A_90, %dma_start3A_91] : memref<160x128xi32, #tpu.memory_space<vmem>> -> memref<1x128xi32, #tpu.memory_space<vmem>>
      %dma_start3A_93 = tpu.memref_squeeze %dma_start3A_92 : memref<1x128xi32, #tpu.memory_space<vmem>> -> memref<128xi32, #tpu.memory_space<vmem>>
      %dma_start3A_94 = arith.constant 0 : i32
      %dma_start3A_95 = tpu.memref_slice %arg4[%dma_start3A_94] : memref<10240xf32, #tpu.memory_space<hbm>> -> memref<10240xf32, #tpu.memory_space<hbm>>
      tpu.enqueue_indirect_dma source(%dma_start3A_95 : memref<10240xf32, #tpu.memory_space<hbm>>) target(%arg23 : memref<128xf32, #tpu.memory_space<vmem>>) offsets(%dma_start3A_93 : memref<128xi32, #tpu.memory_space<vmem>>) semaphore(%arg31 : memref<!tpu.dma_semaphore, #tpu.memory_space<semaphore_mem>>)
      %dma_start3A_96 = arith.constant 14 : i32
      %dma_start3A_97 = arith.constant 0 : i32
      %dma_start3A_98 = tpu.memref_slice %arg8[%dma_start3A_96, %dma_start3A_97] : memref<160x128xi32, #tpu.memory_space<vmem>> -> memref<1x128xi32, #tpu.memory_space<vmem>>
      %dma_start3A_99 = tpu.memref_squeeze %dma_start3A_98 : memref<1x128xi32, #tpu.memory_space<vmem>> -> memref<128xi32, #tpu.memory_space<vmem>>
      %dma_start3A_100 = arith.constant 0 : i32
      %dma_start3A_101 = tpu.memref_slice %arg4[%dma_start3A_100] : memref<10240xf32, #tpu.memory_space<hbm>> -> memref<10240xf32, #tpu.memory_space<hbm>>
      tpu.enqueue_indirect_dma source(%dma_start3A_101 : memref<10240xf32, #tpu.memory_space<hbm>>) target(%arg24 : memref<128xf32, #tpu.memory_space<vmem>>) offsets(%dma_start3A_99 : memref<128xi32, #tpu.memory_space<vmem>>) semaphore(%arg31 : memref<!tpu.dma_semaphore, #tpu.memory_space<semaphore_mem>>)
      %dma_start3A_102 = arith.constant 15 : i32
      %dma_start3A_103 = arith.constant 0 : i32
      %dma_start3A_104 = tpu.memref_slice %arg8[%dma_start3A_102, %dma_start3A_103] : memref<160x128xi32, #tpu.memory_space<vmem>> -> memref<1x128xi32, #tpu.memory_space<vmem>>
      %dma_start3A_105 = tpu.memref_squeeze %dma_start3A_104 : memref<1x128xi32, #tpu.memory_space<vmem>> -> memref<128xi32, #tpu.memory_space<vmem>>
      %dma_start3A_106 = arith.constant 0 : i32
      %dma_start3A_107 = tpu.memref_slice %arg4[%dma_start3A_106] : memref<10240xf32, #tpu.memory_space<hbm>> -> memref<10240xf32, #tpu.memory_space<hbm>>
      tpu.enqueue_indirect_dma source(%dma_start3A_107 : memref<10240xf32, #tpu.memory_space<hbm>>) target(%arg25 : memref<128xf32, #tpu.memory_space<vmem>>) offsets(%dma_start3A_105 : memref<128xi32, #tpu.memory_space<vmem>>) semaphore(%arg31 : memref<!tpu.dma_semaphore, #tpu.memory_space<semaphore_mem>>)
      %scan3A_108 = arith.constant 0 : i32
      %scan3A_109 = arith.constant 0 : i32
      %scan3A_110 = arith.constant 10 : i32
      %scan3A_111 = arith.addi %scan3A_109, %scan3A_110 : i32
      %scan3A_112 = arith.constant 1 : i32
      %scan3A_113 = scf.for %scan3A_123 = %scan3A_109 to %scan3A_111 step %scan3A_112 iter_args(%scan3A_124 = %scan3A_108) -> (i32)  : i32 {
        %mul3A_125 = arith.constant 16 : i32
        %mul3A_126 = arith.muli %scan3A_123, %mul3A_125 : i32
        %add3A = arith.constant 0 : i32
        %add3A_127 = arith.addi %mul3A_126, %add3A : i32
        %dma_wait3A = arith.constant 0 : i32
        %dma_wait3A_128 = tpu.memref_slice %arg8[%add3A_127, %dma_wait3A] : memref<160x128xi32, #tpu.memory_space<vmem>> -> memref<1x128xi32, #tpu.memory_space<vmem>>
        %dma_wait3A_129 = tpu.memref_squeeze %dma_wait3A_128 : memref<1x128xi32, #tpu.memory_space<vmem>> -> memref<128xi32, #tpu.memory_space<vmem>>
        %dma_wait3A_130 = arith.constant 0 : i32
        %dma_wait3A_131 = tpu.memref_slice %arg4[%dma_wait3A_130] : memref<10240xf32, #tpu.memory_space<hbm>> -> memref<10240xf32, #tpu.memory_space<hbm>>
        tpu.wait_indirect_dma semaphore(%arg31 : memref<!tpu.dma_semaphore, #tpu.memory_space<semaphore_mem>>) src(%dma_wait3A_131 : memref<10240xf32, #tpu.memory_space<hbm>>) dst(%arg10 : memref<128xf32, #tpu.memory_space<vmem>>)
        "tpu.region"() ({
          %run_scoped3A = tpu.sem_alloc : memref<!tpu.dma_semaphore, #tpu.memory_space<semaphore_mem>>
          %dma_start3A_347 = arith.constant 0 : i32
          %dma_start3A_348 = tpu.memref_slice %arg9[%add3A_127, %dma_start3A_347] : memref<160x128xi32, #tpu.memory_space<vmem>> -> memref<1x128xi32, #tpu.memory_space<vmem>>
          %dma_start3A_349 = tpu.memref_squeeze %dma_start3A_348 : memref<1x128xi32, #tpu.memory_space<vmem>> -> memref<128xi32, #tpu.memory_space<vmem>>
          %dma_start3A_350 = arith.constant 0 : i32
          %dma_start3A_351 = tpu.memref_slice %arg30[%dma_start3A_350] : memref<10240xf32, #tpu.memory_space<vmem_shared>> -> memref<10240xf32, #tpu.memory_space<vmem_shared>>
          tpu.enqueue_indirect_dma source(%arg10 : memref<128xf32, #tpu.memory_space<vmem>>) target(%dma_start3A_351 : memref<10240xf32, #tpu.memory_space<vmem_shared>>) offsets(%dma_start3A_349 : memref<128xi32, #tpu.memory_space<vmem>>) semaphore(%run_scoped3A : memref<!tpu.dma_semaphore, #tpu.memory_space<semaphore_mem>>) {add = true}
          %dma_wait3A_352 = arith.constant 0 : i32
          %dma_wait3A_353 = tpu.memref_slice %arg9[%add3A_127, %dma_wait3A_352] : memref<160x128xi32, #tpu.memory_space<vmem>> -> memref<1x128xi32, #tpu.memory_space<vmem>>
          %dma_wait3A_354 = tpu.memref_squeeze %dma_wait3A_353 : memref<1x128xi32, #tpu.memory_space<vmem>> -> memref<128xi32, #tpu.memory_space<vmem>>
          %dma_wait3A_355 = arith.constant 0 : i32
          %dma_wait3A_356 = tpu.memref_slice %arg30[%dma_wait3A_355] : memref<10240xf32, #tpu.memory_space<vmem_shared>> -> memref<10240xf32, #tpu.memory_space<vmem_shared>>
          tpu.wait_indirect_dma semaphore(%run_scoped3A : memref<!tpu.dma_semaphore, #tpu.memory_space<semaphore_mem>>) src(%arg10 : memref<128xf32, #tpu.memory_space<vmem>>) dst(%dma_wait3A_356 : memref<10240xf32, #tpu.memory_space<vmem_shared>>)
          tpu.yield
        }) : () -> ()
        %lt3A = arith.constant 9 : i32
        %lt3A_132 = arith.cmpi slt, %scan3A_123, %lt3A : i32
        %convert_element_type3A_133 = arith.extui %lt3A_132 : i1 to i32
        %cond3A_134 = arith.constant 0 : i32
        %cond3A_135 = arith.cmpi ne, %convert_element_type3A_133, %cond3A_134 : i32
        scf.if %cond3A_135 {
          %add3A_347 = arith.constant 16 : i32
          %add3A_348 = arith.addi %add3A_127, %add3A_347 : i32
          %dma_start3A_349 = arith.constant 0 : i32
          %dma_start3A_350 = tpu.memref_slice %arg8[%add3A_348, %dma_start3A_349] : memref<160x128xi32, #tpu.memory_space<vmem>> -> memref<1x128xi32, #tpu.memory_space<vmem>>
          %dma_start3A_351 = tpu.memref_squeeze %dma_start3A_350 : memref<1x128xi32, #tpu.memory_space<vmem>> -> memref<128xi32, #tpu.memory_space<vmem>>
          %dma_start3A_352 = arith.constant 0 : i32
          %dma_start3A_353 = tpu.memref_slice %arg4[%dma_start3A_352] : memref<10240xf32, #tpu.memory_space<hbm>> -> memref<10240xf32, #tpu.memory_space<hbm>>
          tpu.enqueue_indirect_dma source(%dma_start3A_353 : memref<10240xf32, #tpu.memory_space<hbm>>) target(%arg10 : memref<128xf32, #tpu.memory_space<vmem>>) offsets(%dma_start3A_351 : memref<128xi32, #tpu.memory_space<vmem>>) semaphore(%arg31 : memref<!tpu.dma_semaphore, #tpu.memory_space<semaphore_mem>>)
        } else {
        }
        %mul3A_136 = arith.constant 16 : i32
        %mul3A_137 = arith.muli %scan3A_123, %mul3A_136 : i32
        %add3A_138 = arith.constant 1 : i32
        %add3A_139 = arith.addi %mul3A_137, %add3A_138 : i32
        %dma_wait3A_140 = arith.constant 0 : i32
        %dma_wait3A_141 = tpu.memref_slice %arg8[%add3A_139, %dma_wait3A_140] : memref<160x128xi32, #tpu.memory_space<vmem>> -> memref<1x128xi32, #tpu.memory_space<vmem>>
        %dma_wait3A_142 = tpu.memref_squeeze %dma_wait3A_141 : memref<1x128xi32, #tpu.memory_space<vmem>> -> memref<128xi32, #tpu.memory_space<vmem>>
        %dma_wait3A_143 = arith.constant 0 : i32
        %dma_wait3A_144 = tpu.memref_slice %arg4[%dma_wait3A_143] : memref<10240xf32, #tpu.memory_space<hbm>> -> memref<10240xf32, #tpu.memory_space<hbm>>
        tpu.wait_indirect_dma semaphore(%arg31 : memref<!tpu.dma_semaphore, #tpu.memory_space<semaphore_mem>>) src(%dma_wait3A_144 : memref<10240xf32, #tpu.memory_space<hbm>>) dst(%arg11 : memref<128xf32, #tpu.memory_space<vmem>>)
        "tpu.region"() ({
          %run_scoped3A = tpu.sem_alloc : memref<!tpu.dma_semaphore, #tpu.memory_space<semaphore_mem>>
          %dma_start3A_347 = arith.constant 0 : i32
          %dma_start3A_348 = tpu.memref_slice %arg9[%add3A_139, %dma_start3A_347] : memref<160x128xi32, #tpu.memory_space<vmem>> -> memref<1x128xi32, #tpu.memory_space<vmem>>
          %dma_start3A_349 = tpu.memref_squeeze %dma_start3A_348 : memref<1x128xi32, #tpu.memory_space<vmem>> -> memref<128xi32, #tpu.memory_space<vmem>>
          %dma_start3A_350 = arith.constant 0 : i32
          %dma_start3A_351 = tpu.memref_slice %arg30[%dma_start3A_350] : memref<10240xf32, #tpu.memory_space<vmem_shared>> -> memref<10240xf32, #tpu.memory_space<vmem_shared>>
          tpu.enqueue_indirect_dma source(%arg11 : memref<128xf32, #tpu.memory_space<vmem>>) target(%dma_start3A_351 : memref<10240xf32, #tpu.memory_space<vmem_shared>>) offsets(%dma_start3A_349 : memref<128xi32, #tpu.memory_space<vmem>>) semaphore(%run_scoped3A : memref<!tpu.dma_semaphore, #tpu.memory_space<semaphore_mem>>) {add = true}
          %dma_wait3A_352 = arith.constant 0 : i32
          %dma_wait3A_353 = tpu.memref_slice %arg9[%add3A_139, %dma_wait3A_352] : memref<160x128xi32, #tpu.memory_space<vmem>> -> memref<1x128xi32, #tpu.memory_space<vmem>>
          %dma_wait3A_354 = tpu.memref_squeeze %dma_wait3A_353 : memref<1x128xi32, #tpu.memory_space<vmem>> -> memref<128xi32, #tpu.memory_space<vmem>>
          %dma_wait3A_355 = arith.constant 0 : i32
          %dma_wait3A_356 = tpu.memref_slice %arg30[%dma_wait3A_355] : memref<10240xf32, #tpu.memory_space<vmem_shared>> -> memref<10240xf32, #tpu.memory_space<vmem_shared>>
          tpu.wait_indirect_dma semaphore(%run_scoped3A : memref<!tpu.dma_semaphore, #tpu.memory_space<semaphore_mem>>) src(%arg11 : memref<128xf32, #tpu.memory_space<vmem>>) dst(%dma_wait3A_356 : memref<10240xf32, #tpu.memory_space<vmem_shared>>)
          tpu.yield
        }) : () -> ()
        %lt3A_145 = arith.constant 9 : i32
        %lt3A_146 = arith.cmpi slt, %scan3A_123, %lt3A_145 : i32
        %convert_element_type3A_147 = arith.extui %lt3A_146 : i1 to i32
        %cond3A_148 = arith.constant 0 : i32
        %cond3A_149 = arith.cmpi ne, %convert_element_type3A_147, %cond3A_148 : i32
        scf.if %cond3A_149 {
          %add3A_347 = arith.constant 16 : i32
          %add3A_348 = arith.addi %add3A_139, %add3A_347 : i32
          %dma_start3A_349 = arith.constant 0 : i32
          %dma_start3A_350 = tpu.memref_slice %arg8[%add3A_348, %dma_start3A_349] : memref<160x128xi32, #tpu.memory_space<vmem>> -> memref<1x128xi32, #tpu.memory_space<vmem>>
          %dma_start3A_351 = tpu.memref_squeeze %dma_start3A_350 : memref<1x128xi32, #tpu.memory_space<vmem>> -> memref<128xi32, #tpu.memory_space<vmem>>
          %dma_start3A_352 = arith.constant 0 : i32
          %dma_start3A_353 = tpu.memref_slice %arg4[%dma_start3A_352] : memref<10240xf32, #tpu.memory_space<hbm>> -> memref<10240xf32, #tpu.memory_space<hbm>>
          tpu.enqueue_indirect_dma source(%dma_start3A_353 : memref<10240xf32, #tpu.memory_space<hbm>>) target(%arg11 : memref<128xf32, #tpu.memory_space<vmem>>) offsets(%dma_start3A_351 : memref<128xi32, #tpu.memory_space<vmem>>) semaphore(%arg31 : memref<!tpu.dma_semaphore, #tpu.memory_space<semaphore_mem>>)
        } else {
        }
        %mul3A_150 = arith.constant 16 : i32
        %mul3A_151 = arith.muli %scan3A_123, %mul3A_150 : i32
        %add3A_152 = arith.constant 2 : i32
        %add3A_153 = arith.addi %mul3A_151, %add3A_152 : i32
        %dma_wait3A_154 = arith.constant 0 : i32
        %dma_wait3A_155 = tpu.memref_slice %arg8[%add3A_153, %dma_wait3A_154] : memref<160x128xi32, #tpu.memory_space<vmem>> -> memref<1x128xi32, #tpu.memory_space<vmem>>
        %dma_wait3A_156 = tpu.memref_squeeze %dma_wait3A_155 : memref<1x128xi32, #tpu.memory_space<vmem>> -> memref<128xi32, #tpu.memory_space<vmem>>
        %dma_wait3A_157 = arith.constant 0 : i32
        %dma_wait3A_158 = tpu.memref_slice %arg4[%dma_wait3A_157] : memref<10240xf32, #tpu.memory_space<hbm>> -> memref<10240xf32, #tpu.memory_space<hbm>>
        tpu.wait_indirect_dma semaphore(%arg31 : memref<!tpu.dma_semaphore, #tpu.memory_space<semaphore_mem>>) src(%dma_wait3A_158 : memref<10240xf32, #tpu.memory_space<hbm>>) dst(%arg12 : memref<128xf32, #tpu.memory_space<vmem>>)
        "tpu.region"() ({
          %run_scoped3A = tpu.sem_alloc : memref<!tpu.dma_semaphore, #tpu.memory_space<semaphore_mem>>
          %dma_start3A_347 = arith.constant 0 : i32
          %dma_start3A_348 = tpu.memref_slice %arg9[%add3A_153, %dma_start3A_347] : memref<160x128xi32, #tpu.memory_space<vmem>> -> memref<1x128xi32, #tpu.memory_space<vmem>>
          %dma_start3A_349 = tpu.memref_squeeze %dma_start3A_348 : memref<1x128xi32, #tpu.memory_space<vmem>> -> memref<128xi32, #tpu.memory_space<vmem>>
          %dma_start3A_350 = arith.constant 0 : i32
          %dma_start3A_351 = tpu.memref_slice %arg30[%dma_start3A_350] : memref<10240xf32, #tpu.memory_space<vmem_shared>> -> memref<10240xf32, #tpu.memory_space<vmem_shared>>
          tpu.enqueue_indirect_dma source(%arg12 : memref<128xf32, #tpu.memory_space<vmem>>) target(%dma_start3A_351 : memref<10240xf32, #tpu.memory_space<vmem_shared>>) offsets(%dma_start3A_349 : memref<128xi32, #tpu.memory_space<vmem>>) semaphore(%run_scoped3A : memref<!tpu.dma_semaphore, #tpu.memory_space<semaphore_mem>>) {add = true}
          %dma_wait3A_352 = arith.constant 0 : i32
          %dma_wait3A_353 = tpu.memref_slice %arg9[%add3A_153, %dma_wait3A_352] : memref<160x128xi32, #tpu.memory_space<vmem>> -> memref<1x128xi32, #tpu.memory_space<vmem>>
          %dma_wait3A_354 = tpu.memref_squeeze %dma_wait3A_353 : memref<1x128xi32, #tpu.memory_space<vmem>> -> memref<128xi32, #tpu.memory_space<vmem>>
          %dma_wait3A_355 = arith.constant 0 : i32
          %dma_wait3A_356 = tpu.memref_slice %arg30[%dma_wait3A_355] : memref<10240xf32, #tpu.memory_space<vmem_shared>> -> memref<10240xf32, #tpu.memory_space<vmem_shared>>
          tpu.wait_indirect_dma semaphore(%run_scoped3A : memref<!tpu.dma_semaphore, #tpu.memory_space<semaphore_mem>>) src(%arg12 : memref<128xf32, #tpu.memory_space<vmem>>) dst(%dma_wait3A_356 : memref<10240xf32, #tpu.memory_space<vmem_shared>>)
          tpu.yield
        }) : () -> ()
        %lt3A_159 = arith.constant 9 : i32
        %lt3A_160 = arith.cmpi slt, %scan3A_123, %lt3A_159 : i32
        %convert_element_type3A_161 = arith.extui %lt3A_160 : i1 to i32
        %cond3A_162 = arith.constant 0 : i32
        %cond3A_163 = arith.cmpi ne, %convert_element_type3A_161, %cond3A_162 : i32
        scf.if %cond3A_163 {
          %add3A_347 = arith.constant 16 : i32
          %add3A_348 = arith.addi %add3A_153, %add3A_347 : i32
          %dma_start3A_349 = arith.constant 0 : i32
          %dma_start3A_350 = tpu.memref_slice %arg8[%add3A_348, %dma_start3A_349] : memref<160x128xi32, #tpu.memory_space<vmem>> -> memref<1x128xi32, #tpu.memory_space<vmem>>
          %dma_start3A_351 = tpu.memref_squeeze %dma_start3A_350 : memref<1x128xi32, #tpu.memory_space<vmem>> -> memref<128xi32, #tpu.memory_space<vmem>>
          %dma_start3A_352 = arith.constant 0 : i32
          %dma_start3A_353 = tpu.memref_slice %arg4[%dma_start3A_352] : memref<10240xf32, #tpu.memory_space<hbm>> -> memref<10240xf32, #tpu.memory_space<hbm>>
          tpu.enqueue_indirect_dma source(%dma_start3A_353 : memref<10240xf32, #tpu.memory_space<hbm>>) target(%arg12 : memref<128xf32, #tpu.memory_space<vmem>>) offsets(%dma_start3A_351 : memref<128xi32, #tpu.memory_space<vmem>>) semaphore(%arg31 : memref<!tpu.dma_semaphore, #tpu.memory_space<semaphore_mem>>)
        } else {
        }
        %mul3A_164 = arith.constant 16 : i32
        %mul3A_165 = arith.muli %scan3A_123, %mul3A_164 : i32
        %add3A_166 = arith.constant 3 : i32
        %add3A_167 = arith.addi %mul3A_165, %add3A_166 : i32
        %dma_wait3A_168 = arith.constant 0 : i32
        %dma_wait3A_169 = tpu.memref_slice %arg8[%add3A_167, %dma_wait3A_168] : memref<160x128xi32, #tpu.memory_space<vmem>> -> memref<1x128xi32, #tpu.memory_space<vmem>>
        %dma_wait3A_170 = tpu.memref_squeeze %dma_wait3A_169 : memref<1x128xi32, #tpu.memory_space<vmem>> -> memref<128xi32, #tpu.memory_space<vmem>>
        %dma_wait3A_171 = arith.constant 0 : i32
        %dma_wait3A_172 = tpu.memref_slice %arg4[%dma_wait3A_171] : memref<10240xf32, #tpu.memory_space<hbm>> -> memref<10240xf32, #tpu.memory_space<hbm>>
        tpu.wait_indirect_dma semaphore(%arg31 : memref<!tpu.dma_semaphore, #tpu.memory_space<semaphore_mem>>) src(%dma_wait3A_172 : memref<10240xf32, #tpu.memory_space<hbm>>) dst(%arg13 : memref<128xf32, #tpu.memory_space<vmem>>)
        "tpu.region"() ({
          %run_scoped3A = tpu.sem_alloc : memref<!tpu.dma_semaphore, #tpu.memory_space<semaphore_mem>>
          %dma_start3A_347 = arith.constant 0 : i32
          %dma_start3A_348 = tpu.memref_slice %arg9[%add3A_167, %dma_start3A_347] : memref<160x128xi32, #tpu.memory_space<vmem>> -> memref<1x128xi32, #tpu.memory_space<vmem>>
          %dma_start3A_349 = tpu.memref_squeeze %dma_start3A_348 : memref<1x128xi32, #tpu.memory_space<vmem>> -> memref<128xi32, #tpu.memory_space<vmem>>
          %dma_start3A_350 = arith.constant 0 : i32
          %dma_start3A_351 = tpu.memref_slice %arg30[%dma_start3A_350] : memref<10240xf32, #tpu.memory_space<vmem_shared>> -> memref<10240xf32, #tpu.memory_space<vmem_shared>>
          tpu.enqueue_indirect_dma source(%arg13 : memref<128xf32, #tpu.memory_space<vmem>>) target(%dma_start3A_351 : memref<10240xf32, #tpu.memory_space<vmem_shared>>) offsets(%dma_start3A_349 : memref<128xi32, #tpu.memory_space<vmem>>) semaphore(%run_scoped3A : memref<!tpu.dma_semaphore, #tpu.memory_space<semaphore_mem>>) {add = true}
          %dma_wait3A_352 = arith.constant 0 : i32
          %dma_wait3A_353 = tpu.memref_slice %arg9[%add3A_167, %dma_wait3A_352] : memref<160x128xi32, #tpu.memory_space<vmem>> -> memref<1x128xi32, #tpu.memory_space<vmem>>
          %dma_wait3A_354 = tpu.memref_squeeze %dma_wait3A_353 : memref<1x128xi32, #tpu.memory_space<vmem>> -> memref<128xi32, #tpu.memory_space<vmem>>
          %dma_wait3A_355 = arith.constant 0 : i32
          %dma_wait3A_356 = tpu.memref_slice %arg30[%dma_wait3A_355] : memref<10240xf32, #tpu.memory_space<vmem_shared>> -> memref<10240xf32, #tpu.memory_space<vmem_shared>>
          tpu.wait_indirect_dma semaphore(%run_scoped3A : memref<!tpu.dma_semaphore, #tpu.memory_space<semaphore_mem>>) src(%arg13 : memref<128xf32, #tpu.memory_space<vmem>>) dst(%dma_wait3A_356 : memref<10240xf32, #tpu.memory_space<vmem_shared>>)
          tpu.yield
        }) : () -> ()
        %lt3A_173 = arith.constant 9 : i32
        %lt3A_174 = arith.cmpi slt, %scan3A_123, %lt3A_173 : i32
        %convert_element_type3A_175 = arith.extui %lt3A_174 : i1 to i32
        %cond3A_176 = arith.constant 0 : i32
        %cond3A_177 = arith.cmpi ne, %convert_element_type3A_175, %cond3A_176 : i32
        scf.if %cond3A_177 {
          %add3A_347 = arith.constant 16 : i32
          %add3A_348 = arith.addi %add3A_167, %add3A_347 : i32
          %dma_start3A_349 = arith.constant 0 : i32
          %dma_start3A_350 = tpu.memref_slice %arg8[%add3A_348, %dma_start3A_349] : memref<160x128xi32, #tpu.memory_space<vmem>> -> memref<1x128xi32, #tpu.memory_space<vmem>>
          %dma_start3A_351 = tpu.memref_squeeze %dma_start3A_350 : memref<1x128xi32, #tpu.memory_space<vmem>> -> memref<128xi32, #tpu.memory_space<vmem>>
          %dma_start3A_352 = arith.constant 0 : i32
          %dma_start3A_353 = tpu.memref_slice %arg4[%dma_start3A_352] : memref<10240xf32, #tpu.memory_space<hbm>> -> memref<10240xf32, #tpu.memory_space<hbm>>
          tpu.enqueue_indirect_dma source(%dma_start3A_353 : memref<10240xf32, #tpu.memory_space<hbm>>) target(%arg13 : memref<128xf32, #tpu.memory_space<vmem>>) offsets(%dma_start3A_351 : memref<128xi32, #tpu.memory_space<vmem>>) semaphore(%arg31 : memref<!tpu.dma_semaphore, #tpu.memory_space<semaphore_mem>>)
        } else {
        }
        %mul3A_178 = arith.constant 16 : i32
        %mul3A_179 = arith.muli %scan3A_123, %mul3A_178 : i32
        %add3A_180 = arith.constant 4 : i32
        %add3A_181 = arith.addi %mul3A_179, %add3A_180 : i32
        %dma_wait3A_182 = arith.constant 0 : i32
        %dma_wait3A_183 = tpu.memref_slice %arg8[%add3A_181, %dma_wait3A_182] : memref<160x128xi32, #tpu.memory_space<vmem>> -> memref<1x128xi32, #tpu.memory_space<vmem>>
        %dma_wait3A_184 = tpu.memref_squeeze %dma_wait3A_183 : memref<1x128xi32, #tpu.memory_space<vmem>> -> memref<128xi32, #tpu.memory_space<vmem>>
        %dma_wait3A_185 = arith.constant 0 : i32
        %dma_wait3A_186 = tpu.memref_slice %arg4[%dma_wait3A_185] : memref<10240xf32, #tpu.memory_space<hbm>> -> memref<10240xf32, #tpu.memory_space<hbm>>
        tpu.wait_indirect_dma semaphore(%arg31 : memref<!tpu.dma_semaphore, #tpu.memory_space<semaphore_mem>>) src(%dma_wait3A_186 : memref<10240xf32, #tpu.memory_space<hbm>>) dst(%arg14 : memref<128xf32, #tpu.memory_space<vmem>>)
        "tpu.region"() ({
          %run_scoped3A = tpu.sem_alloc : memref<!tpu.dma_semaphore, #tpu.memory_space<semaphore_mem>>
          %dma_start3A_347 = arith.constant 0 : i32
          %dma_start3A_348 = tpu.memref_slice %arg9[%add3A_181, %dma_start3A_347] : memref<160x128xi32, #tpu.memory_space<vmem>> -> memref<1x128xi32, #tpu.memory_space<vmem>>
          %dma_start3A_349 = tpu.memref_squeeze %dma_start3A_348 : memref<1x128xi32, #tpu.memory_space<vmem>> -> memref<128xi32, #tpu.memory_space<vmem>>
          %dma_start3A_350 = arith.constant 0 : i32
          %dma_start3A_351 = tpu.memref_slice %arg30[%dma_start3A_350] : memref<10240xf32, #tpu.memory_space<vmem_shared>> -> memref<10240xf32, #tpu.memory_space<vmem_shared>>
          tpu.enqueue_indirect_dma source(%arg14 : memref<128xf32, #tpu.memory_space<vmem>>) target(%dma_start3A_351 : memref<10240xf32, #tpu.memory_space<vmem_shared>>) offsets(%dma_start3A_349 : memref<128xi32, #tpu.memory_space<vmem>>) semaphore(%run_scoped3A : memref<!tpu.dma_semaphore, #tpu.memory_space<semaphore_mem>>) {add = true}
          %dma_wait3A_352 = arith.constant 0 : i32
          %dma_wait3A_353 = tpu.memref_slice %arg9[%add3A_181, %dma_wait3A_352] : memref<160x128xi32, #tpu.memory_space<vmem>> -> memref<1x128xi32, #tpu.memory_space<vmem>>
          %dma_wait3A_354 = tpu.memref_squeeze %dma_wait3A_353 : memref<1x128xi32, #tpu.memory_space<vmem>> -> memref<128xi32, #tpu.memory_space<vmem>>
          %dma_wait3A_355 = arith.constant 0 : i32
          %dma_wait3A_356 = tpu.memref_slice %arg30[%dma_wait3A_355] : memref<10240xf32, #tpu.memory_space<vmem_shared>> -> memref<10240xf32, #tpu.memory_space<vmem_shared>>
          tpu.wait_indirect_dma semaphore(%run_scoped3A : memref<!tpu.dma_semaphore, #tpu.memory_space<semaphore_mem>>) src(%arg14 : memref<128xf32, #tpu.memory_space<vmem>>) dst(%dma_wait3A_356 : memref<10240xf32, #tpu.memory_space<vmem_shared>>)
          tpu.yield
        }) : () -> ()
        %lt3A_187 = arith.constant 9 : i32
        %lt3A_188 = arith.cmpi slt, %scan3A_123, %lt3A_187 : i32
        %convert_element_type3A_189 = arith.extui %lt3A_188 : i1 to i32
        %cond3A_190 = arith.constant 0 : i32
        %cond3A_191 = arith.cmpi ne, %convert_element_type3A_189, %cond3A_190 : i32
        scf.if %cond3A_191 {
          %add3A_347 = arith.constant 16 : i32
          %add3A_348 = arith.addi %add3A_181, %add3A_347 : i32
          %dma_start3A_349 = arith.constant 0 : i32
          %dma_start3A_350 = tpu.memref_slice %arg8[%add3A_348, %dma_start3A_349] : memref<160x128xi32, #tpu.memory_space<vmem>> -> memref<1x128xi32, #tpu.memory_space<vmem>>
          %dma_start3A_351 = tpu.memref_squeeze %dma_start3A_350 : memref<1x128xi32, #tpu.memory_space<vmem>> -> memref<128xi32, #tpu.memory_space<vmem>>
          %dma_start3A_352 = arith.constant 0 : i32
          %dma_start3A_353 = tpu.memref_slice %arg4[%dma_start3A_352] : memref<10240xf32, #tpu.memory_space<hbm>> -> memref<10240xf32, #tpu.memory_space<hbm>>
          tpu.enqueue_indirect_dma source(%dma_start3A_353 : memref<10240xf32, #tpu.memory_space<hbm>>) target(%arg14 : memref<128xf32, #tpu.memory_space<vmem>>) offsets(%dma_start3A_351 : memref<128xi32, #tpu.memory_space<vmem>>) semaphore(%arg31 : memref<!tpu.dma_semaphore, #tpu.memory_space<semaphore_mem>>)
        } else {
        }
        %mul3A_192 = arith.constant 16 : i32
        %mul3A_193 = arith.muli %scan3A_123, %mul3A_192 : i32
        %add3A_194 = arith.constant 5 : i32
        %add3A_195 = arith.addi %mul3A_193, %add3A_194 : i32
        %dma_wait3A_196 = arith.constant 0 : i32
        %dma_wait3A_197 = tpu.memref_slice %arg8[%add3A_195, %dma_wait3A_196] : memref<160x128xi32, #tpu.memory_space<vmem>> -> memref<1x128xi32, #tpu.memory_space<vmem>>
        %dma_wait3A_198 = tpu.memref_squeeze %dma_wait3A_197 : memref<1x128xi32, #tpu.memory_space<vmem>> -> memref<128xi32, #tpu.memory_space<vmem>>
        %dma_wait3A_199 = arith.constant 0 : i32
        %dma_wait3A_200 = tpu.memref_slice %arg4[%dma_wait3A_199] : memref<10240xf32, #tpu.memory_space<hbm>> -> memref<10240xf32, #tpu.memory_space<hbm>>
        tpu.wait_indirect_dma semaphore(%arg31 : memref<!tpu.dma_semaphore, #tpu.memory_space<semaphore_mem>>) src(%dma_wait3A_200 : memref<10240xf32, #tpu.memory_space<hbm>>) dst(%arg15 : memref<128xf32, #tpu.memory_space<vmem>>)
        "tpu.region"() ({
          %run_scoped3A = tpu.sem_alloc : memref<!tpu.dma_semaphore, #tpu.memory_space<semaphore_mem>>
          %dma_start3A_347 = arith.constant 0 : i32
          %dma_start3A_348 = tpu.memref_slice %arg9[%add3A_195, %dma_start3A_347] : memref<160x128xi32, #tpu.memory_space<vmem>> -> memref<1x128xi32, #tpu.memory_space<vmem>>
          %dma_start3A_349 = tpu.memref_squeeze %dma_start3A_348 : memref<1x128xi32, #tpu.memory_space<vmem>> -> memref<128xi32, #tpu.memory_space<vmem>>
          %dma_start3A_350 = arith.constant 0 : i32
          %dma_start3A_351 = tpu.memref_slice %arg30[%dma_start3A_350] : memref<10240xf32, #tpu.memory_space<vmem_shared>> -> memref<10240xf32, #tpu.memory_space<vmem_shared>>
          tpu.enqueue_indirect_dma source(%arg15 : memref<128xf32, #tpu.memory_space<vmem>>) target(%dma_start3A_351 : memref<10240xf32, #tpu.memory_space<vmem_shared>>) offsets(%dma_start3A_349 : memref<128xi32, #tpu.memory_space<vmem>>) semaphore(%run_scoped3A : memref<!tpu.dma_semaphore, #tpu.memory_space<semaphore_mem>>) {add = true}
          %dma_wait3A_352 = arith.constant 0 : i32
          %dma_wait3A_353 = tpu.memref_slice %arg9[%add3A_195, %dma_wait3A_352] : memref<160x128xi32, #tpu.memory_space<vmem>> -> memref<1x128xi32, #tpu.memory_space<vmem>>
          %dma_wait3A_354 = tpu.memref_squeeze %dma_wait3A_353 : memref<1x128xi32, #tpu.memory_space<vmem>> -> memref<128xi32, #tpu.memory_space<vmem>>
          %dma_wait3A_355 = arith.constant 0 : i32
          %dma_wait3A_356 = tpu.memref_slice %arg30[%dma_wait3A_355] : memref<10240xf32, #tpu.memory_space<vmem_shared>> -> memref<10240xf32, #tpu.memory_space<vmem_shared>>
          tpu.wait_indirect_dma semaphore(%run_scoped3A : memref<!tpu.dma_semaphore, #tpu.memory_space<semaphore_mem>>) src(%arg15 : memref<128xf32, #tpu.memory_space<vmem>>) dst(%dma_wait3A_356 : memref<10240xf32, #tpu.memory_space<vmem_shared>>)
          tpu.yield
        }) : () -> ()
        %lt3A_201 = arith.constant 9 : i32
        %lt3A_202 = arith.cmpi slt, %scan3A_123, %lt3A_201 : i32
        %convert_element_type3A_203 = arith.extui %lt3A_202 : i1 to i32
        %cond3A_204 = arith.constant 0 : i32
        %cond3A_205 = arith.cmpi ne, %convert_element_type3A_203, %cond3A_204 : i32
        scf.if %cond3A_205 {
          %add3A_347 = arith.constant 16 : i32
          %add3A_348 = arith.addi %add3A_195, %add3A_347 : i32
          %dma_start3A_349 = arith.constant 0 : i32
          %dma_start3A_350 = tpu.memref_slice %arg8[%add3A_348, %dma_start3A_349] : memref<160x128xi32, #tpu.memory_space<vmem>> -> memref<1x128xi32, #tpu.memory_space<vmem>>
          %dma_start3A_351 = tpu.memref_squeeze %dma_start3A_350 : memref<1x128xi32, #tpu.memory_space<vmem>> -> memref<128xi32, #tpu.memory_space<vmem>>
          %dma_start3A_352 = arith.constant 0 : i32
          %dma_start3A_353 = tpu.memref_slice %arg4[%dma_start3A_352] : memref<10240xf32, #tpu.memory_space<hbm>> -> memref<10240xf32, #tpu.memory_space<hbm>>
          tpu.enqueue_indirect_dma source(%dma_start3A_353 : memref<10240xf32, #tpu.memory_space<hbm>>) target(%arg15 : memref<128xf32, #tpu.memory_space<vmem>>) offsets(%dma_start3A_351 : memref<128xi32, #tpu.memory_space<vmem>>) semaphore(%arg31 : memref<!tpu.dma_semaphore, #tpu.memory_space<semaphore_mem>>)
        } else {
        }
        %mul3A_206 = arith.constant 16 : i32
        %mul3A_207 = arith.muli %scan3A_123, %mul3A_206 : i32
        %add3A_208 = arith.constant 6 : i32
        %add3A_209 = arith.addi %mul3A_207, %add3A_208 : i32
        %dma_wait3A_210 = arith.constant 0 : i32
        %dma_wait3A_211 = tpu.memref_slice %arg8[%add3A_209, %dma_wait3A_210] : memref<160x128xi32, #tpu.memory_space<vmem>> -> memref<1x128xi32, #tpu.memory_space<vmem>>
        %dma_wait3A_212 = tpu.memref_squeeze %dma_wait3A_211 : memref<1x128xi32, #tpu.memory_space<vmem>> -> memref<128xi32, #tpu.memory_space<vmem>>
        %dma_wait3A_213 = arith.constant 0 : i32
        %dma_wait3A_214 = tpu.memref_slice %arg4[%dma_wait3A_213] : memref<10240xf32, #tpu.memory_space<hbm>> -> memref<10240xf32, #tpu.memory_space<hbm>>
        tpu.wait_indirect_dma semaphore(%arg31 : memref<!tpu.dma_semaphore, #tpu.memory_space<semaphore_mem>>) src(%dma_wait3A_214 : memref<10240xf32, #tpu.memory_space<hbm>>) dst(%arg16 : memref<128xf32, #tpu.memory_space<vmem>>)
        "tpu.region"() ({
          %run_scoped3A = tpu.sem_alloc : memref<!tpu.dma_semaphore, #tpu.memory_space<semaphore_mem>>
          %dma_start3A_347 = arith.constant 0 : i32
          %dma_start3A_348 = tpu.memref_slice %arg9[%add3A_209, %dma_start3A_347] : memref<160x128xi32, #tpu.memory_space<vmem>> -> memref<1x128xi32, #tpu.memory_space<vmem>>
          %dma_start3A_349 = tpu.memref_squeeze %dma_start3A_348 : memref<1x128xi32, #tpu.memory_space<vmem>> -> memref<128xi32, #tpu.memory_space<vmem>>
          %dma_start3A_350 = arith.constant 0 : i32
          %dma_start3A_351 = tpu.memref_slice %arg30[%dma_start3A_350] : memref<10240xf32, #tpu.memory_space<vmem_shared>> -> memref<10240xf32, #tpu.memory_space<vmem_shared>>
          tpu.enqueue_indirect_dma source(%arg16 : memref<128xf32, #tpu.memory_space<vmem>>) target(%dma_start3A_351 : memref<10240xf32, #tpu.memory_space<vmem_shared>>) offsets(%dma_start3A_349 : memref<128xi32, #tpu.memory_space<vmem>>) semaphore(%run_scoped3A : memref<!tpu.dma_semaphore, #tpu.memory_space<semaphore_mem>>) {add = true}
          %dma_wait3A_352 = arith.constant 0 : i32
          %dma_wait3A_353 = tpu.memref_slice %arg9[%add3A_209, %dma_wait3A_352] : memref<160x128xi32, #tpu.memory_space<vmem>> -> memref<1x128xi32, #tpu.memory_space<vmem>>
          %dma_wait3A_354 = tpu.memref_squeeze %dma_wait3A_353 : memref<1x128xi32, #tpu.memory_space<vmem>> -> memref<128xi32, #tpu.memory_space<vmem>>
          %dma_wait3A_355 = arith.constant 0 : i32
          %dma_wait3A_356 = tpu.memref_slice %arg30[%dma_wait3A_355] : memref<10240xf32, #tpu.memory_space<vmem_shared>> -> memref<10240xf32, #tpu.memory_space<vmem_shared>>
          tpu.wait_indirect_dma semaphore(%run_scoped3A : memref<!tpu.dma_semaphore, #tpu.memory_space<semaphore_mem>>) src(%arg16 : memref<128xf32, #tpu.memory_space<vmem>>) dst(%dma_wait3A_356 : memref<10240xf32, #tpu.memory_space<vmem_shared>>)
          tpu.yield
        }) : () -> ()
        %lt3A_215 = arith.constant 9 : i32
        %lt3A_216 = arith.cmpi slt, %scan3A_123, %lt3A_215 : i32
        %convert_element_type3A_217 = arith.extui %lt3A_216 : i1 to i32
        %cond3A_218 = arith.constant 0 : i32
        %cond3A_219 = arith.cmpi ne, %convert_element_type3A_217, %cond3A_218 : i32
        scf.if %cond3A_219 {
          %add3A_347 = arith.constant 16 : i32
          %add3A_348 = arith.addi %add3A_209, %add3A_347 : i32
          %dma_start3A_349 = arith.constant 0 : i32
          %dma_start3A_350 = tpu.memref_slice %arg8[%add3A_348, %dma_start3A_349] : memref<160x128xi32, #tpu.memory_space<vmem>> -> memref<1x128xi32, #tpu.memory_space<vmem>>
          %dma_start3A_351 = tpu.memref_squeeze %dma_start3A_350 : memref<1x128xi32, #tpu.memory_space<vmem>> -> memref<128xi32, #tpu.memory_space<vmem>>
          %dma_start3A_352 = arith.constant 0 : i32
          %dma_start3A_353 = tpu.memref_slice %arg4[%dma_start3A_352] : memref<10240xf32, #tpu.memory_space<hbm>> -> memref<10240xf32, #tpu.memory_space<hbm>>
          tpu.enqueue_indirect_dma source(%dma_start3A_353 : memref<10240xf32, #tpu.memory_space<hbm>>) target(%arg16 : memref<128xf32, #tpu.memory_space<vmem>>) offsets(%dma_start3A_351 : memref<128xi32, #tpu.memory_space<vmem>>) semaphore(%arg31 : memref<!tpu.dma_semaphore, #tpu.memory_space<semaphore_mem>>)
        } else {
        }
        %mul3A_220 = arith.constant 16 : i32
        %mul3A_221 = arith.muli %scan3A_123, %mul3A_220 : i32
        %add3A_222 = arith.constant 7 : i32
        %add3A_223 = arith.addi %mul3A_221, %add3A_222 : i32
        %dma_wait3A_224 = arith.constant 0 : i32
        %dma_wait3A_225 = tpu.memref_slice %arg8[%add3A_223, %dma_wait3A_224] : memref<160x128xi32, #tpu.memory_space<vmem>> -> memref<1x128xi32, #tpu.memory_space<vmem>>
        %dma_wait3A_226 = tpu.memref_squeeze %dma_wait3A_225 : memref<1x128xi32, #tpu.memory_space<vmem>> -> memref<128xi32, #tpu.memory_space<vmem>>
        %dma_wait3A_227 = arith.constant 0 : i32
        %dma_wait3A_228 = tpu.memref_slice %arg4[%dma_wait3A_227] : memref<10240xf32, #tpu.memory_space<hbm>> -> memref<10240xf32, #tpu.memory_space<hbm>>
        tpu.wait_indirect_dma semaphore(%arg31 : memref<!tpu.dma_semaphore, #tpu.memory_space<semaphore_mem>>) src(%dma_wait3A_228 : memref<10240xf32, #tpu.memory_space<hbm>>) dst(%arg17 : memref<128xf32, #tpu.memory_space<vmem>>)
        "tpu.region"() ({
          %run_scoped3A = tpu.sem_alloc : memref<!tpu.dma_semaphore, #tpu.memory_space<semaphore_mem>>
          %dma_start3A_347 = arith.constant 0 : i32
          %dma_start3A_348 = tpu.memref_slice %arg9[%add3A_223, %dma_start3A_347] : memref<160x128xi32, #tpu.memory_space<vmem>> -> memref<1x128xi32, #tpu.memory_space<vmem>>
          %dma_start3A_349 = tpu.memref_squeeze %dma_start3A_348 : memref<1x128xi32, #tpu.memory_space<vmem>> -> memref<128xi32, #tpu.memory_space<vmem>>
          %dma_start3A_350 = arith.constant 0 : i32
          %dma_start3A_351 = tpu.memref_slice %arg30[%dma_start3A_350] : memref<10240xf32, #tpu.memory_space<vmem_shared>> -> memref<10240xf32, #tpu.memory_space<vmem_shared>>
          tpu.enqueue_indirect_dma source(%arg17 : memref<128xf32, #tpu.memory_space<vmem>>) target(%dma_start3A_351 : memref<10240xf32, #tpu.memory_space<vmem_shared>>) offsets(%dma_start3A_349 : memref<128xi32, #tpu.memory_space<vmem>>) semaphore(%run_scoped3A : memref<!tpu.dma_semaphore, #tpu.memory_space<semaphore_mem>>) {add = true}
          %dma_wait3A_352 = arith.constant 0 : i32
          %dma_wait3A_353 = tpu.memref_slice %arg9[%add3A_223, %dma_wait3A_352] : memref<160x128xi32, #tpu.memory_space<vmem>> -> memref<1x128xi32, #tpu.memory_space<vmem>>
          %dma_wait3A_354 = tpu.memref_squeeze %dma_wait3A_353 : memref<1x128xi32, #tpu.memory_space<vmem>> -> memref<128xi32, #tpu.memory_space<vmem>>
          %dma_wait3A_355 = arith.constant 0 : i32
          %dma_wait3A_356 = tpu.memref_slice %arg30[%dma_wait3A_355] : memref<10240xf32, #tpu.memory_space<vmem_shared>> -> memref<10240xf32, #tpu.memory_space<vmem_shared>>
          tpu.wait_indirect_dma semaphore(%run_scoped3A : memref<!tpu.dma_semaphore, #tpu.memory_space<semaphore_mem>>) src(%arg17 : memref<128xf32, #tpu.memory_space<vmem>>) dst(%dma_wait3A_356 : memref<10240xf32, #tpu.memory_space<vmem_shared>>)
          tpu.yield
        }) : () -> ()
        %lt3A_229 = arith.constant 9 : i32
        %lt3A_230 = arith.cmpi slt, %scan3A_123, %lt3A_229 : i32
        %convert_element_type3A_231 = arith.extui %lt3A_230 : i1 to i32
        %cond3A_232 = arith.constant 0 : i32
        %cond3A_233 = arith.cmpi ne, %convert_element_type3A_231, %cond3A_232 : i32
        scf.if %cond3A_233 {
          %add3A_347 = arith.constant 16 : i32
          %add3A_348 = arith.addi %add3A_223, %add3A_347 : i32
          %dma_start3A_349 = arith.constant 0 : i32
          %dma_start3A_350 = tpu.memref_slice %arg8[%add3A_348, %dma_start3A_349] : memref<160x128xi32, #tpu.memory_space<vmem>> -> memref<1x128xi32, #tpu.memory_space<vmem>>
          %dma_start3A_351 = tpu.memref_squeeze %dma_start3A_350 : memref<1x128xi32, #tpu.memory_space<vmem>> -> memref<128xi32, #tpu.memory_space<vmem>>
          %dma_start3A_352 = arith.constant 0 : i32
          %dma_start3A_353 = tpu.memref_slice %arg4[%dma_start3A_352] : memref<10240xf32, #tpu.memory_space<hbm>> -> memref<10240xf32, #tpu.memory_space<hbm>>
          tpu.enqueue_indirect_dma source(%dma_start3A_353 : memref<10240xf32, #tpu.memory_space<hbm>>) target(%arg17 : memref<128xf32, #tpu.memory_space<vmem>>) offsets(%dma_start3A_351 : memref<128xi32, #tpu.memory_space<vmem>>) semaphore(%arg31 : memref<!tpu.dma_semaphore, #tpu.memory_space<semaphore_mem>>)
        } else {
        }
        %mul3A_234 = arith.constant 16 : i32
        %mul3A_235 = arith.muli %scan3A_123, %mul3A_234 : i32
        %add3A_236 = arith.constant 8 : i32
        %add3A_237 = arith.addi %mul3A_235, %add3A_236 : i32
        %dma_wait3A_238 = arith.constant 0 : i32
        %dma_wait3A_239 = tpu.memref_slice %arg8[%add3A_237, %dma_wait3A_238] : memref<160x128xi32, #tpu.memory_space<vmem>> -> memref<1x128xi32, #tpu.memory_space<vmem>>
        %dma_wait3A_240 = tpu.memref_squeeze %dma_wait3A_239 : memref<1x128xi32, #tpu.memory_space<vmem>> -> memref<128xi32, #tpu.memory_space<vmem>>
        %dma_wait3A_241 = arith.constant 0 : i32
        %dma_wait3A_242 = tpu.memref_slice %arg4[%dma_wait3A_241] : memref<10240xf32, #tpu.memory_space<hbm>> -> memref<10240xf32, #tpu.memory_space<hbm>>
        tpu.wait_indirect_dma semaphore(%arg31 : memref<!tpu.dma_semaphore, #tpu.memory_space<semaphore_mem>>) src(%dma_wait3A_242 : memref<10240xf32, #tpu.memory_space<hbm>>) dst(%arg18 : memref<128xf32, #tpu.memory_space<vmem>>)
        "tpu.region"() ({
          %run_scoped3A = tpu.sem_alloc : memref<!tpu.dma_semaphore, #tpu.memory_space<semaphore_mem>>
          %dma_start3A_347 = arith.constant 0 : i32
          %dma_start3A_348 = tpu.memref_slice %arg9[%add3A_237, %dma_start3A_347] : memref<160x128xi32, #tpu.memory_space<vmem>> -> memref<1x128xi32, #tpu.memory_space<vmem>>
          %dma_start3A_349 = tpu.memref_squeeze %dma_start3A_348 : memref<1x128xi32, #tpu.memory_space<vmem>> -> memref<128xi32, #tpu.memory_space<vmem>>
          %dma_start3A_350 = arith.constant 0 : i32
          %dma_start3A_351 = tpu.memref_slice %arg30[%dma_start3A_350] : memref<10240xf32, #tpu.memory_space<vmem_shared>> -> memref<10240xf32, #tpu.memory_space<vmem_shared>>
          tpu.enqueue_indirect_dma source(%arg18 : memref<128xf32, #tpu.memory_space<vmem>>) target(%dma_start3A_351 : memref<10240xf32, #tpu.memory_space<vmem_shared>>) offsets(%dma_start3A_349 : memref<128xi32, #tpu.memory_space<vmem>>) semaphore(%run_scoped3A : memref<!tpu.dma_semaphore, #tpu.memory_space<semaphore_mem>>) {add = true}
          %dma_wait3A_352 = arith.constant 0 : i32
          %dma_wait3A_353 = tpu.memref_slice %arg9[%add3A_237, %dma_wait3A_352] : memref<160x128xi32, #tpu.memory_space<vmem>> -> memref<1x128xi32, #tpu.memory_space<vmem>>
          %dma_wait3A_354 = tpu.memref_squeeze %dma_wait3A_353 : memref<1x128xi32, #tpu.memory_space<vmem>> -> memref<128xi32, #tpu.memory_space<vmem>>
          %dma_wait3A_355 = arith.constant 0 : i32
          %dma_wait3A_356 = tpu.memref_slice %arg30[%dma_wait3A_355] : memref<10240xf32, #tpu.memory_space<vmem_shared>> -> memref<10240xf32, #tpu.memory_space<vmem_shared>>
          tpu.wait_indirect_dma semaphore(%run_scoped3A : memref<!tpu.dma_semaphore, #tpu.memory_space<semaphore_mem>>) src(%arg18 : memref<128xf32, #tpu.memory_space<vmem>>) dst(%dma_wait3A_356 : memref<10240xf32, #tpu.memory_space<vmem_shared>>)
          tpu.yield
        }) : () -> ()
        %lt3A_243 = arith.constant 9 : i32
        %lt3A_244 = arith.cmpi slt, %scan3A_123, %lt3A_243 : i32
        %convert_element_type3A_245 = arith.extui %lt3A_244 : i1 to i32
        %cond3A_246 = arith.constant 0 : i32
        %cond3A_247 = arith.cmpi ne, %convert_element_type3A_245, %cond3A_246 : i32
        scf.if %cond3A_247 {
          %add3A_347 = arith.constant 16 : i32
          %add3A_348 = arith.addi %add3A_237, %add3A_347 : i32
          %dma_start3A_349 = arith.constant 0 : i32
          %dma_start3A_350 = tpu.memref_slice %arg8[%add3A_348, %dma_start3A_349] : memref<160x128xi32, #tpu.memory_space<vmem>> -> memref<1x128xi32, #tpu.memory_space<vmem>>
          %dma_start3A_351 = tpu.memref_squeeze %dma_start3A_350 : memref<1x128xi32, #tpu.memory_space<vmem>> -> memref<128xi32, #tpu.memory_space<vmem>>
          %dma_start3A_352 = arith.constant 0 : i32
          %dma_start3A_353 = tpu.memref_slice %arg4[%dma_start3A_352] : memref<10240xf32, #tpu.memory_space<hbm>> -> memref<10240xf32, #tpu.memory_space<hbm>>
          tpu.enqueue_indirect_dma source(%dma_start3A_353 : memref<10240xf32, #tpu.memory_space<hbm>>) target(%arg18 : memref<128xf32, #tpu.memory_space<vmem>>) offsets(%dma_start3A_351 : memref<128xi32, #tpu.memory_space<vmem>>) semaphore(%arg31 : memref<!tpu.dma_semaphore, #tpu.memory_space<semaphore_mem>>)
        } else {
        }
        %mul3A_248 = arith.constant 16 : i32
        %mul3A_249 = arith.muli %scan3A_123, %mul3A_248 : i32
        %add3A_250 = arith.constant 9 : i32
        %add3A_251 = arith.addi %mul3A_249, %add3A_250 : i32
        %dma_wait3A_252 = arith.constant 0 : i32
        %dma_wait3A_253 = tpu.memref_slice %arg8[%add3A_251, %dma_wait3A_252] : memref<160x128xi32, #tpu.memory_space<vmem>> -> memref<1x128xi32, #tpu.memory_space<vmem>>
        %dma_wait3A_254 = tpu.memref_squeeze %dma_wait3A_253 : memref<1x128xi32, #tpu.memory_space<vmem>> -> memref<128xi32, #tpu.memory_space<vmem>>
        %dma_wait3A_255 = arith.constant 0 : i32
        %dma_wait3A_256 = tpu.memref_slice %arg4[%dma_wait3A_255] : memref<10240xf32, #tpu.memory_space<hbm>> -> memref<10240xf32, #tpu.memory_space<hbm>>
        tpu.wait_indirect_dma semaphore(%arg31 : memref<!tpu.dma_semaphore, #tpu.memory_space<semaphore_mem>>) src(%dma_wait3A_256 : memref<10240xf32, #tpu.memory_space<hbm>>) dst(%arg19 : memref<128xf32, #tpu.memory_space<vmem>>)
        "tpu.region"() ({
          %run_scoped3A = tpu.sem_alloc : memref<!tpu.dma_semaphore, #tpu.memory_space<semaphore_mem>>
          %dma_start3A_347 = arith.constant 0 : i32
          %dma_start3A_348 = tpu.memref_slice %arg9[%add3A_251, %dma_start3A_347] : memref<160x128xi32, #tpu.memory_space<vmem>> -> memref<1x128xi32, #tpu.memory_space<vmem>>
          %dma_start3A_349 = tpu.memref_squeeze %dma_start3A_348 : memref<1x128xi32, #tpu.memory_space<vmem>> -> memref<128xi32, #tpu.memory_space<vmem>>
          %dma_start3A_350 = arith.constant 0 : i32
          %dma_start3A_351 = tpu.memref_slice %arg30[%dma_start3A_350] : memref<10240xf32, #tpu.memory_space<vmem_shared>> -> memref<10240xf32, #tpu.memory_space<vmem_shared>>
          tpu.enqueue_indirect_dma source(%arg19 : memref<128xf32, #tpu.memory_space<vmem>>) target(%dma_start3A_351 : memref<10240xf32, #tpu.memory_space<vmem_shared>>) offsets(%dma_start3A_349 : memref<128xi32, #tpu.memory_space<vmem>>) semaphore(%run_scoped3A : memref<!tpu.dma_semaphore, #tpu.memory_space<semaphore_mem>>) {add = true}
          %dma_wait3A_352 = arith.constant 0 : i32
          %dma_wait3A_353 = tpu.memref_slice %arg9[%add3A_251, %dma_wait3A_352] : memref<160x128xi32, #tpu.memory_space<vmem>> -> memref<1x128xi32, #tpu.memory_space<vmem>>
          %dma_wait3A_354 = tpu.memref_squeeze %dma_wait3A_353 : memref<1x128xi32, #tpu.memory_space<vmem>> -> memref<128xi32, #tpu.memory_space<vmem>>
          %dma_wait3A_355 = arith.constant 0 : i32
          %dma_wait3A_356 = tpu.memref_slice %arg30[%dma_wait3A_355] : memref<10240xf32, #tpu.memory_space<vmem_shared>> -> memref<10240xf32, #tpu.memory_space<vmem_shared>>
          tpu.wait_indirect_dma semaphore(%run_scoped3A : memref<!tpu.dma_semaphore, #tpu.memory_space<semaphore_mem>>) src(%arg19 : memref<128xf32, #tpu.memory_space<vmem>>) dst(%dma_wait3A_356 : memref<10240xf32, #tpu.memory_space<vmem_shared>>)
          tpu.yield
        }) : () -> ()
        %lt3A_257 = arith.constant 9 : i32
        %lt3A_258 = arith.cmpi slt, %scan3A_123, %lt3A_257 : i32
        %convert_element_type3A_259 = arith.extui %lt3A_258 : i1 to i32
        %cond3A_260 = arith.constant 0 : i32
        %cond3A_261 = arith.cmpi ne, %convert_element_type3A_259, %cond3A_260 : i32
        scf.if %cond3A_261 {
          %add3A_347 = arith.constant 16 : i32
          %add3A_348 = arith.addi %add3A_251, %add3A_347 : i32
          %dma_start3A_349 = arith.constant 0 : i32
          %dma_start3A_350 = tpu.memref_slice %arg8[%add3A_348, %dma_start3A_349] : memref<160x128xi32, #tpu.memory_space<vmem>> -> memref<1x128xi32, #tpu.memory_space<vmem>>
          %dma_start3A_351 = tpu.memref_squeeze %dma_start3A_350 : memref<1x128xi32, #tpu.memory_space<vmem>> -> memref<128xi32, #tpu.memory_space<vmem>>
          %dma_start3A_352 = arith.constant 0 : i32
          %dma_start3A_353 = tpu.memref_slice %arg4[%dma_start3A_352] : memref<10240xf32, #tpu.memory_space<hbm>> -> memref<10240xf32, #tpu.memory_space<hbm>>
          tpu.enqueue_indirect_dma source(%dma_start3A_353 : memref<10240xf32, #tpu.memory_space<hbm>>) target(%arg19 : memref<128xf32, #tpu.memory_space<vmem>>) offsets(%dma_start3A_351 : memref<128xi32, #tpu.memory_space<vmem>>) semaphore(%arg31 : memref<!tpu.dma_semaphore, #tpu.memory_space<semaphore_mem>>)
        } else {
        }
        %mul3A_262 = arith.constant 16 : i32
        %mul3A_263 = arith.muli %scan3A_123, %mul3A_262 : i32
        %add3A_264 = arith.constant 10 : i32
        %add3A_265 = arith.addi %mul3A_263, %add3A_264 : i32
        %dma_wait3A_266 = arith.constant 0 : i32
        %dma_wait3A_267 = tpu.memref_slice %arg8[%add3A_265, %dma_wait3A_266] : memref<160x128xi32, #tpu.memory_space<vmem>> -> memref<1x128xi32, #tpu.memory_space<vmem>>
        %dma_wait3A_268 = tpu.memref_squeeze %dma_wait3A_267 : memref<1x128xi32, #tpu.memory_space<vmem>> -> memref<128xi32, #tpu.memory_space<vmem>>
        %dma_wait3A_269 = arith.constant 0 : i32
        %dma_wait3A_270 = tpu.memref_slice %arg4[%dma_wait3A_269] : memref<10240xf32, #tpu.memory_space<hbm>> -> memref<10240xf32, #tpu.memory_space<hbm>>
        tpu.wait_indirect_dma semaphore(%arg31 : memref<!tpu.dma_semaphore, #tpu.memory_space<semaphore_mem>>) src(%dma_wait3A_270 : memref<10240xf32, #tpu.memory_space<hbm>>) dst(%arg20 : memref<128xf32, #tpu.memory_space<vmem>>)
        "tpu.region"() ({
          %run_scoped3A = tpu.sem_alloc : memref<!tpu.dma_semaphore, #tpu.memory_space<semaphore_mem>>
          %dma_start3A_347 = arith.constant 0 : i32
          %dma_start3A_348 = tpu.memref_slice %arg9[%add3A_265, %dma_start3A_347] : memref<160x128xi32, #tpu.memory_space<vmem>> -> memref<1x128xi32, #tpu.memory_space<vmem>>
          %dma_start3A_349 = tpu.memref_squeeze %dma_start3A_348 : memref<1x128xi32, #tpu.memory_space<vmem>> -> memref<128xi32, #tpu.memory_space<vmem>>
          %dma_start3A_350 = arith.constant 0 : i32
          %dma_start3A_351 = tpu.memref_slice %arg30[%dma_start3A_350] : memref<10240xf32, #tpu.memory_space<vmem_shared>> -> memref<10240xf32, #tpu.memory_space<vmem_shared>>
          tpu.enqueue_indirect_dma source(%arg20 : memref<128xf32, #tpu.memory_space<vmem>>) target(%dma_start3A_351 : memref<10240xf32, #tpu.memory_space<vmem_shared>>) offsets(%dma_start3A_349 : memref<128xi32, #tpu.memory_space<vmem>>) semaphore(%run_scoped3A : memref<!tpu.dma_semaphore, #tpu.memory_space<semaphore_mem>>) {add = true}
          %dma_wait3A_352 = arith.constant 0 : i32
          %dma_wait3A_353 = tpu.memref_slice %arg9[%add3A_265, %dma_wait3A_352] : memref<160x128xi32, #tpu.memory_space<vmem>> -> memref<1x128xi32, #tpu.memory_space<vmem>>
          %dma_wait3A_354 = tpu.memref_squeeze %dma_wait3A_353 : memref<1x128xi32, #tpu.memory_space<vmem>> -> memref<128xi32, #tpu.memory_space<vmem>>
          %dma_wait3A_355 = arith.constant 0 : i32
          %dma_wait3A_356 = tpu.memref_slice %arg30[%dma_wait3A_355] : memref<10240xf32, #tpu.memory_space<vmem_shared>> -> memref<10240xf32, #tpu.memory_space<vmem_shared>>
          tpu.wait_indirect_dma semaphore(%run_scoped3A : memref<!tpu.dma_semaphore, #tpu.memory_space<semaphore_mem>>) src(%arg20 : memref<128xf32, #tpu.memory_space<vmem>>) dst(%dma_wait3A_356 : memref<10240xf32, #tpu.memory_space<vmem_shared>>)
          tpu.yield
        }) : () -> ()
        %lt3A_271 = arith.constant 9 : i32
        %lt3A_272 = arith.cmpi slt, %scan3A_123, %lt3A_271 : i32
        %convert_element_type3A_273 = arith.extui %lt3A_272 : i1 to i32
        %cond3A_274 = arith.constant 0 : i32
        %cond3A_275 = arith.cmpi ne, %convert_element_type3A_273, %cond3A_274 : i32
        scf.if %cond3A_275 {
          %add3A_347 = arith.constant 16 : i32
          %add3A_348 = arith.addi %add3A_265, %add3A_347 : i32
          %dma_start3A_349 = arith.constant 0 : i32
          %dma_start3A_350 = tpu.memref_slice %arg8[%add3A_348, %dma_start3A_349] : memref<160x128xi32, #tpu.memory_space<vmem>> -> memref<1x128xi32, #tpu.memory_space<vmem>>
          %dma_start3A_351 = tpu.memref_squeeze %dma_start3A_350 : memref<1x128xi32, #tpu.memory_space<vmem>> -> memref<128xi32, #tpu.memory_space<vmem>>
          %dma_start3A_352 = arith.constant 0 : i32
          %dma_start3A_353 = tpu.memref_slice %arg4[%dma_start3A_352] : memref<10240xf32, #tpu.memory_space<hbm>> -> memref<10240xf32, #tpu.memory_space<hbm>>
          tpu.enqueue_indirect_dma source(%dma_start3A_353 : memref<10240xf32, #tpu.memory_space<hbm>>) target(%arg20 : memref<128xf32, #tpu.memory_space<vmem>>) offsets(%dma_start3A_351 : memref<128xi32, #tpu.memory_space<vmem>>) semaphore(%arg31 : memref<!tpu.dma_semaphore, #tpu.memory_space<semaphore_mem>>)
        } else {
        }
        %mul3A_276 = arith.constant 16 : i32
        %mul3A_277 = arith.muli %scan3A_123, %mul3A_276 : i32
        %add3A_278 = arith.constant 11 : i32
        %add3A_279 = arith.addi %mul3A_277, %add3A_278 : i32
        %dma_wait3A_280 = arith.constant 0 : i32
        %dma_wait3A_281 = tpu.memref_slice %arg8[%add3A_279, %dma_wait3A_280] : memref<160x128xi32, #tpu.memory_space<vmem>> -> memref<1x128xi32, #tpu.memory_space<vmem>>
        %dma_wait3A_282 = tpu.memref_squeeze %dma_wait3A_281 : memref<1x128xi32, #tpu.memory_space<vmem>> -> memref<128xi32, #tpu.memory_space<vmem>>
        %dma_wait3A_283 = arith.constant 0 : i32
        %dma_wait3A_284 = tpu.memref_slice %arg4[%dma_wait3A_283] : memref<10240xf32, #tpu.memory_space<hbm>> -> memref<10240xf32, #tpu.memory_space<hbm>>
        tpu.wait_indirect_dma semaphore(%arg31 : memref<!tpu.dma_semaphore, #tpu.memory_space<semaphore_mem>>) src(%dma_wait3A_284 : memref<10240xf32, #tpu.memory_space<hbm>>) dst(%arg21 : memref<128xf32, #tpu.memory_space<vmem>>)
        "tpu.region"() ({
          %run_scoped3A = tpu.sem_alloc : memref<!tpu.dma_semaphore, #tpu.memory_space<semaphore_mem>>
          %dma_start3A_347 = arith.constant 0 : i32
          %dma_start3A_348 = tpu.memref_slice %arg9[%add3A_279, %dma_start3A_347] : memref<160x128xi32, #tpu.memory_space<vmem>> -> memref<1x128xi32, #tpu.memory_space<vmem>>
          %dma_start3A_349 = tpu.memref_squeeze %dma_start3A_348 : memref<1x128xi32, #tpu.memory_space<vmem>> -> memref<128xi32, #tpu.memory_space<vmem>>
          %dma_start3A_350 = arith.constant 0 : i32
          %dma_start3A_351 = tpu.memref_slice %arg30[%dma_start3A_350] : memref<10240xf32, #tpu.memory_space<vmem_shared>> -> memref<10240xf32, #tpu.memory_space<vmem_shared>>
          tpu.enqueue_indirect_dma source(%arg21 : memref<128xf32, #tpu.memory_space<vmem>>) target(%dma_start3A_351 : memref<10240xf32, #tpu.memory_space<vmem_shared>>) offsets(%dma_start3A_349 : memref<128xi32, #tpu.memory_space<vmem>>) semaphore(%run_scoped3A : memref<!tpu.dma_semaphore, #tpu.memory_space<semaphore_mem>>) {add = true}
          %dma_wait3A_352 = arith.constant 0 : i32
          %dma_wait3A_353 = tpu.memref_slice %arg9[%add3A_279, %dma_wait3A_352] : memref<160x128xi32, #tpu.memory_space<vmem>> -> memref<1x128xi32, #tpu.memory_space<vmem>>
          %dma_wait3A_354 = tpu.memref_squeeze %dma_wait3A_353 : memref<1x128xi32, #tpu.memory_space<vmem>> -> memref<128xi32, #tpu.memory_space<vmem>>
          %dma_wait3A_355 = arith.constant 0 : i32
          %dma_wait3A_356 = tpu.memref_slice %arg30[%dma_wait3A_355] : memref<10240xf32, #tpu.memory_space<vmem_shared>> -> memref<10240xf32, #tpu.memory_space<vmem_shared>>
          tpu.wait_indirect_dma semaphore(%run_scoped3A : memref<!tpu.dma_semaphore, #tpu.memory_space<semaphore_mem>>) src(%arg21 : memref<128xf32, #tpu.memory_space<vmem>>) dst(%dma_wait3A_356 : memref<10240xf32, #tpu.memory_space<vmem_shared>>)
          tpu.yield
        }) : () -> ()
        %lt3A_285 = arith.constant 9 : i32
        %lt3A_286 = arith.cmpi slt, %scan3A_123, %lt3A_285 : i32
        %convert_element_type3A_287 = arith.extui %lt3A_286 : i1 to i32
        %cond3A_288 = arith.constant 0 : i32
        %cond3A_289 = arith.cmpi ne, %convert_element_type3A_287, %cond3A_288 : i32
        scf.if %cond3A_289 {
          %add3A_347 = arith.constant 16 : i32
          %add3A_348 = arith.addi %add3A_279, %add3A_347 : i32
          %dma_start3A_349 = arith.constant 0 : i32
          %dma_start3A_350 = tpu.memref_slice %arg8[%add3A_348, %dma_start3A_349] : memref<160x128xi32, #tpu.memory_space<vmem>> -> memref<1x128xi32, #tpu.memory_space<vmem>>
          %dma_start3A_351 = tpu.memref_squeeze %dma_start3A_350 : memref<1x128xi32, #tpu.memory_space<vmem>> -> memref<128xi32, #tpu.memory_space<vmem>>
          %dma_start3A_352 = arith.constant 0 : i32
          %dma_start3A_353 = tpu.memref_slice %arg4[%dma_start3A_352] : memref<10240xf32, #tpu.memory_space<hbm>> -> memref<10240xf32, #tpu.memory_space<hbm>>
          tpu.enqueue_indirect_dma source(%dma_start3A_353 : memref<10240xf32, #tpu.memory_space<hbm>>) target(%arg21 : memref<128xf32, #tpu.memory_space<vmem>>) offsets(%dma_start3A_351 : memref<128xi32, #tpu.memory_space<vmem>>) semaphore(%arg31 : memref<!tpu.dma_semaphore, #tpu.memory_space<semaphore_mem>>)
        } else {
        }
        %mul3A_290 = arith.constant 16 : i32
        %mul3A_291 = arith.muli %scan3A_123, %mul3A_290 : i32
        %add3A_292 = arith.constant 12 : i32
        %add3A_293 = arith.addi %mul3A_291, %add3A_292 : i32
        %dma_wait3A_294 = arith.constant 0 : i32
        %dma_wait3A_295 = tpu.memref_slice %arg8[%add3A_293, %dma_wait3A_294] : memref<160x128xi32, #tpu.memory_space<vmem>> -> memref<1x128xi32, #tpu.memory_space<vmem>>
        %dma_wait3A_296 = tpu.memref_squeeze %dma_wait3A_295 : memref<1x128xi32, #tpu.memory_space<vmem>> -> memref<128xi32, #tpu.memory_space<vmem>>
        %dma_wait3A_297 = arith.constant 0 : i32
        %dma_wait3A_298 = tpu.memref_slice %arg4[%dma_wait3A_297] : memref<10240xf32, #tpu.memory_space<hbm>> -> memref<10240xf32, #tpu.memory_space<hbm>>
        tpu.wait_indirect_dma semaphore(%arg31 : memref<!tpu.dma_semaphore, #tpu.memory_space<semaphore_mem>>) src(%dma_wait3A_298 : memref<10240xf32, #tpu.memory_space<hbm>>) dst(%arg22 : memref<128xf32, #tpu.memory_space<vmem>>)
        "tpu.region"() ({
          %run_scoped3A = tpu.sem_alloc : memref<!tpu.dma_semaphore, #tpu.memory_space<semaphore_mem>>
          %dma_start3A_347 = arith.constant 0 : i32
          %dma_start3A_348 = tpu.memref_slice %arg9[%add3A_293, %dma_start3A_347] : memref<160x128xi32, #tpu.memory_space<vmem>> -> memref<1x128xi32, #tpu.memory_space<vmem>>
          %dma_start3A_349 = tpu.memref_squeeze %dma_start3A_348 : memref<1x128xi32, #tpu.memory_space<vmem>> -> memref<128xi32, #tpu.memory_space<vmem>>
          %dma_start3A_350 = arith.constant 0 : i32
          %dma_start3A_351 = tpu.memref_slice %arg30[%dma_start3A_350] : memref<10240xf32, #tpu.memory_space<vmem_shared>> -> memref<10240xf32, #tpu.memory_space<vmem_shared>>
          tpu.enqueue_indirect_dma source(%arg22 : memref<128xf32, #tpu.memory_space<vmem>>) target(%dma_start3A_351 : memref<10240xf32, #tpu.memory_space<vmem_shared>>) offsets(%dma_start3A_349 : memref<128xi32, #tpu.memory_space<vmem>>) semaphore(%run_scoped3A : memref<!tpu.dma_semaphore, #tpu.memory_space<semaphore_mem>>) {add = true}
          %dma_wait3A_352 = arith.constant 0 : i32
          %dma_wait3A_353 = tpu.memref_slice %arg9[%add3A_293, %dma_wait3A_352] : memref<160x128xi32, #tpu.memory_space<vmem>> -> memref<1x128xi32, #tpu.memory_space<vmem>>
          %dma_wait3A_354 = tpu.memref_squeeze %dma_wait3A_353 : memref<1x128xi32, #tpu.memory_space<vmem>> -> memref<128xi32, #tpu.memory_space<vmem>>
          %dma_wait3A_355 = arith.constant 0 : i32
          %dma_wait3A_356 = tpu.memref_slice %arg30[%dma_wait3A_355] : memref<10240xf32, #tpu.memory_space<vmem_shared>> -> memref<10240xf32, #tpu.memory_space<vmem_shared>>
          tpu.wait_indirect_dma semaphore(%run_scoped3A : memref<!tpu.dma_semaphore, #tpu.memory_space<semaphore_mem>>) src(%arg22 : memref<128xf32, #tpu.memory_space<vmem>>) dst(%dma_wait3A_356 : memref<10240xf32, #tpu.memory_space<vmem_shared>>)
          tpu.yield
        }) : () -> ()
        %lt3A_299 = arith.constant 9 : i32
        %lt3A_300 = arith.cmpi slt, %scan3A_123, %lt3A_299 : i32
        %convert_element_type3A_301 = arith.extui %lt3A_300 : i1 to i32
        %cond3A_302 = arith.constant 0 : i32
        %cond3A_303 = arith.cmpi ne, %convert_element_type3A_301, %cond3A_302 : i32
        scf.if %cond3A_303 {
          %add3A_347 = arith.constant 16 : i32
          %add3A_348 = arith.addi %add3A_293, %add3A_347 : i32
          %dma_start3A_349 = arith.constant 0 : i32
          %dma_start3A_350 = tpu.memref_slice %arg8[%add3A_348, %dma_start3A_349] : memref<160x128xi32, #tpu.memory_space<vmem>> -> memref<1x128xi32, #tpu.memory_space<vmem>>
          %dma_start3A_351 = tpu.memref_squeeze %dma_start3A_350 : memref<1x128xi32, #tpu.memory_space<vmem>> -> memref<128xi32, #tpu.memory_space<vmem>>
          %dma_start3A_352 = arith.constant 0 : i32
          %dma_start3A_353 = tpu.memref_slice %arg4[%dma_start3A_352] : memref<10240xf32, #tpu.memory_space<hbm>> -> memref<10240xf32, #tpu.memory_space<hbm>>
          tpu.enqueue_indirect_dma source(%dma_start3A_353 : memref<10240xf32, #tpu.memory_space<hbm>>) target(%arg22 : memref<128xf32, #tpu.memory_space<vmem>>) offsets(%dma_start3A_351 : memref<128xi32, #tpu.memory_space<vmem>>) semaphore(%arg31 : memref<!tpu.dma_semaphore, #tpu.memory_space<semaphore_mem>>)
        } else {
        }
        %mul3A_304 = arith.constant 16 : i32
        %mul3A_305 = arith.muli %scan3A_123, %mul3A_304 : i32
        %add3A_306 = arith.constant 13 : i32
        %add3A_307 = arith.addi %mul3A_305, %add3A_306 : i32
        %dma_wait3A_308 = arith.constant 0 : i32
        %dma_wait3A_309 = tpu.memref_slice %arg8[%add3A_307, %dma_wait3A_308] : memref<160x128xi32, #tpu.memory_space<vmem>> -> memref<1x128xi32, #tpu.memory_space<vmem>>
        %dma_wait3A_310 = tpu.memref_squeeze %dma_wait3A_309 : memref<1x128xi32, #tpu.memory_space<vmem>> -> memref<128xi32, #tpu.memory_space<vmem>>
        %dma_wait3A_311 = arith.constant 0 : i32
        %dma_wait3A_312 = tpu.memref_slice %arg4[%dma_wait3A_311] : memref<10240xf32, #tpu.memory_space<hbm>> -> memref<10240xf32, #tpu.memory_space<hbm>>
        tpu.wait_indirect_dma semaphore(%arg31 : memref<!tpu.dma_semaphore, #tpu.memory_space<semaphore_mem>>) src(%dma_wait3A_312 : memref<10240xf32, #tpu.memory_space<hbm>>) dst(%arg23 : memref<128xf32, #tpu.memory_space<vmem>>)
        "tpu.region"() ({
          %run_scoped3A = tpu.sem_alloc : memref<!tpu.dma_semaphore, #tpu.memory_space<semaphore_mem>>
          %dma_start3A_347 = arith.constant 0 : i32
          %dma_start3A_348 = tpu.memref_slice %arg9[%add3A_307, %dma_start3A_347] : memref<160x128xi32, #tpu.memory_space<vmem>> -> memref<1x128xi32, #tpu.memory_space<vmem>>
          %dma_start3A_349 = tpu.memref_squeeze %dma_start3A_348 : memref<1x128xi32, #tpu.memory_space<vmem>> -> memref<128xi32, #tpu.memory_space<vmem>>
          %dma_start3A_350 = arith.constant 0 : i32
          %dma_start3A_351 = tpu.memref_slice %arg30[%dma_start3A_350] : memref<10240xf32, #tpu.memory_space<vmem_shared>> -> memref<10240xf32, #tpu.memory_space<vmem_shared>>
          tpu.enqueue_indirect_dma source(%arg23 : memref<128xf32, #tpu.memory_space<vmem>>) target(%dma_start3A_351 : memref<10240xf32, #tpu.memory_space<vmem_shared>>) offsets(%dma_start3A_349 : memref<128xi32, #tpu.memory_space<vmem>>) semaphore(%run_scoped3A : memref<!tpu.dma_semaphore, #tpu.memory_space<semaphore_mem>>) {add = true}
          %dma_wait3A_352 = arith.constant 0 : i32
          %dma_wait3A_353 = tpu.memref_slice %arg9[%add3A_307, %dma_wait3A_352] : memref<160x128xi32, #tpu.memory_space<vmem>> -> memref<1x128xi32, #tpu.memory_space<vmem>>
          %dma_wait3A_354 = tpu.memref_squeeze %dma_wait3A_353 : memref<1x128xi32, #tpu.memory_space<vmem>> -> memref<128xi32, #tpu.memory_space<vmem>>
          %dma_wait3A_355 = arith.constant 0 : i32
          %dma_wait3A_356 = tpu.memref_slice %arg30[%dma_wait3A_355] : memref<10240xf32, #tpu.memory_space<vmem_shared>> -> memref<10240xf32, #tpu.memory_space<vmem_shared>>
          tpu.wait_indirect_dma semaphore(%run_scoped3A : memref<!tpu.dma_semaphore, #tpu.memory_space<semaphore_mem>>) src(%arg23 : memref<128xf32, #tpu.memory_space<vmem>>) dst(%dma_wait3A_356 : memref<10240xf32, #tpu.memory_space<vmem_shared>>)
          tpu.yield
        }) : () -> ()
        %lt3A_313 = arith.constant 9 : i32
        %lt3A_314 = arith.cmpi slt, %scan3A_123, %lt3A_313 : i32
        %convert_element_type3A_315 = arith.extui %lt3A_314 : i1 to i32
        %cond3A_316 = arith.constant 0 : i32
        %cond3A_317 = arith.cmpi ne, %convert_element_type3A_315, %cond3A_316 : i32
        scf.if %cond3A_317 {
          %add3A_347 = arith.constant 16 : i32
          %add3A_348 = arith.addi %add3A_307, %add3A_347 : i32
          %dma_start3A_349 = arith.constant 0 : i32
          %dma_start3A_350 = tpu.memref_slice %arg8[%add3A_348, %dma_start3A_349] : memref<160x128xi32, #tpu.memory_space<vmem>> -> memref<1x128xi32, #tpu.memory_space<vmem>>
          %dma_start3A_351 = tpu.memref_squeeze %dma_start3A_350 : memref<1x128xi32, #tpu.memory_space<vmem>> -> memref<128xi32, #tpu.memory_space<vmem>>
          %dma_start3A_352 = arith.constant 0 : i32
          %dma_start3A_353 = tpu.memref_slice %arg4[%dma_start3A_352] : memref<10240xf32, #tpu.memory_space<hbm>> -> memref<10240xf32, #tpu.memory_space<hbm>>
          tpu.enqueue_indirect_dma source(%dma_start3A_353 : memref<10240xf32, #tpu.memory_space<hbm>>) target(%arg23 : memref<128xf32, #tpu.memory_space<vmem>>) offsets(%dma_start3A_351 : memref<128xi32, #tpu.memory_space<vmem>>) semaphore(%arg31 : memref<!tpu.dma_semaphore, #tpu.memory_space<semaphore_mem>>)
        } else {
        }
        %mul3A_318 = arith.constant 16 : i32
        %mul3A_319 = arith.muli %scan3A_123, %mul3A_318 : i32
        %add3A_320 = arith.constant 14 : i32
        %add3A_321 = arith.addi %mul3A_319, %add3A_320 : i32
        %dma_wait3A_322 = arith.constant 0 : i32
        %dma_wait3A_323 = tpu.memref_slice %arg8[%add3A_321, %dma_wait3A_322] : memref<160x128xi32, #tpu.memory_space<vmem>> -> memref<1x128xi32, #tpu.memory_space<vmem>>
        %dma_wait3A_324 = tpu.memref_squeeze %dma_wait3A_323 : memref<1x128xi32, #tpu.memory_space<vmem>> -> memref<128xi32, #tpu.memory_space<vmem>>
        %dma_wait3A_325 = arith.constant 0 : i32
        %dma_wait3A_326 = tpu.memref_slice %arg4[%dma_wait3A_325] : memref<10240xf32, #tpu.memory_space<hbm>> -> memref<10240xf32, #tpu.memory_space<hbm>>
        tpu.wait_indirect_dma semaphore(%arg31 : memref<!tpu.dma_semaphore, #tpu.memory_space<semaphore_mem>>) src(%dma_wait3A_326 : memref<10240xf32, #tpu.memory_space<hbm>>) dst(%arg24 : memref<128xf32, #tpu.memory_space<vmem>>)
        "tpu.region"() ({
          %run_scoped3A = tpu.sem_alloc : memref<!tpu.dma_semaphore, #tpu.memory_space<semaphore_mem>>
          %dma_start3A_347 = arith.constant 0 : i32
          %dma_start3A_348 = tpu.memref_slice %arg9[%add3A_321, %dma_start3A_347] : memref<160x128xi32, #tpu.memory_space<vmem>> -> memref<1x128xi32, #tpu.memory_space<vmem>>
          %dma_start3A_349 = tpu.memref_squeeze %dma_start3A_348 : memref<1x128xi32, #tpu.memory_space<vmem>> -> memref<128xi32, #tpu.memory_space<vmem>>
          %dma_start3A_350 = arith.constant 0 : i32
          %dma_start3A_351 = tpu.memref_slice %arg30[%dma_start3A_350] : memref<10240xf32, #tpu.memory_space<vmem_shared>> -> memref<10240xf32, #tpu.memory_space<vmem_shared>>
          tpu.enqueue_indirect_dma source(%arg24 : memref<128xf32, #tpu.memory_space<vmem>>) target(%dma_start3A_351 : memref<10240xf32, #tpu.memory_space<vmem_shared>>) offsets(%dma_start3A_349 : memref<128xi32, #tpu.memory_space<vmem>>) semaphore(%run_scoped3A : memref<!tpu.dma_semaphore, #tpu.memory_space<semaphore_mem>>) {add = true}
          %dma_wait3A_352 = arith.constant 0 : i32
          %dma_wait3A_353 = tpu.memref_slice %arg9[%add3A_321, %dma_wait3A_352] : memref<160x128xi32, #tpu.memory_space<vmem>> -> memref<1x128xi32, #tpu.memory_space<vmem>>
          %dma_wait3A_354 = tpu.memref_squeeze %dma_wait3A_353 : memref<1x128xi32, #tpu.memory_space<vmem>> -> memref<128xi32, #tpu.memory_space<vmem>>
          %dma_wait3A_355 = arith.constant 0 : i32
          %dma_wait3A_356 = tpu.memref_slice %arg30[%dma_wait3A_355] : memref<10240xf32, #tpu.memory_space<vmem_shared>> -> memref<10240xf32, #tpu.memory_space<vmem_shared>>
          tpu.wait_indirect_dma semaphore(%run_scoped3A : memref<!tpu.dma_semaphore, #tpu.memory_space<semaphore_mem>>) src(%arg24 : memref<128xf32, #tpu.memory_space<vmem>>) dst(%dma_wait3A_356 : memref<10240xf32, #tpu.memory_space<vmem_shared>>)
          tpu.yield
        }) : () -> ()
        %lt3A_327 = arith.constant 9 : i32
        %lt3A_328 = arith.cmpi slt, %scan3A_123, %lt3A_327 : i32
        %convert_element_type3A_329 = arith.extui %lt3A_328 : i1 to i32
        %cond3A_330 = arith.constant 0 : i32
        %cond3A_331 = arith.cmpi ne, %convert_element_type3A_329, %cond3A_330 : i32
        scf.if %cond3A_331 {
          %add3A_347 = arith.constant 16 : i32
          %add3A_348 = arith.addi %add3A_321, %add3A_347 : i32
          %dma_start3A_349 = arith.constant 0 : i32
          %dma_start3A_350 = tpu.memref_slice %arg8[%add3A_348, %dma_start3A_349] : memref<160x128xi32, #tpu.memory_space<vmem>> -> memref<1x128xi32, #tpu.memory_space<vmem>>
          %dma_start3A_351 = tpu.memref_squeeze %dma_start3A_350 : memref<1x128xi32, #tpu.memory_space<vmem>> -> memref<128xi32, #tpu.memory_space<vmem>>
          %dma_start3A_352 = arith.constant 0 : i32
          %dma_start3A_353 = tpu.memref_slice %arg4[%dma_start3A_352] : memref<10240xf32, #tpu.memory_space<hbm>> -> memref<10240xf32, #tpu.memory_space<hbm>>
          tpu.enqueue_indirect_dma source(%dma_start3A_353 : memref<10240xf32, #tpu.memory_space<hbm>>) target(%arg24 : memref<128xf32, #tpu.memory_space<vmem>>) offsets(%dma_start3A_351 : memref<128xi32, #tpu.memory_space<vmem>>) semaphore(%arg31 : memref<!tpu.dma_semaphore, #tpu.memory_space<semaphore_mem>>)
        } else {
        }
        %mul3A_332 = arith.constant 16 : i32
        %mul3A_333 = arith.muli %scan3A_123, %mul3A_332 : i32
        %add3A_334 = arith.constant 15 : i32
        %add3A_335 = arith.addi %mul3A_333, %add3A_334 : i32
        %dma_wait3A_336 = arith.constant 0 : i32
        %dma_wait3A_337 = tpu.memref_slice %arg8[%add3A_335, %dma_wait3A_336] : memref<160x128xi32, #tpu.memory_space<vmem>> -> memref<1x128xi32, #tpu.memory_space<vmem>>
        %dma_wait3A_338 = tpu.memref_squeeze %dma_wait3A_337 : memref<1x128xi32, #tpu.memory_space<vmem>> -> memref<128xi32, #tpu.memory_space<vmem>>
        %dma_wait3A_339 = arith.constant 0 : i32
        %dma_wait3A_340 = tpu.memref_slice %arg4[%dma_wait3A_339] : memref<10240xf32, #tpu.memory_space<hbm>> -> memref<10240xf32, #tpu.memory_space<hbm>>
        tpu.wait_indirect_dma semaphore(%arg31 : memref<!tpu.dma_semaphore, #tpu.memory_space<semaphore_mem>>) src(%dma_wait3A_340 : memref<10240xf32, #tpu.memory_space<hbm>>) dst(%arg25 : memref<128xf32, #tpu.memory_space<vmem>>)
        "tpu.region"() ({
          %run_scoped3A = tpu.sem_alloc : memref<!tpu.dma_semaphore, #tpu.memory_space<semaphore_mem>>
          %dma_start3A_347 = arith.constant 0 : i32
          %dma_start3A_348 = tpu.memref_slice %arg9[%add3A_335, %dma_start3A_347] : memref<160x128xi32, #tpu.memory_space<vmem>> -> memref<1x128xi32, #tpu.memory_space<vmem>>
          %dma_start3A_349 = tpu.memref_squeeze %dma_start3A_348 : memref<1x128xi32, #tpu.memory_space<vmem>> -> memref<128xi32, #tpu.memory_space<vmem>>
          %dma_start3A_350 = arith.constant 0 : i32
          %dma_start3A_351 = tpu.memref_slice %arg30[%dma_start3A_350] : memref<10240xf32, #tpu.memory_space<vmem_shared>> -> memref<10240xf32, #tpu.memory_space<vmem_shared>>
          tpu.enqueue_indirect_dma source(%arg25 : memref<128xf32, #tpu.memory_space<vmem>>) target(%dma_start3A_351 : memref<10240xf32, #tpu.memory_space<vmem_shared>>) offsets(%dma_start3A_349 : memref<128xi32, #tpu.memory_space<vmem>>) semaphore(%run_scoped3A : memref<!tpu.dma_semaphore, #tpu.memory_space<semaphore_mem>>) {add = true}
          %dma_wait3A_352 = arith.constant 0 : i32
          %dma_wait3A_353 = tpu.memref_slice %arg9[%add3A_335, %dma_wait3A_352] : memref<160x128xi32, #tpu.memory_space<vmem>> -> memref<1x128xi32, #tpu.memory_space<vmem>>
          %dma_wait3A_354 = tpu.memref_squeeze %dma_wait3A_353 : memref<1x128xi32, #tpu.memory_space<vmem>> -> memref<128xi32, #tpu.memory_space<vmem>>
          %dma_wait3A_355 = arith.constant 0 : i32
          %dma_wait3A_356 = tpu.memref_slice %arg30[%dma_wait3A_355] : memref<10240xf32, #tpu.memory_space<vmem_shared>> -> memref<10240xf32, #tpu.memory_space<vmem_shared>>
          tpu.wait_indirect_dma semaphore(%run_scoped3A : memref<!tpu.dma_semaphore, #tpu.memory_space<semaphore_mem>>) src(%arg25 : memref<128xf32, #tpu.memory_space<vmem>>) dst(%dma_wait3A_356 : memref<10240xf32, #tpu.memory_space<vmem_shared>>)
          tpu.yield
        }) : () -> ()
        %lt3A_341 = arith.constant 9 : i32
        %lt3A_342 = arith.cmpi slt, %scan3A_123, %lt3A_341 : i32
        %convert_element_type3A_343 = arith.extui %lt3A_342 : i1 to i32
        %cond3A_344 = arith.constant 0 : i32
        %cond3A_345 = arith.cmpi ne, %convert_element_type3A_343, %cond3A_344 : i32
        scf.if %cond3A_345 {
          %add3A_347 = arith.constant 16 : i32
          %add3A_348 = arith.addi %add3A_335, %add3A_347 : i32
          %dma_start3A_349 = arith.constant 0 : i32
          %dma_start3A_350 = tpu.memref_slice %arg8[%add3A_348, %dma_start3A_349] : memref<160x128xi32, #tpu.memory_space<vmem>> -> memref<1x128xi32, #tpu.memory_space<vmem>>
          %dma_start3A_351 = tpu.memref_squeeze %dma_start3A_350 : memref<1x128xi32, #tpu.memory_space<vmem>> -> memref<128xi32, #tpu.memory_space<vmem>>
          %dma_start3A_352 = arith.constant 0 : i32
          %dma_start3A_353 = tpu.memref_slice %arg4[%dma_start3A_352] : memref<10240xf32, #tpu.memory_space<hbm>> -> memref<10240xf32, #tpu.memory_space<hbm>>
          tpu.enqueue_indirect_dma source(%dma_start3A_353 : memref<10240xf32, #tpu.memory_space<hbm>>) target(%arg25 : memref<128xf32, #tpu.memory_space<vmem>>) offsets(%dma_start3A_351 : memref<128xi32, #tpu.memory_space<vmem>>) semaphore(%arg31 : memref<!tpu.dma_semaphore, #tpu.memory_space<semaphore_mem>>)
        } else {
        }
        %scan3A_346 = arith.constant 0 : i32
        scf.yield %scan3A_346 : i32
      }
      %scan3A_114 = arith.constant 10 : i32
      %barrier3A_115 = arith.constant 0 : index
      tpu.barrier barrier_id(%barrier3A_115)
      "tpu.region"() ({
        %run_scoped3A = tpu.sem_alloc : memref<!tpu.dma_semaphore, #tpu.memory_space<semaphore_mem>>
        %dma_start3A_123 = tpu.memref_slice %arg30[%mul3A_12] : memref<10240xf32, #tpu.memory_space<vmem_shared>> -> memref<640xf32, #tpu.memory_space<vmem_shared>>
        %dma_start3A_124 = tpu.memref_slice %arg30[%mul3A_12] : memref<10240xf32, #tpu.memory_space<vmem_shared>> -> memref<640xf32, #tpu.memory_space<vmem_shared>>
        tpu.enqueue_dma source(%dma_start3A_124 : memref<640xf32, #tpu.memory_space<vmem_shared>>) target(%arg26 : memref<640xf32, #tpu.memory_space<vmem>>) target_semaphore(%run_scoped3A : memref<!tpu.dma_semaphore, #tpu.memory_space<semaphore_mem>>)
        %dma_wait3A = tpu.memref_slice %arg30[%mul3A_12] : memref<10240xf32, #tpu.memory_space<vmem_shared>> -> memref<640xf32, #tpu.memory_space<vmem_shared>>
        %dma_wait3A_125 = tpu.memref_slice %arg30[%mul3A_12] : memref<10240xf32, #tpu.memory_space<vmem_shared>> -> memref<640xf32, #tpu.memory_space<vmem_shared>>
        tpu.wait_dma2 semaphore(%run_scoped3A : memref<!tpu.dma_semaphore, #tpu.memory_space<semaphore_mem>>) src(%dma_wait3A_125 : memref<640xf32, #tpu.memory_space<vmem_shared>>) dst(%arg26 : memref<640xf32, #tpu.memory_space<vmem>>)
        tpu.yield
      }) : () -> ()
      "tpu.region"() ({
        %run_scoped3A = tpu.sem_alloc : memref<!tpu.dma_semaphore, #tpu.memory_space<semaphore_mem>>
        %dma_start3A_123 = tpu.memref_slice %arg5[%mul3A_12] : memref<10240xf32, #tpu.memory_space<hbm>> -> memref<640xf32, #tpu.memory_space<hbm>>
        %dma_start3A_124 = tpu.memref_slice %arg5[%mul3A_12] : memref<10240xf32, #tpu.memory_space<hbm>> -> memref<640xf32, #tpu.memory_space<hbm>>
        tpu.enqueue_dma source(%dma_start3A_124 : memref<640xf32, #tpu.memory_space<hbm>>) target(%arg27 : memref<640xf32, #tpu.memory_space<vmem>>) target_semaphore(%run_scoped3A : memref<!tpu.dma_semaphore, #tpu.memory_space<semaphore_mem>>)
        %dma_wait3A = tpu.memref_slice %arg5[%mul3A_12] : memref<10240xf32, #tpu.memory_space<hbm>> -> memref<640xf32, #tpu.memory_space<hbm>>
        %dma_wait3A_125 = tpu.memref_slice %arg5[%mul3A_12] : memref<10240xf32, #tpu.memory_space<hbm>> -> memref<640xf32, #tpu.memory_space<hbm>>
        tpu.wait_dma2 semaphore(%run_scoped3A : memref<!tpu.dma_semaphore, #tpu.memory_space<semaphore_mem>>) src(%dma_wait3A_125 : memref<640xf32, #tpu.memory_space<hbm>>) dst(%arg27 : memref<640xf32, #tpu.memory_space<vmem>>)
        tpu.yield
      }) : () -> ()
      "tpu.region"() ({
        %run_scoped3A = tpu.sem_alloc : memref<!tpu.dma_semaphore, #tpu.memory_space<semaphore_mem>>
        %dma_start3A_123 = tpu.memref_slice %arg6[%mul3A_12] : memref<10240xf32, #tpu.memory_space<hbm>> -> memref<640xf32, #tpu.memory_space<hbm>>
        %dma_start3A_124 = tpu.memref_slice %arg6[%mul3A_12] : memref<10240xf32, #tpu.memory_space<hbm>> -> memref<640xf32, #tpu.memory_space<hbm>>
        tpu.enqueue_dma source(%dma_start3A_124 : memref<640xf32, #tpu.memory_space<hbm>>) target(%arg28 : memref<640xf32, #tpu.memory_space<vmem>>) target_semaphore(%run_scoped3A : memref<!tpu.dma_semaphore, #tpu.memory_space<semaphore_mem>>)
        %dma_wait3A = tpu.memref_slice %arg6[%mul3A_12] : memref<10240xf32, #tpu.memory_space<hbm>> -> memref<640xf32, #tpu.memory_space<hbm>>
        %dma_wait3A_125 = tpu.memref_slice %arg6[%mul3A_12] : memref<10240xf32, #tpu.memory_space<hbm>> -> memref<640xf32, #tpu.memory_space<hbm>>
        tpu.wait_dma2 semaphore(%run_scoped3A : memref<!tpu.dma_semaphore, #tpu.memory_space<semaphore_mem>>) src(%dma_wait3A_125 : memref<640xf32, #tpu.memory_space<hbm>>) dst(%arg28 : memref<640xf32, #tpu.memory_space<vmem>>)
        tpu.yield
      }) : () -> ()
      %scan3A_116 = arith.constant 0 : i32
      %scan3A_117 = arith.constant 0 : i32
      %scan3A_118 = arith.constant 40 : i32
      %scan3A_119 = arith.addi %scan3A_117, %scan3A_118 : i32
      %scan3A_120 = arith.constant 1 : i32
      %scan3A_121 = scf.for %scan3A_123 = %scan3A_117 to %scan3A_119 step %scan3A_120 iter_args(%scan3A_124 = %scan3A_116) -> (i32)  : i32 {
        %mul3A_125 = arith.constant 16 : i32
        %mul3A_126 = arith.muli %scan3A_123, %mul3A_125 : i32
        %get3A = arith.index_cast %mul3A_126 : i32 to index
        %get3A_127 = tpu.vector_load %arg26[%get3A] {strides = array<i32>} : memref<640xf32, #tpu.memory_space<vmem>>, vector<16xf32>,
        %get3A_128 = vector.shape_cast %get3A_127 : vector<16xf32> to vector<16xf32>
        %get3A_129 = arith.index_cast %mul3A_126 : i32 to index
        %get3A_130 = tpu.vector_load %arg27[%get3A_129] {strides = array<i32>} : memref<640xf32, #tpu.memory_space<vmem>>, vector<16xf32>,
        %get3A_131 = vector.shape_cast %get3A_130 : vector<16xf32> to vector<16xf32>
        %mul3A_132 = arith.mulf %get3A_128, %get3A_131 : vector<16xf32>
        %get3A_133 = arith.index_cast %mul3A_126 : i32 to index
        %get3A_134 = tpu.vector_load %arg28[%get3A_133] {strides = array<i32>} : memref<640xf32, #tpu.memory_space<vmem>>, vector<16xf32>,
        %get3A_135 = vector.shape_cast %get3A_134 : vector<16xf32> to vector<16xf32>
        %add3A = arith.addf %mul3A_132, %get3A_135 : vector<16xf32>
        %swap3A = arith.index_cast %mul3A_126 : i32 to index
        %swap3A_136 = tpu.vector_load %arg29[%swap3A] {strides = array<i32>} : memref<640xf32, #tpu.memory_space<vmem>>, vector<16xf32>,
        %swap3A_137 = vector.shape_cast %swap3A_136 : vector<16xf32> to vector<16xf32>
        %swap3A_138 = vector.shape_cast %add3A : vector<16xf32> to vector<16xf32>
        tpu.vector_store %arg29[%swap3A], %swap3A_138 {strides = array<i32>} : memref<640xf32, #tpu.memory_space<vmem>>, vector<16xf32>,
        %scan3A_139 = arith.constant 0 : i32
        scf.yield %scan3A_139 : i32
      }
      %scan3A_122 = arith.constant 40 : i32
      "tpu.region"() ({
        %run_scoped3A = tpu.sem_alloc : memref<!tpu.dma_semaphore, #tpu.memory_space<semaphore_mem>>
        %dma_start3A_123 = tpu.memref_slice %arg7[%mul3A_12] : memref<10240xf32, #tpu.memory_space<hbm>> -> memref<640xf32, #tpu.memory_space<hbm>>
        %dma_start3A_124 = tpu.memref_slice %arg7[%mul3A_12] : memref<10240xf32, #tpu.memory_space<hbm>> -> memref<640xf32, #tpu.memory_space<hbm>>
        tpu.enqueue_dma source(%arg29 : memref<640xf32, #tpu.memory_space<vmem>>) target(%dma_start3A_124 : memref<640xf32, #tpu.memory_space<hbm>>) target_semaphore(%run_scoped3A : memref<!tpu.dma_semaphore, #tpu.memory_space<semaphore_mem>>)
        %dma_wait3A = tpu.memref_slice %arg7[%mul3A_12] : memref<10240xf32, #tpu.memory_space<hbm>> -> memref<640xf32, #tpu.memory_space<hbm>>
        %dma_wait3A_125 = tpu.memref_slice %arg7[%mul3A_12] : memref<10240xf32, #tpu.memory_space<hbm>> -> memref<640xf32, #tpu.memory_space<hbm>>
        tpu.wait_dma2 semaphore(%run_scoped3A : memref<!tpu.dma_semaphore, #tpu.memory_space<semaphore_mem>>) src(%arg29 : memref<640xf32, #tpu.memory_space<vmem>>) dst(%dma_wait3A_125 : memref<640xf32, #tpu.memory_space<hbm>>)
        tpu.yield
      }) : () -> ()
    } else {
    }
    return
  }
}

#map = affine_map<(d0, d1) -> (0, 0)>
module attributes {stable_mosaic.version = 14 : i64} {
  func.func @_sc_agg_wide(%arg0: i32, %arg1: i32, %arg2: memref<2560x128xi32, #tpu.memory_space<hbm>>, %arg3: memref<2560x128xi32, #tpu.memory_space<hbm>>, %arg4: memref<10000x128xf32, #tpu.memory_space<hbm>>, %arg5: memref<10240x128xf32, #tpu.memory_space<hbm>>, %arg6: memref<10240x128xf32, #tpu.memory_space<hbm>>, %arg7: memref<2x10240xf32, #tpu.memory_space<hbm>>, %arg8: memref<16x128xi32, #tpu.memory_space<vmem>>, %arg9: memref<16x128xi32, #tpu.memory_space<vmem>>, %arg10: memref<128x128xf32, #tpu.memory_space<vmem>>, %arg11: memref<128x128xf32, #tpu.memory_space<vmem>>, %arg12: memref<128xf32, #tpu.memory_space<vmem>>, %arg13: memref<640xf32, #tpu.memory_space<vmem>>, %arg14: memref<10240x128xf32, #tpu.memory_space<vmem_shared>>, %arg15: memref<10240xf32, #tpu.memory_space<vmem_shared>>, %arg16: memref<!tpu.dma_semaphore, #tpu.memory_space<semaphore_mem>>) attributes {dimension_semantics = [#tpu.dimension_semantics<core_parallel>, #tpu.dimension_semantics<subcore_parallel>], iteration_bounds = array<i64: 2, 16>, scalar_prefetch = 0 : i64, scratch_operands = 9 : i64, tpu.core_type = #tpu.core_type<sc_vector_subcore>, window_params = [{transform_indices = #map}, {transform_indices = #map}, {transform_indices = #map}, {transform_indices = #map}, {transform_indices = #map}, {transform_indices = #map}]} {
    %mul3A = arith.constant 16 : i32
    %mul3A_0 = arith.muli %arg0, %mul3A : i32
    %add3A = arith.addi %mul3A_0, %arg1 : i32
    %scan3A = arith.constant 0 : i32
    %scan3A_1 = arith.constant 0 : i32
    %scan3A_2 = arith.constant 40 : i32
    %scan3A_3 = arith.addi %scan3A_1, %scan3A_2 : i32
    %scan3A_4 = arith.constant 1 : i32
    %scan3A_5 = scf.for %scan3A_64 = %scan3A_1 to %scan3A_3 step %scan3A_4 iter_args(%scan3A_65 = %scan3A) -> (i32)  : i32 {
      %broadcast_in_dim3A = arith.constant 0.000000e+00 : f32
      %broadcast_in_dim3A_66 = vector.broadcast %broadcast_in_dim3A : f32 to vector<16xf32>
      %mul3A_67 = arith.constant 16 : i32
      %mul3A_68 = arith.muli %scan3A_64, %mul3A_67 : i32
      %swap3A = arith.index_cast %mul3A_68 : i32 to index
      %swap3A_69 = tpu.vector_load %arg13[%swap3A] {strides = array<i32>} : memref<640xf32, #tpu.memory_space<vmem>>, vector<16xf32>,
      %swap3A_70 = vector.shape_cast %swap3A_69 : vector<16xf32> to vector<16xf32>
      %swap3A_71 = vector.shape_cast %broadcast_in_dim3A_66 : vector<16xf32> to vector<16xf32>
      tpu.vector_store %arg13[%swap3A], %swap3A_71 {strides = array<i32>} : memref<640xf32, #tpu.memory_space<vmem>>, vector<16xf32>,
      %scan3A_72 = arith.constant 0 : i32
      scf.yield %scan3A_72 : i32
    }
    %scan3A_6 = arith.constant 40 : i32
    %scan3A_7 = arith.constant 0 : i32
    %scan3A_8 = arith.constant 0 : i32
    %scan3A_9 = arith.constant 128 : i32
    %scan3A_10 = arith.addi %scan3A_8, %scan3A_9 : i32
    %scan3A_11 = arith.constant 1 : i32
    %scan3A_12 = scf.for %scan3A_64 = %scan3A_8 to %scan3A_10 step %scan3A_11 iter_args(%scan3A_65 = %scan3A_7) -> (i32)  : i32 {
      %scan3A_66 = arith.constant 0 : i32
      %scan3A_67 = arith.constant 0 : i32
      %scan3A_68 = arith.constant 8 : i32
      %scan3A_69 = arith.addi %scan3A_67, %scan3A_68 : i32
      %scan3A_70 = arith.constant 1 : i32
      %scan3A_71 = scf.for %scan3A_73 = %scan3A_67 to %scan3A_69 step %scan3A_70 iter_args(%scan3A_74 = %scan3A_66) -> (i32)  : i32 {
        %broadcast_in_dim3A = arith.constant 0.000000e+00 : f32
        %broadcast_in_dim3A_75 = vector.broadcast %broadcast_in_dim3A : f32 to vector<16xf32>
        %mul3A_76 = arith.constant 16 : i32
        %mul3A_77 = arith.muli %scan3A_73, %mul3A_76 : i32
        %swap3A = arith.index_cast %scan3A_64 : i32 to index
        %swap3A_78 = arith.index_cast %mul3A_77 : i32 to index
        %swap3A_79 = tpu.vector_load %arg10[%swap3A, %swap3A_78] {strides = array<i32>} : memref<128x128xf32, #tpu.memory_space<vmem>>, vector<1x16xf32>,
        %swap3A_80 = vector.shape_cast %swap3A_79 : vector<1x16xf32> to vector<16xf32>
        %swap3A_81 = vector.shape_cast %broadcast_in_dim3A_75 : vector<16xf32> to vector<1x16xf32>
        tpu.vector_store %arg10[%swap3A, %swap3A_78], %swap3A_81 {strides = array<i32>} : memref<128x128xf32, #tpu.memory_space<vmem>>, vector<1x16xf32>,
        %scan3A_82 = arith.constant 0 : i32
        scf.yield %scan3A_82 : i32
      }
      %scan3A_72 = arith.constant 8 : i32
      scf.yield %scan3A_71 : i32
    }
    %scan3A_13 = arith.constant 128 : i32
    %scan3A_14 = arith.constant 0 : i32
    %scan3A_15 = arith.constant 0 : i32
    %scan3A_16 = arith.constant 8 : i32
    %scan3A_17 = arith.addi %scan3A_15, %scan3A_16 : i32
    %scan3A_18 = arith.constant 1 : i32
    %scan3A_19 = scf.for %scan3A_64 = %scan3A_15 to %scan3A_17 step %scan3A_18 iter_args(%scan3A_65 = %scan3A_14) -> (i32)  : i32 {
      %broadcast_in_dim3A = arith.constant 1.000000e+00 : f32
      %broadcast_in_dim3A_66 = vector.broadcast %broadcast_in_dim3A : f32 to vector<16xf32>
      %mul3A_67 = arith.constant 16 : i32
      %mul3A_68 = arith.muli %scan3A_64, %mul3A_67 : i32
      %swap3A = arith.index_cast %mul3A_68 : i32 to index
      %swap3A_69 = tpu.vector_load %arg12[%swap3A] {strides = array<i32>} : memref<128xf32, #tpu.memory_space<vmem>>, vector<16xf32>,
      %swap3A_70 = vector.shape_cast %swap3A_69 : vector<16xf32> to vector<16xf32>
      %swap3A_71 = vector.shape_cast %broadcast_in_dim3A_66 : vector<16xf32> to vector<16xf32>
      tpu.vector_store %arg12[%swap3A], %swap3A_71 {strides = array<i32>} : memref<128xf32, #tpu.memory_space<vmem>>, vector<16xf32>,
      %scan3A_72 = arith.constant 0 : i32
      scf.yield %scan3A_72 : i32
    }
    %scan3A_20 = arith.constant 8 : i32
    %mul3A_21 = arith.constant 640 : i32
    %mul3A_22 = arith.muli %arg1, %mul3A_21 : i32
    %add3A_23 = arith.constant 0 : i32
    %add3A_24 = arith.addi %mul3A_22, %add3A_23 : i32
    "tpu.region"() ({
      %run_scoped3A = tpu.sem_alloc : memref<!tpu.dma_semaphore, #tpu.memory_space<semaphore_mem>>
      %dma_start3A = arith.constant 0 : i32
      %dma_start3A_64 = tpu.memref_slice %arg14[%add3A_24, %dma_start3A] : memref<10240x128xf32, #tpu.memory_space<vmem_shared>> -> memref<128x128xf32, #tpu.memory_space<vmem_shared>>
      %dma_start3A_65 = arith.constant 0 : i32
      %dma_start3A_66 = tpu.memref_slice %arg14[%add3A_24, %dma_start3A_65] : memref<10240x128xf32, #tpu.memory_space<vmem_shared>> -> memref<128x128xf32, #tpu.memory_space<vmem_shared>>
      tpu.enqueue_dma source(%arg10 : memref<128x128xf32, #tpu.memory_space<vmem>>) target(%dma_start3A_66 : memref<128x128xf32, #tpu.memory_space<vmem_shared>>) target_semaphore(%run_scoped3A : memref<!tpu.dma_semaphore, #tpu.memory_space<semaphore_mem>>)
      %dma_wait3A = arith.constant 0 : i32
      %dma_wait3A_67 = tpu.memref_slice %arg14[%add3A_24, %dma_wait3A] : memref<10240x128xf32, #tpu.memory_space<vmem_shared>> -> memref<128x128xf32, #tpu.memory_space<vmem_shared>>
      %dma_wait3A_68 = arith.constant 0 : i32
      %dma_wait3A_69 = tpu.memref_slice %arg14[%add3A_24, %dma_wait3A_68] : memref<10240x128xf32, #tpu.memory_space<vmem_shared>> -> memref<128x128xf32, #tpu.memory_space<vmem_shared>>
      tpu.wait_dma2 semaphore(%run_scoped3A : memref<!tpu.dma_semaphore, #tpu.memory_space<semaphore_mem>>) src(%arg10 : memref<128x128xf32, #tpu.memory_space<vmem>>) dst(%dma_wait3A_69 : memref<128x128xf32, #tpu.memory_space<vmem_shared>>)
      tpu.yield
    }) : () -> ()
    %add3A_25 = arith.constant 128 : i32
    %add3A_26 = arith.addi %mul3A_22, %add3A_25 : i32
    "tpu.region"() ({
      %run_scoped3A = tpu.sem_alloc : memref<!tpu.dma_semaphore, #tpu.memory_space<semaphore_mem>>
      %dma_start3A = arith.constant 0 : i32
      %dma_start3A_64 = tpu.memref_slice %arg14[%add3A_26, %dma_start3A] : memref<10240x128xf32, #tpu.memory_space<vmem_shared>> -> memref<128x128xf32, #tpu.memory_space<vmem_shared>>
      %dma_start3A_65 = arith.constant 0 : i32
      %dma_start3A_66 = tpu.memref_slice %arg14[%add3A_26, %dma_start3A_65] : memref<10240x128xf32, #tpu.memory_space<vmem_shared>> -> memref<128x128xf32, #tpu.memory_space<vmem_shared>>
      tpu.enqueue_dma source(%arg10 : memref<128x128xf32, #tpu.memory_space<vmem>>) target(%dma_start3A_66 : memref<128x128xf32, #tpu.memory_space<vmem_shared>>) target_semaphore(%run_scoped3A : memref<!tpu.dma_semaphore, #tpu.memory_space<semaphore_mem>>)
      %dma_wait3A = arith.constant 0 : i32
      %dma_wait3A_67 = tpu.memref_slice %arg14[%add3A_26, %dma_wait3A] : memref<10240x128xf32, #tpu.memory_space<vmem_shared>> -> memref<128x128xf32, #tpu.memory_space<vmem_shared>>
      %dma_wait3A_68 = arith.constant 0 : i32
      %dma_wait3A_69 = tpu.memref_slice %arg14[%add3A_26, %dma_wait3A_68] : memref<10240x128xf32, #tpu.memory_space<vmem_shared>> -> memref<128x128xf32, #tpu.memory_space<vmem_shared>>
      tpu.wait_dma2 semaphore(%run_scoped3A : memref<!tpu.dma_semaphore, #tpu.memory_space<semaphore_mem>>) src(%arg10 : memref<128x128xf32, #tpu.memory_space<vmem>>) dst(%dma_wait3A_69 : memref<128x128xf32, #tpu.memory_space<vmem_shared>>)
      tpu.yield
    }) : () -> ()
    %add3A_27 = arith.constant 256 : i32
    %add3A_28 = arith.addi %mul3A_22, %add3A_27 : i32
    "tpu.region"() ({
      %run_scoped3A = tpu.sem_alloc : memref<!tpu.dma_semaphore, #tpu.memory_space<semaphore_mem>>
      %dma_start3A = arith.constant 0 : i32
      %dma_start3A_64 = tpu.memref_slice %arg14[%add3A_28, %dma_start3A] : memref<10240x128xf32, #tpu.memory_space<vmem_shared>> -> memref<128x128xf32, #tpu.memory_space<vmem_shared>>
      %dma_start3A_65 = arith.constant 0 : i32
      %dma_start3A_66 = tpu.memref_slice %arg14[%add3A_28, %dma_start3A_65] : memref<10240x128xf32, #tpu.memory_space<vmem_shared>> -> memref<128x128xf32, #tpu.memory_space<vmem_shared>>
      tpu.enqueue_dma source(%arg10 : memref<128x128xf32, #tpu.memory_space<vmem>>) target(%dma_start3A_66 : memref<128x128xf32, #tpu.memory_space<vmem_shared>>) target_semaphore(%run_scoped3A : memref<!tpu.dma_semaphore, #tpu.memory_space<semaphore_mem>>)
      %dma_wait3A = arith.constant 0 : i32
      %dma_wait3A_67 = tpu.memref_slice %arg14[%add3A_28, %dma_wait3A] : memref<10240x128xf32, #tpu.memory_space<vmem_shared>> -> memref<128x128xf32, #tpu.memory_space<vmem_shared>>
      %dma_wait3A_68 = arith.constant 0 : i32
      %dma_wait3A_69 = tpu.memref_slice %arg14[%add3A_28, %dma_wait3A_68] : memref<10240x128xf32, #tpu.memory_space<vmem_shared>> -> memref<128x128xf32, #tpu.memory_space<vmem_shared>>
      tpu.wait_dma2 semaphore(%run_scoped3A : memref<!tpu.dma_semaphore, #tpu.memory_space<semaphore_mem>>) src(%arg10 : memref<128x128xf32, #tpu.memory_space<vmem>>) dst(%dma_wait3A_69 : memref<128x128xf32, #tpu.memory_space<vmem_shared>>)
      tpu.yield
    }) : () -> ()
    %add3A_29 = arith.constant 384 : i32
    %add3A_30 = arith.addi %mul3A_22, %add3A_29 : i32
    "tpu.region"() ({
      %run_scoped3A = tpu.sem_alloc : memref<!tpu.dma_semaphore, #tpu.memory_space<semaphore_mem>>
      %dma_start3A = arith.constant 0 : i32
      %dma_start3A_64 = tpu.memref_slice %arg14[%add3A_30, %dma_start3A] : memref<10240x128xf32, #tpu.memory_space<vmem_shared>> -> memref<128x128xf32, #tpu.memory_space<vmem_shared>>
      %dma_start3A_65 = arith.constant 0 : i32
      %dma_start3A_66 = tpu.memref_slice %arg14[%add3A_30, %dma_start3A_65] : memref<10240x128xf32, #tpu.memory_space<vmem_shared>> -> memref<128x128xf32, #tpu.memory_space<vmem_shared>>
      tpu.enqueue_dma source(%arg10 : memref<128x128xf32, #tpu.memory_space<vmem>>) target(%dma_start3A_66 : memref<128x128xf32, #tpu.memory_space<vmem_shared>>) target_semaphore(%run_scoped3A : memref<!tpu.dma_semaphore, #tpu.memory_space<semaphore_mem>>)
      %dma_wait3A = arith.constant 0 : i32
      %dma_wait3A_67 = tpu.memref_slice %arg14[%add3A_30, %dma_wait3A] : memref<10240x128xf32, #tpu.memory_space<vmem_shared>> -> memref<128x128xf32, #tpu.memory_space<vmem_shared>>
      %dma_wait3A_68 = arith.constant 0 : i32
      %dma_wait3A_69 = tpu.memref_slice %arg14[%add3A_30, %dma_wait3A_68] : memref<10240x128xf32, #tpu.memory_space<vmem_shared>> -> memref<128x128xf32, #tpu.memory_space<vmem_shared>>
      tpu.wait_dma2 semaphore(%run_scoped3A : memref<!tpu.dma_semaphore, #tpu.memory_space<semaphore_mem>>) src(%arg10 : memref<128x128xf32, #tpu.memory_space<vmem>>) dst(%dma_wait3A_69 : memref<128x128xf32, #tpu.memory_space<vmem_shared>>)
      tpu.yield
    }) : () -> ()
    %add3A_31 = arith.constant 512 : i32
    %add3A_32 = arith.addi %mul3A_22, %add3A_31 : i32
    "tpu.region"() ({
      %run_scoped3A = tpu.sem_alloc : memref<!tpu.dma_semaphore, #tpu.memory_space<semaphore_mem>>
      %dma_start3A = arith.constant 0 : i32
      %dma_start3A_64 = tpu.memref_slice %arg14[%add3A_32, %dma_start3A] : memref<10240x128xf32, #tpu.memory_space<vmem_shared>> -> memref<128x128xf32, #tpu.memory_space<vmem_shared>>
      %dma_start3A_65 = arith.constant 0 : i32
      %dma_start3A_66 = tpu.memref_slice %arg14[%add3A_32, %dma_start3A_65] : memref<10240x128xf32, #tpu.memory_space<vmem_shared>> -> memref<128x128xf32, #tpu.memory_space<vmem_shared>>
      tpu.enqueue_dma source(%arg10 : memref<128x128xf32, #tpu.memory_space<vmem>>) target(%dma_start3A_66 : memref<128x128xf32, #tpu.memory_space<vmem_shared>>) target_semaphore(%run_scoped3A : memref<!tpu.dma_semaphore, #tpu.memory_space<semaphore_mem>>)
      %dma_wait3A = arith.constant 0 : i32
      %dma_wait3A_67 = tpu.memref_slice %arg14[%add3A_32, %dma_wait3A] : memref<10240x128xf32, #tpu.memory_space<vmem_shared>> -> memref<128x128xf32, #tpu.memory_space<vmem_shared>>
      %dma_wait3A_68 = arith.constant 0 : i32
      %dma_wait3A_69 = tpu.memref_slice %arg14[%add3A_32, %dma_wait3A_68] : memref<10240x128xf32, #tpu.memory_space<vmem_shared>> -> memref<128x128xf32, #tpu.memory_space<vmem_shared>>
      tpu.wait_dma2 semaphore(%run_scoped3A : memref<!tpu.dma_semaphore, #tpu.memory_space<semaphore_mem>>) src(%arg10 : memref<128x128xf32, #tpu.memory_space<vmem>>) dst(%dma_wait3A_69 : memref<128x128xf32, #tpu.memory_space<vmem_shared>>)
      tpu.yield
    }) : () -> ()
    "tpu.region"() ({
      %run_scoped3A = tpu.sem_alloc : memref<!tpu.dma_semaphore, #tpu.memory_space<semaphore_mem>>
      %dma_start3A = tpu.memref_slice %arg15[%mul3A_22] : memref<10240xf32, #tpu.memory_space<vmem_shared>> -> memref<640xf32, #tpu.memory_space<vmem_shared>>
      %dma_start3A_64 = tpu.memref_slice %arg15[%mul3A_22] : memref<10240xf32, #tpu.memory_space<vmem_shared>> -> memref<640xf32, #tpu.memory_space<vmem_shared>>
      tpu.enqueue_dma source(%arg13 : memref<640xf32, #tpu.memory_space<vmem>>) target(%dma_start3A_64 : memref<640xf32, #tpu.memory_space<vmem_shared>>) target_semaphore(%run_scoped3A : memref<!tpu.dma_semaphore, #tpu.memory_space<semaphore_mem>>)
      %dma_wait3A = tpu.memref_slice %arg15[%mul3A_22] : memref<10240xf32, #tpu.memory_space<vmem_shared>> -> memref<640xf32, #tpu.memory_space<vmem_shared>>
      %dma_wait3A_65 = tpu.memref_slice %arg15[%mul3A_22] : memref<10240xf32, #tpu.memory_space<vmem_shared>> -> memref<640xf32, #tpu.memory_space<vmem_shared>>
      tpu.wait_dma2 semaphore(%run_scoped3A : memref<!tpu.dma_semaphore, #tpu.memory_space<semaphore_mem>>) src(%arg13 : memref<640xf32, #tpu.memory_space<vmem>>) dst(%dma_wait3A_65 : memref<640xf32, #tpu.memory_space<vmem_shared>>)
      tpu.yield
    }) : () -> ()
    %barrier3A = arith.constant 0 : index
    tpu.barrier barrier_id(%barrier3A)
    %eq3A = arith.constant 0 : i32
    %eq3A_33 = arith.cmpi eq, %arg0, %eq3A : i32
    %jit3A = arith.constant 5 : i32
    %jit3A_34 = arith.constant 5 : i32
    %select_n3A = arith.select %eq3A_33, %jit3A, %jit3A_34 : i32
    %eq3A_35 = arith.constant 0 : i32
    %eq3A_36 = arith.cmpi eq, %arg0, %eq3A_35 : i32
    %mul3A_37 = arith.constant 80 : i32
    %mul3A_38 = arith.muli %arg1, %mul3A_37 : i32
    %mul3A_39 = arith.constant 80 : i32
    %mul3A_40 = arith.muli %arg1, %mul3A_39 : i32
    %add3A_41 = arith.constant 1280 : i32
    %add3A_42 = arith.addi %add3A_41, %mul3A_40 : i32
    %select_n3A_43 = arith.select %eq3A_36, %mul3A_38, %add3A_42 : i32
    %while3A = arith.constant 0 : i32
    %while3A_44 = arith.constant 0 : i32
    %while3A_45 = arith.subi %select_n3A, %while3A : i32
    %while3A_46 = arith.addi %while3A, %while3A_45 : i32
    %while3A_47 = arith.constant 1 : i32
    %while3A_48 = arith.divsi %while3A_45, %while3A_47 : i32
    %while3A_49 = arith.muli %while3A_48, %while3A_47 : i32
    %while3A_50 = arith.addi %while3A, %while3A_49 : i32
    %while3A_51 = arith.constant 1 : i32
    %while3A_52 = scf.for %while3A_64 = %while3A to %while3A_50 step %while3A_51 iter_args(%while3A_65 = %while3A_44) -> (i32)  : i32 {
      %mul3A_66 = arith.constant 16 : i32
      %mul3A_67 = arith.muli %while3A_64, %mul3A_66 : i32
      %add3A_68 = arith.addi %select_n3A_43, %mul3A_67 : i32
      "tpu.region"() ({
        %run_scoped3A = tpu.sem_alloc : memref<!tpu.dma_semaphore, #tpu.memory_space<semaphore_mem>>
        %dma_start3A_90 = arith.constant 0 : i32
        %dma_start3A_91 = tpu.memref_slice %arg2[%add3A_68, %dma_start3A_90] : memref<2560x128xi32, #tpu.memory_space<hbm>> -> memref<16x128xi32, #tpu.memory_space<hbm>>
        %dma_start3A_92 = arith.constant 0 : i32
        %dma_start3A_93 = tpu.memref_slice %arg2[%add3A_68, %dma_start3A_92] : memref<2560x128xi32, #tpu.memory_space<hbm>> -> memref<16x128xi32, #tpu.memory_space<hbm>>
        tpu.enqueue_dma source(%dma_start3A_93 : memref<16x128xi32, #tpu.memory_space<hbm>>) target(%arg8 : memref<16x128xi32, #tpu.memory_space<vmem>>) target_semaphore(%run_scoped3A : memref<!tpu.dma_semaphore, #tpu.memory_space<semaphore_mem>>)
        %dma_wait3A = arith.constant 0 : i32
        %dma_wait3A_94 = tpu.memref_slice %arg2[%add3A_68, %dma_wait3A] : memref<2560x128xi32, #tpu.memory_space<hbm>> -> memref<16x128xi32, #tpu.memory_space<hbm>>
        %dma_wait3A_95 = arith.constant 0 : i32
        %dma_wait3A_96 = tpu.memref_slice %arg2[%add3A_68, %dma_wait3A_95] : memref<2560x128xi32, #tpu.memory_space<hbm>> -> memref<16x128xi32, #tpu.memory_space<hbm>>
        tpu.wait_dma2 semaphore(%run_scoped3A : memref<!tpu.dma_semaphore, #tpu.memory_space<semaphore_mem>>) src(%dma_wait3A_96 : memref<16x128xi32, #tpu.memory_space<hbm>>) dst(%arg8 : memref<16x128xi32, #tpu.memory_space<vmem>>)
        tpu.yield
      }) : () -> ()
      "tpu.region"() ({
        %run_scoped3A = tpu.sem_alloc : memref<!tpu.dma_semaphore, #tpu.memory_space<semaphore_mem>>
        %dma_start3A_90 = arith.constant 0 : i32
        %dma_start3A_91 = tpu.memref_slice %arg3[%add3A_68, %dma_start3A_90] : memref<2560x128xi32, #tpu.memory_space<hbm>> -> memref<16x128xi32, #tpu.memory_space<hbm>>
        %dma_start3A_92 = arith.constant 0 : i32
        %dma_start3A_93 = tpu.memref_slice %arg3[%add3A_68, %dma_start3A_92] : memref<2560x128xi32, #tpu.memory_space<hbm>> -> memref<16x128xi32, #tpu.memory_space<hbm>>
        tpu.enqueue_dma source(%dma_start3A_93 : memref<16x128xi32, #tpu.memory_space<hbm>>) target(%arg9 : memref<16x128xi32, #tpu.memory_space<vmem>>) target_semaphore(%run_scoped3A : memref<!tpu.dma_semaphore, #tpu.memory_space<semaphore_mem>>)
        %dma_wait3A = arith.constant 0 : i32
        %dma_wait3A_94 = tpu.memref_slice %arg3[%add3A_68, %dma_wait3A] : memref<2560x128xi32, #tpu.memory_space<hbm>> -> memref<16x128xi32, #tpu.memory_space<hbm>>
        %dma_wait3A_95 = arith.constant 0 : i32
        %dma_wait3A_96 = tpu.memref_slice %arg3[%add3A_68, %dma_wait3A_95] : memref<2560x128xi32, #tpu.memory_space<hbm>> -> memref<16x128xi32, #tpu.memory_space<hbm>>
        tpu.wait_dma2 semaphore(%run_scoped3A : memref<!tpu.dma_semaphore, #tpu.memory_space<semaphore_mem>>) src(%dma_wait3A_96 : memref<16x128xi32, #tpu.memory_space<hbm>>) dst(%arg9 : memref<16x128xi32, #tpu.memory_space<vmem>>)
        tpu.yield
      }) : () -> ()
      %dma_start3A = arith.constant 0 : i32
      %dma_start3A_69 = arith.constant 0 : i32
      %dma_start3A_70 = tpu.memref_slice %arg8[%dma_start3A, %dma_start3A_69] : memref<16x128xi32, #tpu.memory_space<vmem>> -> memref<1x128xi32, #tpu.memory_space<vmem>>
      %dma_start3A_71 = tpu.memref_squeeze %dma_start3A_70 : memref<1x128xi32, #tpu.memory_space<vmem>> -> memref<128xi32, #tpu.memory_space<vmem>>
      %dma_start3A_72 = arith.constant 0 : i32
      %dma_start3A_73 = arith.constant 0 : i32
      %dma_start3A_74 = tpu.memref_slice %arg4[%dma_start3A_72, %dma_start3A_73] : memref<10000x128xf32, #tpu.memory_space<hbm>> -> memref<10000x128xf32, #tpu.memory_space<hbm>>
      tpu.enqueue_indirect_dma source(%dma_start3A_74 : memref<10000x128xf32, #tpu.memory_space<hbm>>) target(%arg10 : memref<128x128xf32, #tpu.memory_space<vmem>>) offsets(%dma_start3A_71 : memref<128xi32, #tpu.memory_space<vmem>>) semaphore(%arg16 : memref<!tpu.dma_semaphore, #tpu.memory_space<semaphore_mem>>)
      %dma_start3A_75 = arith.constant 1 : i32
      %dma_start3A_76 = arith.constant 0 : i32
      %dma_start3A_77 = tpu.memref_slice %arg8[%dma_start3A_75, %dma_start3A_76] : memref<16x128xi32, #tpu.memory_space<vmem>> -> memref<1x128xi32, #tpu.memory_space<vmem>>
      %dma_start3A_78 = tpu.memref_squeeze %dma_start3A_77 : memref<1x128xi32, #tpu.memory_space<vmem>> -> memref<128xi32, #tpu.memory_space<vmem>>
      %dma_start3A_79 = arith.constant 0 : i32
      %dma_start3A_80 = arith.constant 0 : i32
      %dma_start3A_81 = tpu.memref_slice %arg4[%dma_start3A_79, %dma_start3A_80] : memref<10000x128xf32, #tpu.memory_space<hbm>> -> memref<10000x128xf32, #tpu.memory_space<hbm>>
      tpu.enqueue_indirect_dma source(%dma_start3A_81 : memref<10000x128xf32, #tpu.memory_space<hbm>>) target(%arg11 : memref<128x128xf32, #tpu.memory_space<vmem>>) offsets(%dma_start3A_78 : memref<128xi32, #tpu.memory_space<vmem>>) semaphore(%arg16 : memref<!tpu.dma_semaphore, #tpu.memory_space<semaphore_mem>>)
      %scan3A_82 = arith.constant 0 : i32
      %scan3A_83 = arith.constant 0 : i32
      %scan3A_84 = arith.constant 8 : i32
      %scan3A_85 = arith.addi %scan3A_83, %scan3A_84 : i32
      %scan3A_86 = arith.constant 1 : i32
      %scan3A_87 = scf.for %scan3A_90 = %scan3A_83 to %scan3A_85 step %scan3A_86 iter_args(%scan3A_91 = %scan3A_82) -> (i32)  : i32 {
        %mul3A_92 = arith.constant 2 : i32
        %mul3A_93 = arith.muli %scan3A_90, %mul3A_92 : i32
        %add3A_94 = arith.constant 0 : i32
        %add3A_95 = arith.addi %mul3A_93, %add3A_94 : i32
        %dma_wait3A = arith.constant 0 : i32
        %dma_wait3A_96 = tpu.memref_slice %arg8[%add3A_95, %dma_wait3A] : memref<16x128xi32, #tpu.memory_space<vmem>> -> memref<1x128xi32, #tpu.memory_space<vmem>>
        %dma_wait3A_97 = tpu.memref_squeeze %dma_wait3A_96 : memref<1x128xi32, #tpu.memory_space<vmem>> -> memref<128xi32, #tpu.memory_space<vmem>>
        %dma_wait3A_98 = arith.constant 0 : i32
        %dma_wait3A_99 = arith.constant 0 : i32
        %dma_wait3A_100 = tpu.memref_slice %arg4[%dma_wait3A_98, %dma_wait3A_99] : memref<10000x128xf32, #tpu.memory_space<hbm>> -> memref<10000x128xf32, #tpu.memory_space<hbm>>
        tpu.wait_indirect_dma semaphore(%arg16 : memref<!tpu.dma_semaphore, #tpu.memory_space<semaphore_mem>>) src(%dma_wait3A_100 : memref<10000x128xf32, #tpu.memory_space<hbm>>) dst(%arg10 : memref<128x128xf32, #tpu.memory_space<vmem>>)
        "tpu.region"() ({
          %run_scoped3A = tpu.sem_alloc : memref<!tpu.dma_semaphore, #tpu.memory_space<semaphore_mem>>
          %dma_start3A_121 = arith.constant 0 : i32
          %dma_start3A_122 = tpu.memref_slice %arg9[%add3A_95, %dma_start3A_121] : memref<16x128xi32, #tpu.memory_space<vmem>> -> memref<1x128xi32, #tpu.memory_space<vmem>>
          %dma_start3A_123 = tpu.memref_squeeze %dma_start3A_122 : memref<1x128xi32, #tpu.memory_space<vmem>> -> memref<128xi32, #tpu.memory_space<vmem>>
          %dma_start3A_124 = arith.constant 0 : i32
          %dma_start3A_125 = arith.constant 0 : i32
          %dma_start3A_126 = tpu.memref_slice %arg14[%dma_start3A_124, %dma_start3A_125] : memref<10240x128xf32, #tpu.memory_space<vmem_shared>> -> memref<10240x128xf32, #tpu.memory_space<vmem_shared>>
          tpu.enqueue_indirect_dma source(%arg10 : memref<128x128xf32, #tpu.memory_space<vmem>>) target(%dma_start3A_126 : memref<10240x128xf32, #tpu.memory_space<vmem_shared>>) offsets(%dma_start3A_123 : memref<128xi32, #tpu.memory_space<vmem>>) semaphore(%run_scoped3A : memref<!tpu.dma_semaphore, #tpu.memory_space<semaphore_mem>>) {add = true}
          %dma_wait3A_127 = arith.constant 0 : i32
          %dma_wait3A_128 = tpu.memref_slice %arg9[%add3A_95, %dma_wait3A_127] : memref<16x128xi32, #tpu.memory_space<vmem>> -> memref<1x128xi32, #tpu.memory_space<vmem>>
          %dma_wait3A_129 = tpu.memref_squeeze %dma_wait3A_128 : memref<1x128xi32, #tpu.memory_space<vmem>> -> memref<128xi32, #tpu.memory_space<vmem>>
          %dma_wait3A_130 = arith.constant 0 : i32
          %dma_wait3A_131 = arith.constant 0 : i32
          %dma_wait3A_132 = tpu.memref_slice %arg14[%dma_wait3A_130, %dma_wait3A_131] : memref<10240x128xf32, #tpu.memory_space<vmem_shared>> -> memref<10240x128xf32, #tpu.memory_space<vmem_shared>>
          tpu.wait_indirect_dma semaphore(%run_scoped3A : memref<!tpu.dma_semaphore, #tpu.memory_space<semaphore_mem>>) src(%arg10 : memref<128x128xf32, #tpu.memory_space<vmem>>) dst(%dma_wait3A_132 : memref<10240x128xf32, #tpu.memory_space<vmem_shared>>)
          tpu.yield
        }) : () -> ()
        "tpu.region"() ({
          %run_scoped3A = tpu.sem_alloc : memref<!tpu.dma_semaphore, #tpu.memory_space<semaphore_mem>>
          %dma_start3A_121 = arith.constant 0 : i32
          %dma_start3A_122 = tpu.memref_slice %arg9[%add3A_95, %dma_start3A_121] : memref<16x128xi32, #tpu.memory_space<vmem>> -> memref<1x128xi32, #tpu.memory_space<vmem>>
          %dma_start3A_123 = tpu.memref_squeeze %dma_start3A_122 : memref<1x128xi32, #tpu.memory_space<vmem>> -> memref<128xi32, #tpu.memory_space<vmem>>
          %dma_start3A_124 = arith.constant 0 : i32
          %dma_start3A_125 = tpu.memref_slice %arg15[%dma_start3A_124] : memref<10240xf32, #tpu.memory_space<vmem_shared>> -> memref<10240xf32, #tpu.memory_space<vmem_shared>>
          tpu.enqueue_indirect_dma source(%arg12 : memref<128xf32, #tpu.memory_space<vmem>>) target(%dma_start3A_125 : memref<10240xf32, #tpu.memory_space<vmem_shared>>) offsets(%dma_start3A_123 : memref<128xi32, #tpu.memory_space<vmem>>) semaphore(%run_scoped3A : memref<!tpu.dma_semaphore, #tpu.memory_space<semaphore_mem>>) {add = true}
          %dma_wait3A_126 = arith.constant 0 : i32
          %dma_wait3A_127 = tpu.memref_slice %arg9[%add3A_95, %dma_wait3A_126] : memref<16x128xi32, #tpu.memory_space<vmem>> -> memref<1x128xi32, #tpu.memory_space<vmem>>
          %dma_wait3A_128 = tpu.memref_squeeze %dma_wait3A_127 : memref<1x128xi32, #tpu.memory_space<vmem>> -> memref<128xi32, #tpu.memory_space<vmem>>
          %dma_wait3A_129 = arith.constant 0 : i32
          %dma_wait3A_130 = tpu.memref_slice %arg15[%dma_wait3A_129] : memref<10240xf32, #tpu.memory_space<vmem_shared>> -> memref<10240xf32, #tpu.memory_space<vmem_shared>>
          tpu.wait_indirect_dma semaphore(%run_scoped3A : memref<!tpu.dma_semaphore, #tpu.memory_space<semaphore_mem>>) src(%arg12 : memref<128xf32, #tpu.memory_space<vmem>>) dst(%dma_wait3A_130 : memref<10240xf32, #tpu.memory_space<vmem_shared>>)
          tpu.yield
        }) : () -> ()
        %lt3A = arith.constant 7 : i32
        %lt3A_101 = arith.cmpi slt, %scan3A_90, %lt3A : i32
        %convert_element_type3A_102 = arith.extui %lt3A_101 : i1 to i32
        %cond3A_103 = arith.constant 0 : i32
        %cond3A_104 = arith.cmpi ne, %convert_element_type3A_102, %cond3A_103 : i32
        scf.if %cond3A_104 {
          %add3A_121 = arith.constant 2 : i32
          %add3A_122 = arith.addi %add3A_95, %add3A_121 : i32
          %dma_start3A_123 = arith.constant 0 : i32
          %dma_start3A_124 = tpu.memref_slice %arg8[%add3A_122, %dma_start3A_123] : memref<16x128xi32, #tpu.memory_space<vmem>> -> memref<1x128xi32, #tpu.memory_space<vmem>>
          %dma_start3A_125 = tpu.memref_squeeze %dma_start3A_124 : memref<1x128xi32, #tpu.memory_space<vmem>> -> memref<128xi32, #tpu.memory_space<vmem>>
          %dma_start3A_126 = arith.constant 0 : i32
          %dma_start3A_127 = arith.constant 0 : i32
          %dma_start3A_128 = tpu.memref_slice %arg4[%dma_start3A_126, %dma_start3A_127] : memref<10000x128xf32, #tpu.memory_space<hbm>> -> memref<10000x128xf32, #tpu.memory_space<hbm>>
          tpu.enqueue_indirect_dma source(%dma_start3A_128 : memref<10000x128xf32, #tpu.memory_space<hbm>>) target(%arg10 : memref<128x128xf32, #tpu.memory_space<vmem>>) offsets(%dma_start3A_125 : memref<128xi32, #tpu.memory_space<vmem>>) semaphore(%arg16 : memref<!tpu.dma_semaphore, #tpu.memory_space<semaphore_mem>>)
        } else {
        }
        %mul3A_105 = arith.constant 2 : i32
        %mul3A_106 = arith.muli %scan3A_90, %mul3A_105 : i32
        %add3A_107 = arith.constant 1 : i32
        %add3A_108 = arith.addi %mul3A_106, %add3A_107 : i32
        %dma_wait3A_109 = arith.constant 0 : i32
        %dma_wait3A_110 = tpu.memref_slice %arg8[%add3A_108, %dma_wait3A_109] : memref<16x128xi32, #tpu.memory_space<vmem>> -> memref<1x128xi32, #tpu.memory_space<vmem>>
        %dma_wait3A_111 = tpu.memref_squeeze %dma_wait3A_110 : memref<1x128xi32, #tpu.memory_space<vmem>> -> memref<128xi32, #tpu.memory_space<vmem>>
        %dma_wait3A_112 = arith.constant 0 : i32
        %dma_wait3A_113 = arith.constant 0 : i32
        %dma_wait3A_114 = tpu.memref_slice %arg4[%dma_wait3A_112, %dma_wait3A_113] : memref<10000x128xf32, #tpu.memory_space<hbm>> -> memref<10000x128xf32, #tpu.memory_space<hbm>>
        tpu.wait_indirect_dma semaphore(%arg16 : memref<!tpu.dma_semaphore, #tpu.memory_space<semaphore_mem>>) src(%dma_wait3A_114 : memref<10000x128xf32, #tpu.memory_space<hbm>>) dst(%arg11 : memref<128x128xf32, #tpu.memory_space<vmem>>)
        "tpu.region"() ({
          %run_scoped3A = tpu.sem_alloc : memref<!tpu.dma_semaphore, #tpu.memory_space<semaphore_mem>>
          %dma_start3A_121 = arith.constant 0 : i32
          %dma_start3A_122 = tpu.memref_slice %arg9[%add3A_108, %dma_start3A_121] : memref<16x128xi32, #tpu.memory_space<vmem>> -> memref<1x128xi32, #tpu.memory_space<vmem>>
          %dma_start3A_123 = tpu.memref_squeeze %dma_start3A_122 : memref<1x128xi32, #tpu.memory_space<vmem>> -> memref<128xi32, #tpu.memory_space<vmem>>
          %dma_start3A_124 = arith.constant 0 : i32
          %dma_start3A_125 = arith.constant 0 : i32
          %dma_start3A_126 = tpu.memref_slice %arg14[%dma_start3A_124, %dma_start3A_125] : memref<10240x128xf32, #tpu.memory_space<vmem_shared>> -> memref<10240x128xf32, #tpu.memory_space<vmem_shared>>
          tpu.enqueue_indirect_dma source(%arg11 : memref<128x128xf32, #tpu.memory_space<vmem>>) target(%dma_start3A_126 : memref<10240x128xf32, #tpu.memory_space<vmem_shared>>) offsets(%dma_start3A_123 : memref<128xi32, #tpu.memory_space<vmem>>) semaphore(%run_scoped3A : memref<!tpu.dma_semaphore, #tpu.memory_space<semaphore_mem>>) {add = true}
          %dma_wait3A_127 = arith.constant 0 : i32
          %dma_wait3A_128 = tpu.memref_slice %arg9[%add3A_108, %dma_wait3A_127] : memref<16x128xi32, #tpu.memory_space<vmem>> -> memref<1x128xi32, #tpu.memory_space<vmem>>
          %dma_wait3A_129 = tpu.memref_squeeze %dma_wait3A_128 : memref<1x128xi32, #tpu.memory_space<vmem>> -> memref<128xi32, #tpu.memory_space<vmem>>
          %dma_wait3A_130 = arith.constant 0 : i32
          %dma_wait3A_131 = arith.constant 0 : i32
          %dma_wait3A_132 = tpu.memref_slice %arg14[%dma_wait3A_130, %dma_wait3A_131] : memref<10240x128xf32, #tpu.memory_space<vmem_shared>> -> memref<10240x128xf32, #tpu.memory_space<vmem_shared>>
          tpu.wait_indirect_dma semaphore(%run_scoped3A : memref<!tpu.dma_semaphore, #tpu.memory_space<semaphore_mem>>) src(%arg11 : memref<128x128xf32, #tpu.memory_space<vmem>>) dst(%dma_wait3A_132 : memref<10240x128xf32, #tpu.memory_space<vmem_shared>>)
          tpu.yield
        }) : () -> ()
        "tpu.region"() ({
          %run_scoped3A = tpu.sem_alloc : memref<!tpu.dma_semaphore, #tpu.memory_space<semaphore_mem>>
          %dma_start3A_121 = arith.constant 0 : i32
          %dma_start3A_122 = tpu.memref_slice %arg9[%add3A_108, %dma_start3A_121] : memref<16x128xi32, #tpu.memory_space<vmem>> -> memref<1x128xi32, #tpu.memory_space<vmem>>
          %dma_start3A_123 = tpu.memref_squeeze %dma_start3A_122 : memref<1x128xi32, #tpu.memory_space<vmem>> -> memref<128xi32, #tpu.memory_space<vmem>>
          %dma_start3A_124 = arith.constant 0 : i32
          %dma_start3A_125 = tpu.memref_slice %arg15[%dma_start3A_124] : memref<10240xf32, #tpu.memory_space<vmem_shared>> -> memref<10240xf32, #tpu.memory_space<vmem_shared>>
          tpu.enqueue_indirect_dma source(%arg12 : memref<128xf32, #tpu.memory_space<vmem>>) target(%dma_start3A_125 : memref<10240xf32, #tpu.memory_space<vmem_shared>>) offsets(%dma_start3A_123 : memref<128xi32, #tpu.memory_space<vmem>>) semaphore(%run_scoped3A : memref<!tpu.dma_semaphore, #tpu.memory_space<semaphore_mem>>) {add = true}
          %dma_wait3A_126 = arith.constant 0 : i32
          %dma_wait3A_127 = tpu.memref_slice %arg9[%add3A_108, %dma_wait3A_126] : memref<16x128xi32, #tpu.memory_space<vmem>> -> memref<1x128xi32, #tpu.memory_space<vmem>>
          %dma_wait3A_128 = tpu.memref_squeeze %dma_wait3A_127 : memref<1x128xi32, #tpu.memory_space<vmem>> -> memref<128xi32, #tpu.memory_space<vmem>>
          %dma_wait3A_129 = arith.constant 0 : i32
          %dma_wait3A_130 = tpu.memref_slice %arg15[%dma_wait3A_129] : memref<10240xf32, #tpu.memory_space<vmem_shared>> -> memref<10240xf32, #tpu.memory_space<vmem_shared>>
          tpu.wait_indirect_dma semaphore(%run_scoped3A : memref<!tpu.dma_semaphore, #tpu.memory_space<semaphore_mem>>) src(%arg12 : memref<128xf32, #tpu.memory_space<vmem>>) dst(%dma_wait3A_130 : memref<10240xf32, #tpu.memory_space<vmem_shared>>)
          tpu.yield
        }) : () -> ()
        %lt3A_115 = arith.constant 7 : i32
        %lt3A_116 = arith.cmpi slt, %scan3A_90, %lt3A_115 : i32
        %convert_element_type3A_117 = arith.extui %lt3A_116 : i1 to i32
        %cond3A_118 = arith.constant 0 : i32
        %cond3A_119 = arith.cmpi ne, %convert_element_type3A_117, %cond3A_118 : i32
        scf.if %cond3A_119 {
          %add3A_121 = arith.constant 2 : i32
          %add3A_122 = arith.addi %add3A_108, %add3A_121 : i32
          %dma_start3A_123 = arith.constant 0 : i32
          %dma_start3A_124 = tpu.memref_slice %arg8[%add3A_122, %dma_start3A_123] : memref<16x128xi32, #tpu.memory_space<vmem>> -> memref<1x128xi32, #tpu.memory_space<vmem>>
          %dma_start3A_125 = tpu.memref_squeeze %dma_start3A_124 : memref<1x128xi32, #tpu.memory_space<vmem>> -> memref<128xi32, #tpu.memory_space<vmem>>
          %dma_start3A_126 = arith.constant 0 : i32
          %dma_start3A_127 = arith.constant 0 : i32
          %dma_start3A_128 = tpu.memref_slice %arg4[%dma_start3A_126, %dma_start3A_127] : memref<10000x128xf32, #tpu.memory_space<hbm>> -> memref<10000x128xf32, #tpu.memory_space<hbm>>
          tpu.enqueue_indirect_dma source(%dma_start3A_128 : memref<10000x128xf32, #tpu.memory_space<hbm>>) target(%arg11 : memref<128x128xf32, #tpu.memory_space<vmem>>) offsets(%dma_start3A_125 : memref<128xi32, #tpu.memory_space<vmem>>) semaphore(%arg16 : memref<!tpu.dma_semaphore, #tpu.memory_space<semaphore_mem>>)
        } else {
        }
        %scan3A_120 = arith.constant 0 : i32
        scf.yield %scan3A_120 : i32
      }
      %scan3A_88 = arith.constant 8 : i32
      %while3A_89 = arith.constant 0 : i32
      scf.yield %while3A_89 : i32
    }
    %while3A_53 = arith.constant 1 : i32
    %while3A_54 = scf.for %while3A_64 = %while3A_50 to %while3A_46 step %while3A_53 iter_args(%while3A_65 = %while3A_52) -> (i32)  : i32 {
      %mul3A_66 = arith.constant 16 : i32
      %mul3A_67 = arith.muli %while3A_64, %mul3A_66 : i32
      %add3A_68 = arith.addi %select_n3A_43, %mul3A_67 : i32
      "tpu.region"() ({
        %run_scoped3A = tpu.sem_alloc : memref<!tpu.dma_semaphore, #tpu.memory_space<semaphore_mem>>
        %dma_start3A_90 = arith.constant 0 : i32
        %dma_start3A_91 = tpu.memref_slice %arg2[%add3A_68, %dma_start3A_90] : memref<2560x128xi32, #tpu.memory_space<hbm>> -> memref<16x128xi32, #tpu.memory_space<hbm>>
        %dma_start3A_92 = arith.constant 0 : i32
        %dma_start3A_93 = tpu.memref_slice %arg2[%add3A_68, %dma_start3A_92] : memref<2560x128xi32, #tpu.memory_space<hbm>> -> memref<16x128xi32, #tpu.memory_space<hbm>>
        tpu.enqueue_dma source(%dma_start3A_93 : memref<16x128xi32, #tpu.memory_space<hbm>>) target(%arg8 : memref<16x128xi32, #tpu.memory_space<vmem>>) target_semaphore(%run_scoped3A : memref<!tpu.dma_semaphore, #tpu.memory_space<semaphore_mem>>)
        %dma_wait3A = arith.constant 0 : i32
        %dma_wait3A_94 = tpu.memref_slice %arg2[%add3A_68, %dma_wait3A] : memref<2560x128xi32, #tpu.memory_space<hbm>> -> memref<16x128xi32, #tpu.memory_space<hbm>>
        %dma_wait3A_95 = arith.constant 0 : i32
        %dma_wait3A_96 = tpu.memref_slice %arg2[%add3A_68, %dma_wait3A_95] : memref<2560x128xi32, #tpu.memory_space<hbm>> -> memref<16x128xi32, #tpu.memory_space<hbm>>
        tpu.wait_dma2 semaphore(%run_scoped3A : memref<!tpu.dma_semaphore, #tpu.memory_space<semaphore_mem>>) src(%dma_wait3A_96 : memref<16x128xi32, #tpu.memory_space<hbm>>) dst(%arg8 : memref<16x128xi32, #tpu.memory_space<vmem>>)
        tpu.yield
      }) : () -> ()
      "tpu.region"() ({
        %run_scoped3A = tpu.sem_alloc : memref<!tpu.dma_semaphore, #tpu.memory_space<semaphore_mem>>
        %dma_start3A_90 = arith.constant 0 : i32
        %dma_start3A_91 = tpu.memref_slice %arg3[%add3A_68, %dma_start3A_90] : memref<2560x128xi32, #tpu.memory_space<hbm>> -> memref<16x128xi32, #tpu.memory_space<hbm>>
        %dma_start3A_92 = arith.constant 0 : i32
        %dma_start3A_93 = tpu.memref_slice %arg3[%add3A_68, %dma_start3A_92] : memref<2560x128xi32, #tpu.memory_space<hbm>> -> memref<16x128xi32, #tpu.memory_space<hbm>>
        tpu.enqueue_dma source(%dma_start3A_93 : memref<16x128xi32, #tpu.memory_space<hbm>>) target(%arg9 : memref<16x128xi32, #tpu.memory_space<vmem>>) target_semaphore(%run_scoped3A : memref<!tpu.dma_semaphore, #tpu.memory_space<semaphore_mem>>)
        %dma_wait3A = arith.constant 0 : i32
        %dma_wait3A_94 = tpu.memref_slice %arg3[%add3A_68, %dma_wait3A] : memref<2560x128xi32, #tpu.memory_space<hbm>> -> memref<16x128xi32, #tpu.memory_space<hbm>>
        %dma_wait3A_95 = arith.constant 0 : i32
        %dma_wait3A_96 = tpu.memref_slice %arg3[%add3A_68, %dma_wait3A_95] : memref<2560x128xi32, #tpu.memory_space<hbm>> -> memref<16x128xi32, #tpu.memory_space<hbm>>
        tpu.wait_dma2 semaphore(%run_scoped3A : memref<!tpu.dma_semaphore, #tpu.memory_space<semaphore_mem>>) src(%dma_wait3A_96 : memref<16x128xi32, #tpu.memory_space<hbm>>) dst(%arg9 : memref<16x128xi32, #tpu.memory_space<vmem>>)
        tpu.yield
      }) : () -> ()
      %dma_start3A = arith.constant 0 : i32
      %dma_start3A_69 = arith.constant 0 : i32
      %dma_start3A_70 = tpu.memref_slice %arg8[%dma_start3A, %dma_start3A_69] : memref<16x128xi32, #tpu.memory_space<vmem>> -> memref<1x128xi32, #tpu.memory_space<vmem>>
      %dma_start3A_71 = tpu.memref_squeeze %dma_start3A_70 : memref<1x128xi32, #tpu.memory_space<vmem>> -> memref<128xi32, #tpu.memory_space<vmem>>
      %dma_start3A_72 = arith.constant 0 : i32
      %dma_start3A_73 = arith.constant 0 : i32
      %dma_start3A_74 = tpu.memref_slice %arg4[%dma_start3A_72, %dma_start3A_73] : memref<10000x128xf32, #tpu.memory_space<hbm>> -> memref<10000x128xf32, #tpu.memory_space<hbm>>
      tpu.enqueue_indirect_dma source(%dma_start3A_74 : memref<10000x128xf32, #tpu.memory_space<hbm>>) target(%arg10 : memref<128x128xf32, #tpu.memory_space<vmem>>) offsets(%dma_start3A_71 : memref<128xi32, #tpu.memory_space<vmem>>) semaphore(%arg16 : memref<!tpu.dma_semaphore, #tpu.memory_space<semaphore_mem>>)
      %dma_start3A_75 = arith.constant 1 : i32
      %dma_start3A_76 = arith.constant 0 : i32
      %dma_start3A_77 = tpu.memref_slice %arg8[%dma_start3A_75, %dma_start3A_76] : memref<16x128xi32, #tpu.memory_space<vmem>> -> memref<1x128xi32, #tpu.memory_space<vmem>>
      %dma_start3A_78 = tpu.memref_squeeze %dma_start3A_77 : memref<1x128xi32, #tpu.memory_space<vmem>> -> memref<128xi32, #tpu.memory_space<vmem>>
      %dma_start3A_79 = arith.constant 0 : i32
      %dma_start3A_80 = arith.constant 0 : i32
      %dma_start3A_81 = tpu.memref_slice %arg4[%dma_start3A_79, %dma_start3A_80] : memref<10000x128xf32, #tpu.memory_space<hbm>> -> memref<10000x128xf32, #tpu.memory_space<hbm>>
      tpu.enqueue_indirect_dma source(%dma_start3A_81 : memref<10000x128xf32, #tpu.memory_space<hbm>>) target(%arg11 : memref<128x128xf32, #tpu.memory_space<vmem>>) offsets(%dma_start3A_78 : memref<128xi32, #tpu.memory_space<vmem>>) semaphore(%arg16 : memref<!tpu.dma_semaphore, #tpu.memory_space<semaphore_mem>>)
      %scan3A_82 = arith.constant 0 : i32
      %scan3A_83 = arith.constant 0 : i32
      %scan3A_84 = arith.constant 8 : i32
      %scan3A_85 = arith.addi %scan3A_83, %scan3A_84 : i32
      %scan3A_86 = arith.constant 1 : i32
      %scan3A_87 = scf.for %scan3A_90 = %scan3A_83 to %scan3A_85 step %scan3A_86 iter_args(%scan3A_91 = %scan3A_82) -> (i32)  : i32 {
        %mul3A_92 = arith.constant 2 : i32
        %mul3A_93 = arith.muli %scan3A_90, %mul3A_92 : i32
        %add3A_94 = arith.constant 0 : i32
        %add3A_95 = arith.addi %mul3A_93, %add3A_94 : i32
        %dma_wait3A = arith.constant 0 : i32
        %dma_wait3A_96 = tpu.memref_slice %arg8[%add3A_95, %dma_wait3A] : memref<16x128xi32, #tpu.memory_space<vmem>> -> memref<1x128xi32, #tpu.memory_space<vmem>>
        %dma_wait3A_97 = tpu.memref_squeeze %dma_wait3A_96 : memref<1x128xi32, #tpu.memory_space<vmem>> -> memref<128xi32, #tpu.memory_space<vmem>>
        %dma_wait3A_98 = arith.constant 0 : i32
        %dma_wait3A_99 = arith.constant 0 : i32
        %dma_wait3A_100 = tpu.memref_slice %arg4[%dma_wait3A_98, %dma_wait3A_99] : memref<10000x128xf32, #tpu.memory_space<hbm>> -> memref<10000x128xf32, #tpu.memory_space<hbm>>
        tpu.wait_indirect_dma semaphore(%arg16 : memref<!tpu.dma_semaphore, #tpu.memory_space<semaphore_mem>>) src(%dma_wait3A_100 : memref<10000x128xf32, #tpu.memory_space<hbm>>) dst(%arg10 : memref<128x128xf32, #tpu.memory_space<vmem>>)
        "tpu.region"() ({
          %run_scoped3A = tpu.sem_alloc : memref<!tpu.dma_semaphore, #tpu.memory_space<semaphore_mem>>
          %dma_start3A_121 = arith.constant 0 : i32
          %dma_start3A_122 = tpu.memref_slice %arg9[%add3A_95, %dma_start3A_121] : memref<16x128xi32, #tpu.memory_space<vmem>> -> memref<1x128xi32, #tpu.memory_space<vmem>>
          %dma_start3A_123 = tpu.memref_squeeze %dma_start3A_122 : memref<1x128xi32, #tpu.memory_space<vmem>> -> memref<128xi32, #tpu.memory_space<vmem>>
          %dma_start3A_124 = arith.constant 0 : i32
          %dma_start3A_125 = arith.constant 0 : i32
          %dma_start3A_126 = tpu.memref_slice %arg14[%dma_start3A_124, %dma_start3A_125] : memref<10240x128xf32, #tpu.memory_space<vmem_shared>> -> memref<10240x128xf32, #tpu.memory_space<vmem_shared>>
          tpu.enqueue_indirect_dma source(%arg10 : memref<128x128xf32, #tpu.memory_space<vmem>>) target(%dma_start3A_126 : memref<10240x128xf32, #tpu.memory_space<vmem_shared>>) offsets(%dma_start3A_123 : memref<128xi32, #tpu.memory_space<vmem>>) semaphore(%run_scoped3A : memref<!tpu.dma_semaphore, #tpu.memory_space<semaphore_mem>>) {add = true}
          %dma_wait3A_127 = arith.constant 0 : i32
          %dma_wait3A_128 = tpu.memref_slice %arg9[%add3A_95, %dma_wait3A_127] : memref<16x128xi32, #tpu.memory_space<vmem>> -> memref<1x128xi32, #tpu.memory_space<vmem>>
          %dma_wait3A_129 = tpu.memref_squeeze %dma_wait3A_128 : memref<1x128xi32, #tpu.memory_space<vmem>> -> memref<128xi32, #tpu.memory_space<vmem>>
          %dma_wait3A_130 = arith.constant 0 : i32
          %dma_wait3A_131 = arith.constant 0 : i32
          %dma_wait3A_132 = tpu.memref_slice %arg14[%dma_wait3A_130, %dma_wait3A_131] : memref<10240x128xf32, #tpu.memory_space<vmem_shared>> -> memref<10240x128xf32, #tpu.memory_space<vmem_shared>>
          tpu.wait_indirect_dma semaphore(%run_scoped3A : memref<!tpu.dma_semaphore, #tpu.memory_space<semaphore_mem>>) src(%arg10 : memref<128x128xf32, #tpu.memory_space<vmem>>) dst(%dma_wait3A_132 : memref<10240x128xf32, #tpu.memory_space<vmem_shared>>)
          tpu.yield
        }) : () -> ()
        "tpu.region"() ({
          %run_scoped3A = tpu.sem_alloc : memref<!tpu.dma_semaphore, #tpu.memory_space<semaphore_mem>>
          %dma_start3A_121 = arith.constant 0 : i32
          %dma_start3A_122 = tpu.memref_slice %arg9[%add3A_95, %dma_start3A_121] : memref<16x128xi32, #tpu.memory_space<vmem>> -> memref<1x128xi32, #tpu.memory_space<vmem>>
          %dma_start3A_123 = tpu.memref_squeeze %dma_start3A_122 : memref<1x128xi32, #tpu.memory_space<vmem>> -> memref<128xi32, #tpu.memory_space<vmem>>
          %dma_start3A_124 = arith.constant 0 : i32
          %dma_start3A_125 = tpu.memref_slice %arg15[%dma_start3A_124] : memref<10240xf32, #tpu.memory_space<vmem_shared>> -> memref<10240xf32, #tpu.memory_space<vmem_shared>>
          tpu.enqueue_indirect_dma source(%arg12 : memref<128xf32, #tpu.memory_space<vmem>>) target(%dma_start3A_125 : memref<10240xf32, #tpu.memory_space<vmem_shared>>) offsets(%dma_start3A_123 : memref<128xi32, #tpu.memory_space<vmem>>) semaphore(%run_scoped3A : memref<!tpu.dma_semaphore, #tpu.memory_space<semaphore_mem>>) {add = true}
          %dma_wait3A_126 = arith.constant 0 : i32
          %dma_wait3A_127 = tpu.memref_slice %arg9[%add3A_95, %dma_wait3A_126] : memref<16x128xi32, #tpu.memory_space<vmem>> -> memref<1x128xi32, #tpu.memory_space<vmem>>
          %dma_wait3A_128 = tpu.memref_squeeze %dma_wait3A_127 : memref<1x128xi32, #tpu.memory_space<vmem>> -> memref<128xi32, #tpu.memory_space<vmem>>
          %dma_wait3A_129 = arith.constant 0 : i32
          %dma_wait3A_130 = tpu.memref_slice %arg15[%dma_wait3A_129] : memref<10240xf32, #tpu.memory_space<vmem_shared>> -> memref<10240xf32, #tpu.memory_space<vmem_shared>>
          tpu.wait_indirect_dma semaphore(%run_scoped3A : memref<!tpu.dma_semaphore, #tpu.memory_space<semaphore_mem>>) src(%arg12 : memref<128xf32, #tpu.memory_space<vmem>>) dst(%dma_wait3A_130 : memref<10240xf32, #tpu.memory_space<vmem_shared>>)
          tpu.yield
        }) : () -> ()
        %lt3A = arith.constant 7 : i32
        %lt3A_101 = arith.cmpi slt, %scan3A_90, %lt3A : i32
        %convert_element_type3A_102 = arith.extui %lt3A_101 : i1 to i32
        %cond3A_103 = arith.constant 0 : i32
        %cond3A_104 = arith.cmpi ne, %convert_element_type3A_102, %cond3A_103 : i32
        scf.if %cond3A_104 {
          %add3A_121 = arith.constant 2 : i32
          %add3A_122 = arith.addi %add3A_95, %add3A_121 : i32
          %dma_start3A_123 = arith.constant 0 : i32
          %dma_start3A_124 = tpu.memref_slice %arg8[%add3A_122, %dma_start3A_123] : memref<16x128xi32, #tpu.memory_space<vmem>> -> memref<1x128xi32, #tpu.memory_space<vmem>>
          %dma_start3A_125 = tpu.memref_squeeze %dma_start3A_124 : memref<1x128xi32, #tpu.memory_space<vmem>> -> memref<128xi32, #tpu.memory_space<vmem>>
          %dma_start3A_126 = arith.constant 0 : i32
          %dma_start3A_127 = arith.constant 0 : i32
          %dma_start3A_128 = tpu.memref_slice %arg4[%dma_start3A_126, %dma_start3A_127] : memref<10000x128xf32, #tpu.memory_space<hbm>> -> memref<10000x128xf32, #tpu.memory_space<hbm>>
          tpu.enqueue_indirect_dma source(%dma_start3A_128 : memref<10000x128xf32, #tpu.memory_space<hbm>>) target(%arg10 : memref<128x128xf32, #tpu.memory_space<vmem>>) offsets(%dma_start3A_125 : memref<128xi32, #tpu.memory_space<vmem>>) semaphore(%arg16 : memref<!tpu.dma_semaphore, #tpu.memory_space<semaphore_mem>>)
        } else {
        }
        %mul3A_105 = arith.constant 2 : i32
        %mul3A_106 = arith.muli %scan3A_90, %mul3A_105 : i32
        %add3A_107 = arith.constant 1 : i32
        %add3A_108 = arith.addi %mul3A_106, %add3A_107 : i32
        %dma_wait3A_109 = arith.constant 0 : i32
        %dma_wait3A_110 = tpu.memref_slice %arg8[%add3A_108, %dma_wait3A_109] : memref<16x128xi32, #tpu.memory_space<vmem>> -> memref<1x128xi32, #tpu.memory_space<vmem>>
        %dma_wait3A_111 = tpu.memref_squeeze %dma_wait3A_110 : memref<1x128xi32, #tpu.memory_space<vmem>> -> memref<128xi32, #tpu.memory_space<vmem>>
        %dma_wait3A_112 = arith.constant 0 : i32
        %dma_wait3A_113 = arith.constant 0 : i32
        %dma_wait3A_114 = tpu.memref_slice %arg4[%dma_wait3A_112, %dma_wait3A_113] : memref<10000x128xf32, #tpu.memory_space<hbm>> -> memref<10000x128xf32, #tpu.memory_space<hbm>>
        tpu.wait_indirect_dma semaphore(%arg16 : memref<!tpu.dma_semaphore, #tpu.memory_space<semaphore_mem>>) src(%dma_wait3A_114 : memref<10000x128xf32, #tpu.memory_space<hbm>>) dst(%arg11 : memref<128x128xf32, #tpu.memory_space<vmem>>)
        "tpu.region"() ({
          %run_scoped3A = tpu.sem_alloc : memref<!tpu.dma_semaphore, #tpu.memory_space<semaphore_mem>>
          %dma_start3A_121 = arith.constant 0 : i32
          %dma_start3A_122 = tpu.memref_slice %arg9[%add3A_108, %dma_start3A_121] : memref<16x128xi32, #tpu.memory_space<vmem>> -> memref<1x128xi32, #tpu.memory_space<vmem>>
          %dma_start3A_123 = tpu.memref_squeeze %dma_start3A_122 : memref<1x128xi32, #tpu.memory_space<vmem>> -> memref<128xi32, #tpu.memory_space<vmem>>
          %dma_start3A_124 = arith.constant 0 : i32
          %dma_start3A_125 = arith.constant 0 : i32
          %dma_start3A_126 = tpu.memref_slice %arg14[%dma_start3A_124, %dma_start3A_125] : memref<10240x128xf32, #tpu.memory_space<vmem_shared>> -> memref<10240x128xf32, #tpu.memory_space<vmem_shared>>
          tpu.enqueue_indirect_dma source(%arg11 : memref<128x128xf32, #tpu.memory_space<vmem>>) target(%dma_start3A_126 : memref<10240x128xf32, #tpu.memory_space<vmem_shared>>) offsets(%dma_start3A_123 : memref<128xi32, #tpu.memory_space<vmem>>) semaphore(%run_scoped3A : memref<!tpu.dma_semaphore, #tpu.memory_space<semaphore_mem>>) {add = true}
          %dma_wait3A_127 = arith.constant 0 : i32
          %dma_wait3A_128 = tpu.memref_slice %arg9[%add3A_108, %dma_wait3A_127] : memref<16x128xi32, #tpu.memory_space<vmem>> -> memref<1x128xi32, #tpu.memory_space<vmem>>
          %dma_wait3A_129 = tpu.memref_squeeze %dma_wait3A_128 : memref<1x128xi32, #tpu.memory_space<vmem>> -> memref<128xi32, #tpu.memory_space<vmem>>
          %dma_wait3A_130 = arith.constant 0 : i32
          %dma_wait3A_131 = arith.constant 0 : i32
          %dma_wait3A_132 = tpu.memref_slice %arg14[%dma_wait3A_130, %dma_wait3A_131] : memref<10240x128xf32, #tpu.memory_space<vmem_shared>> -> memref<10240x128xf32, #tpu.memory_space<vmem_shared>>
          tpu.wait_indirect_dma semaphore(%run_scoped3A : memref<!tpu.dma_semaphore, #tpu.memory_space<semaphore_mem>>) src(%arg11 : memref<128x128xf32, #tpu.memory_space<vmem>>) dst(%dma_wait3A_132 : memref<10240x128xf32, #tpu.memory_space<vmem_shared>>)
          tpu.yield
        }) : () -> ()
        "tpu.region"() ({
          %run_scoped3A = tpu.sem_alloc : memref<!tpu.dma_semaphore, #tpu.memory_space<semaphore_mem>>
          %dma_start3A_121 = arith.constant 0 : i32
          %dma_start3A_122 = tpu.memref_slice %arg9[%add3A_108, %dma_start3A_121] : memref<16x128xi32, #tpu.memory_space<vmem>> -> memref<1x128xi32, #tpu.memory_space<vmem>>
          %dma_start3A_123 = tpu.memref_squeeze %dma_start3A_122 : memref<1x128xi32, #tpu.memory_space<vmem>> -> memref<128xi32, #tpu.memory_space<vmem>>
          %dma_start3A_124 = arith.constant 0 : i32
          %dma_start3A_125 = tpu.memref_slice %arg15[%dma_start3A_124] : memref<10240xf32, #tpu.memory_space<vmem_shared>> -> memref<10240xf32, #tpu.memory_space<vmem_shared>>
          tpu.enqueue_indirect_dma source(%arg12 : memref<128xf32, #tpu.memory_space<vmem>>) target(%dma_start3A_125 : memref<10240xf32, #tpu.memory_space<vmem_shared>>) offsets(%dma_start3A_123 : memref<128xi32, #tpu.memory_space<vmem>>) semaphore(%run_scoped3A : memref<!tpu.dma_semaphore, #tpu.memory_space<semaphore_mem>>) {add = true}
          %dma_wait3A_126 = arith.constant 0 : i32
          %dma_wait3A_127 = tpu.memref_slice %arg9[%add3A_108, %dma_wait3A_126] : memref<16x128xi32, #tpu.memory_space<vmem>> -> memref<1x128xi32, #tpu.memory_space<vmem>>
          %dma_wait3A_128 = tpu.memref_squeeze %dma_wait3A_127 : memref<1x128xi32, #tpu.memory_space<vmem>> -> memref<128xi32, #tpu.memory_space<vmem>>
          %dma_wait3A_129 = arith.constant 0 : i32
          %dma_wait3A_130 = tpu.memref_slice %arg15[%dma_wait3A_129] : memref<10240xf32, #tpu.memory_space<vmem_shared>> -> memref<10240xf32, #tpu.memory_space<vmem_shared>>
          tpu.wait_indirect_dma semaphore(%run_scoped3A : memref<!tpu.dma_semaphore, #tpu.memory_space<semaphore_mem>>) src(%arg12 : memref<128xf32, #tpu.memory_space<vmem>>) dst(%dma_wait3A_130 : memref<10240xf32, #tpu.memory_space<vmem_shared>>)
          tpu.yield
        }) : () -> ()
        %lt3A_115 = arith.constant 7 : i32
        %lt3A_116 = arith.cmpi slt, %scan3A_90, %lt3A_115 : i32
        %convert_element_type3A_117 = arith.extui %lt3A_116 : i1 to i32
        %cond3A_118 = arith.constant 0 : i32
        %cond3A_119 = arith.cmpi ne, %convert_element_type3A_117, %cond3A_118 : i32
        scf.if %cond3A_119 {
          %add3A_121 = arith.constant 2 : i32
          %add3A_122 = arith.addi %add3A_108, %add3A_121 : i32
          %dma_start3A_123 = arith.constant 0 : i32
          %dma_start3A_124 = tpu.memref_slice %arg8[%add3A_122, %dma_start3A_123] : memref<16x128xi32, #tpu.memory_space<vmem>> -> memref<1x128xi32, #tpu.memory_space<vmem>>
          %dma_start3A_125 = tpu.memref_squeeze %dma_start3A_124 : memref<1x128xi32, #tpu.memory_space<vmem>> -> memref<128xi32, #tpu.memory_space<vmem>>
          %dma_start3A_126 = arith.constant 0 : i32
          %dma_start3A_127 = arith.constant 0 : i32
          %dma_start3A_128 = tpu.memref_slice %arg4[%dma_start3A_126, %dma_start3A_127] : memref<10000x128xf32, #tpu.memory_space<hbm>> -> memref<10000x128xf32, #tpu.memory_space<hbm>>
          tpu.enqueue_indirect_dma source(%dma_start3A_128 : memref<10000x128xf32, #tpu.memory_space<hbm>>) target(%arg11 : memref<128x128xf32, #tpu.memory_space<vmem>>) offsets(%dma_start3A_125 : memref<128xi32, #tpu.memory_space<vmem>>) semaphore(%arg16 : memref<!tpu.dma_semaphore, #tpu.memory_space<semaphore_mem>>)
        } else {
        }
        %scan3A_120 = arith.constant 0 : i32
        scf.yield %scan3A_120 : i32
      }
      %scan3A_88 = arith.constant 8 : i32
      %while3A_89 = arith.constant 0 : i32
      scf.yield %while3A_89 : i32
    }
    %barrier3A_55 = arith.constant 0 : index
    tpu.barrier barrier_id(%barrier3A_55)
    %eq3A_56 = arith.constant 0 : i32
    %eq3A_57 = arith.cmpi eq, %arg0, %eq3A_56 : i32
    %convert_element_type3A = arith.extui %eq3A_57 : i1 to i32
    %cond3A = arith.constant 0 : i32
    %cond3A_58 = arith.cmpi ne, %convert_element_type3A, %cond3A : i32
    scf.if %cond3A_58 {
      "tpu.region"() ({
        %run_scoped3A = tpu.sem_alloc : memref<!tpu.dma_semaphore, #tpu.memory_space<semaphore_mem>>
        %dma_start3A = arith.constant 0 : i32
        %dma_start3A_64 = tpu.memref_slice %arg5[%mul3A_22, %dma_start3A] : memref<10240x128xf32, #tpu.memory_space<hbm>> -> memref<640x128xf32, #tpu.memory_space<hbm>>
        %dma_start3A_65 = arith.constant 0 : i32
        %dma_start3A_66 = tpu.memref_slice %arg14[%mul3A_22, %dma_start3A_65] : memref<10240x128xf32, #tpu.memory_space<vmem_shared>> -> memref<640x128xf32, #tpu.memory_space<vmem_shared>>
        tpu.enqueue_dma source(%dma_start3A_66 : memref<640x128xf32, #tpu.memory_space<vmem_shared>>) target(%dma_start3A_64 : memref<640x128xf32, #tpu.memory_space<hbm>>) target_semaphore(%run_scoped3A : memref<!tpu.dma_semaphore, #tpu.memory_space<semaphore_mem>>)
        %dma_wait3A = arith.constant 0 : i32
        %dma_wait3A_67 = tpu.memref_slice %arg5[%mul3A_22, %dma_wait3A] : memref<10240x128xf32, #tpu.memory_space<hbm>> -> memref<640x128xf32, #tpu.memory_space<hbm>>
        %dma_wait3A_68 = arith.constant 0 : i32
        %dma_wait3A_69 = tpu.memref_slice %arg14[%mul3A_22, %dma_wait3A_68] : memref<10240x128xf32, #tpu.memory_space<vmem_shared>> -> memref<640x128xf32, #tpu.memory_space<vmem_shared>>
        tpu.wait_dma2 semaphore(%run_scoped3A : memref<!tpu.dma_semaphore, #tpu.memory_space<semaphore_mem>>) src(%dma_wait3A_69 : memref<640x128xf32, #tpu.memory_space<vmem_shared>>) dst(%dma_wait3A_67 : memref<640x128xf32, #tpu.memory_space<hbm>>)
        tpu.yield
      }) : () -> ()
    } else {
    }
    %eq3A_59 = arith.constant 1 : i32
    %eq3A_60 = arith.cmpi eq, %arg0, %eq3A_59 : i32
    %convert_element_type3A_61 = arith.extui %eq3A_60 : i1 to i32
    %cond3A_62 = arith.constant 0 : i32
    %cond3A_63 = arith.cmpi ne, %convert_element_type3A_61, %cond3A_62 : i32
    scf.if %cond3A_63 {
      "tpu.region"() ({
        %run_scoped3A = tpu.sem_alloc : memref<!tpu.dma_semaphore, #tpu.memory_space<semaphore_mem>>
        %dma_start3A = arith.constant 0 : i32
        %dma_start3A_64 = tpu.memref_slice %arg6[%mul3A_22, %dma_start3A] : memref<10240x128xf32, #tpu.memory_space<hbm>> -> memref<640x128xf32, #tpu.memory_space<hbm>>
        %dma_start3A_65 = arith.constant 0 : i32
        %dma_start3A_66 = tpu.memref_slice %arg14[%mul3A_22, %dma_start3A_65] : memref<10240x128xf32, #tpu.memory_space<vmem_shared>> -> memref<640x128xf32, #tpu.memory_space<vmem_shared>>
        tpu.enqueue_dma source(%dma_start3A_66 : memref<640x128xf32, #tpu.memory_space<vmem_shared>>) target(%dma_start3A_64 : memref<640x128xf32, #tpu.memory_space<hbm>>) target_semaphore(%run_scoped3A : memref<!tpu.dma_semaphore, #tpu.memory_space<semaphore_mem>>)
        %dma_wait3A = arith.constant 0 : i32
        %dma_wait3A_67 = tpu.memref_slice %arg6[%mul3A_22, %dma_wait3A] : memref<10240x128xf32, #tpu.memory_space<hbm>> -> memref<640x128xf32, #tpu.memory_space<hbm>>
        %dma_wait3A_68 = arith.constant 0 : i32
        %dma_wait3A_69 = tpu.memref_slice %arg14[%mul3A_22, %dma_wait3A_68] : memref<10240x128xf32, #tpu.memory_space<vmem_shared>> -> memref<640x128xf32, #tpu.memory_space<vmem_shared>>
        tpu.wait_dma2 semaphore(%run_scoped3A : memref<!tpu.dma_semaphore, #tpu.memory_space<semaphore_mem>>) src(%dma_wait3A_69 : memref<640x128xf32, #tpu.memory_space<vmem_shared>>) dst(%dma_wait3A_67 : memref<640x128xf32, #tpu.memory_space<hbm>>)
        tpu.yield
      }) : () -> ()
    } else {
    }
    "tpu.region"() ({
      %run_scoped3A = tpu.sem_alloc : memref<!tpu.dma_semaphore, #tpu.memory_space<semaphore_mem>>
      %dma_start3A = tpu.memref_slice %arg7[%arg0, %mul3A_22] : memref<2x10240xf32, #tpu.memory_space<hbm>> -> memref<1x640xf32, #tpu.memory_space<hbm>>
      %dma_start3A_64 = tpu.memref_squeeze %dma_start3A : memref<1x640xf32, #tpu.memory_space<hbm>> -> memref<640xf32, #tpu.memory_space<hbm>>
      %dma_start3A_65 = tpu.memref_slice %arg15[%mul3A_22] : memref<10240xf32, #tpu.memory_space<vmem_shared>> -> memref<640xf32, #tpu.memory_space<vmem_shared>>
      tpu.enqueue_dma source(%dma_start3A_65 : memref<640xf32, #tpu.memory_space<vmem_shared>>) target(%dma_start3A_64 : memref<640xf32, #tpu.memory_space<hbm>>) target_semaphore(%run_scoped3A : memref<!tpu.dma_semaphore, #tpu.memory_space<semaphore_mem>>)
      %dma_wait3A = tpu.memref_slice %arg7[%arg0, %mul3A_22] : memref<2x10240xf32, #tpu.memory_space<hbm>> -> memref<1x640xf32, #tpu.memory_space<hbm>>
      %dma_wait3A_66 = tpu.memref_squeeze %dma_wait3A : memref<1x640xf32, #tpu.memory_space<hbm>> -> memref<640xf32, #tpu.memory_space<hbm>>
      %dma_wait3A_67 = tpu.memref_slice %arg15[%mul3A_22] : memref<10240xf32, #tpu.memory_space<vmem_shared>> -> memref<640xf32, #tpu.memory_space<vmem_shared>>
      tpu.wait_dma2 semaphore(%run_scoped3A : memref<!tpu.dma_semaphore, #tpu.memory_space<semaphore_mem>>) src(%dma_wait3A_67 : memref<640xf32, #tpu.memory_space<vmem_shared>>) dst(%dma_wait3A_66 : memref<640xf32, #tpu.memory_space<hbm>>)
      tpu.yield
    }) : () -> ()
    return
  }
}

module attributes {stable_mosaic.version = 14 : i64} {
  func.func @_dense_body(%arg0: i32, %arg1: memref<1024x128xf32, #tpu.memory_space<vmem>>, %arg2: memref<1024x128xf32, #tpu.memory_space<vmem>>, %arg3: memref<1024x128xf32, #tpu.memory_space<vmem>>, %arg4: memref<1024x1xf32, #tpu.memory_space<vmem>>, %arg5: memref<1024x1xf32, #tpu.memory_space<vmem>>, %arg6: memref<128x128xf32, #tpu.memory_space<vmem>>, %arg7: memref<128x128xf32, #tpu.memory_space<vmem>>, %arg8: memref<1x128xf32, #tpu.memory_space<vmem>>, %arg9: memref<128x2xf32, #tpu.memory_space<vmem>>, %arg10: memref<1x2xf32, #tpu.memory_space<vmem>>, %arg11: memref<1024x1xf32, #tpu.memory_space<vmem>>, %arg12: memref<1024x1xf32, #tpu.memory_space<vmem>>, %arg13: memref<1024x1xf32, #tpu.memory_space<vmem>>) attributes {dimension_semantics = [#tpu.dimension_semantics<arbitrary>], iteration_bounds = array<i64: 10>, scalar_prefetch = 0 : i64, scratch_operands = 0 : i64, tpu.core_type = #tpu.core_type<tc>, window_params = [{transform_indices = @transform_0, window_bounds = array<i64: 1024, 128>}, {transform_indices = @transform_1, window_bounds = array<i64: 1024, 128>}, {transform_indices = @transform_2, window_bounds = array<i64: 1024, 128>}, {transform_indices = @transform_3, window_bounds = array<i64: 1024, 1>}, {transform_indices = @transform_4, window_bounds = array<i64: 1024, 1>}, {pipeline_mode = #tpu.pipeline_mode<synchronous>, transform_indices = @transform_5, window_bounds = array<i64: 128, 128>}, {pipeline_mode = #tpu.pipeline_mode<synchronous>, transform_indices = @transform_6, window_bounds = array<i64: 128, 128>}, {pipeline_mode = #tpu.pipeline_mode<synchronous>, transform_indices = @transform_7, window_bounds = array<i64: 1, 128>}, {pipeline_mode = #tpu.pipeline_mode<synchronous>, transform_indices = @transform_8, window_bounds = array<i64: 128, 2>}, {pipeline_mode = #tpu.pipeline_mode<synchronous>, transform_indices = @transform_9, window_bounds = array<i64: 1, 2>}, {transform_indices = @transform_10, window_bounds = array<i64: 1024, 1>}, {transform_indices = @transform_11, window_bounds = array<i64: 1024, 1>}, {transform_indices = @transform_12, window_bounds = array<i64: 1024, 1>}]} {
    %get3A = arith.constant 0 : index
    %get3A_0 = arith.constant 0 : index
    %get3A_1 = vector.load %arg4[%get3A, %get3A_0] : memref<1024x1xf32, #tpu.memory_space<vmem>>, vector<1024x1xf32>
    %get3A_2 = arith.constant 0 : index
    %get3A_3 = arith.constant 0 : index
    %get3A_4 = vector.load %arg5[%get3A_2, %get3A_3] : memref<1024x1xf32, #tpu.memory_space<vmem>>, vector<1024x1xf32>
    %add3A = arith.addf %get3A_1, %get3A_4 : vector<1024x1xf32>
    %max3A = arith.constant 1.000000e+00 : f32
    %max3A_5 = vector.broadcast %max3A : f32 to vector<1024x1xf32>
    %max3A_6 = arith.maximumf %add3A, %max3A_5 : vector<1024x1xf32>
    %div3A = arith.constant 1.000000e+00 : f32
    %div3A_7 = vector.broadcast %div3A : f32 to vector<1024x1xf32>
    %div3A_8 = arith.divf %div3A_7, %max3A_6 : vector<1024x1xf32>
    %get3A_9 = arith.constant 0 : index
    %get3A_10 = arith.constant 0 : index
    %get3A_11 = vector.load %arg1[%get3A_9, %get3A_10] : memref<1024x128xf32, #tpu.memory_space<vmem>>, vector<1024x128xf32>
    %get3A_12 = arith.constant 0 : index
    %get3A_13 = arith.constant 0 : index
    %get3A_14 = vector.load %arg2[%get3A_12, %get3A_13] : memref<1024x128xf32, #tpu.memory_space<vmem>>, vector<1024x128xf32>
    %add3A_15 = arith.addf %get3A_11, %get3A_14 : vector<1024x128xf32>
    %mul3A = vector.broadcast %div3A_8 : vector<1024x1xf32> to vector<1024x128xf32>
    %mul3A_16 = arith.mulf %add3A_15, %mul3A : vector<1024x128xf32>
    %get3A_17 = arith.constant 0 : index
    %get3A_18 = arith.constant 0 : index
    %get3A_19 = vector.load %arg6[%get3A_17, %get3A_18] : memref<128x128xf32, #tpu.memory_space<vmem>>, vector<128x128xf32>
    %dot_general3A = arith.constant dense<0.000000e+00> : vector<1024x128xf32>
    %dot_general3A_20 = tpu.matmul %mul3A_16, %get3A_19, %dot_general3A {dimension_numbers = #tpu.dot_dimension_numbers<[1], [0], [0], [1], [0, 0, 1, 1], [], []>, transpose_lhs_hint = false} : vector<1024x128xf32>, vector<128x128xf32>, vector<1024x128xf32> -> vector<1024x128xf32>
    %get3A_21 = arith.constant 0 : index
    %get3A_22 = arith.constant 0 : index
    %get3A_23 = vector.load %arg3[%get3A_21, %get3A_22] : memref<1024x128xf32, #tpu.memory_space<vmem>>, vector<1024x128xf32>
    %get3A_24 = arith.constant 0 : index
    %get3A_25 = arith.constant 0 : index
    %get3A_26 = vector.load %arg7[%get3A_24, %get3A_25] : memref<128x128xf32, #tpu.memory_space<vmem>>, vector<128x128xf32>
    %dot_general3A_27 = arith.constant dense<0.000000e+00> : vector<1024x128xf32>
    %dot_general3A_28 = tpu.matmul %get3A_23, %get3A_26, %dot_general3A_27 {dimension_numbers = #tpu.dot_dimension_numbers<[1], [0], [0], [1], [0, 0, 1, 1], [], []>, transpose_lhs_hint = false} : vector<1024x128xf32>, vector<128x128xf32>, vector<1024x128xf32> -> vector<1024x128xf32>
    %add3A_29 = arith.addf %dot_general3A_20, %dot_general3A_28 : vector<1024x128xf32>
    %get3A_30 = arith.constant 0 : index
    %get3A_31 = arith.constant 0 : index
    %get3A_32 = vector.load %arg8[%get3A_30, %get3A_31] : memref<1x128xf32, #tpu.memory_space<vmem>>, vector<1x128xf32>
    %add3A_33 = vector.broadcast %get3A_32 : vector<1x128xf32> to vector<1024x128xf32>
    %add3A_34 = arith.addf %add3A_29, %add3A_33 : vector<1024x128xf32>
    %max3A_35 = arith.constant 0.000000e+00 : f32
    %max3A_36 = vector.broadcast %max3A_35 : f32 to vector<1024x128xf32>
    %max3A_37 = arith.maximumf %add3A_34, %max3A_36 : vector<1024x128xf32>
    %get3A_38 = arith.constant 0 : index
    %get3A_39 = arith.constant 0 : index
    %get3A_40 = vector.load %arg9[%get3A_38, %get3A_39] : memref<128x2xf32, #tpu.memory_space<vmem>>, vector<128x2xf32>
    %dot_general3A_41 = arith.constant dense<0.000000e+00> : vector<1024x2xf32>
    %dot_general3A_42 = tpu.matmul %max3A_37, %get3A_40, %dot_general3A_41 {dimension_numbers = #tpu.dot_dimension_numbers<[1], [0], [0], [1], [0, 0, 1, 1], [], []>, transpose_lhs_hint = false} : vector<1024x128xf32>, vector<128x2xf32>, vector<1024x2xf32> -> vector<1024x2xf32>
    %get3A_43 = arith.constant 0 : index
    %get3A_44 = arith.constant 0 : index
    %get3A_45 = vector.load %arg10[%get3A_43, %get3A_44] : memref<1x2xf32, #tpu.memory_space<vmem>>, vector<1x2xf32>
    %add3A_46 = vector.broadcast %get3A_45 : vector<1x2xf32> to vector<1024x2xf32>
    %add3A_47 = arith.addf %dot_general3A_42, %add3A_46 : vector<1024x2xf32>
    %slice3A = vector.extract_strided_slice %add3A_47 {offsets = [0, 0], sizes = [1024, 1], strides = [1, 1]} : vector<1024x2xf32> to vector<1024x1xf32>
    %swap3A = arith.constant 0 : index
    %swap3A_48 = arith.constant 0 : index
    %swap3A_49 = vector.load %arg11[%swap3A, %swap3A_48] : memref<1024x1xf32, #tpu.memory_space<vmem>>, vector<1024x1xf32>
    tpu.vector_store %arg11[%swap3A, %swap3A_48], %slice3A {strides = array<i32>} : memref<1024x1xf32, #tpu.memory_space<vmem>>, vector<1024x1xf32>,
    %slice3A_50 = vector.extract_strided_slice %add3A_47 {offsets = [0, 1], sizes = [1024, 1], strides = [1, 1]} : vector<1024x2xf32> to vector<1024x1xf32>
    %swap3A_51 = arith.constant 0 : index
    %swap3A_52 = arith.constant 0 : index
    %swap3A_53 = vector.load %arg12[%swap3A_51, %swap3A_52] : memref<1024x1xf32, #tpu.memory_space<vmem>>, vector<1024x1xf32>
    tpu.vector_store %arg12[%swap3A_51, %swap3A_52], %slice3A_50 {strides = array<i32>} : memref<1024x1xf32, #tpu.memory_space<vmem>>, vector<1024x1xf32>,
    %swap3A_54 = arith.constant 0 : index
    %swap3A_55 = arith.constant 0 : index
    %swap3A_56 = vector.load %arg13[%swap3A_54, %swap3A_55] : memref<1024x1xf32, #tpu.memory_space<vmem>>, vector<1024x1xf32>
    tpu.vector_store %arg13[%swap3A_54, %swap3A_55], %div3A_8 {strides = array<i32>} : memref<1024x1xf32, #tpu.memory_space<vmem>>, vector<1024x1xf32>,
    return
  }
  func.func @transform_0(%arg0: i32) -> (i32, i32) {
    %c0_i32 = arith.constant 0 : i32
    %c0_i32_0 = arith.constant 0 : i32
    return %arg0, %c0_i32 : i32, i32
  }
  func.func @transform_1(%arg0: i32) -> (i32, i32) {
    %c0_i32 = arith.constant 0 : i32
    %c0_i32_0 = arith.constant 0 : i32
    return %arg0, %c0_i32 : i32, i32
  }
  func.func @transform_2(%arg0: i32) -> (i32, i32) {
    %c0_i32 = arith.constant 0 : i32
    %c0_i32_0 = arith.constant 0 : i32
    return %arg0, %c0_i32 : i32, i32
  }
  func.func @transform_3(%arg0: i32) -> (i32, i32) {
    %c0_i32 = arith.constant 0 : i32
    %c0_i32_0 = arith.constant 0 : i32
    return %arg0, %c0_i32 : i32, i32
  }
  func.func @transform_4(%arg0: i32) -> (i32, i32) {
    %c0_i32 = arith.constant 0 : i32
    %c0_i32_0 = arith.constant 0 : i32
    return %arg0, %c0_i32 : i32, i32
  }
  func.func @transform_5(%arg0: i32) -> (i32, i32) {
    %c0_i32 = arith.constant 0 : i32
    %c0_i32_0 = arith.constant 0 : i32
    %c0_i32_1 = arith.constant 0 : i32
    return %c0_i32, %c0_i32_0 : i32, i32
  }
  func.func @transform_6(%arg0: i32) -> (i32, i32) {
    %c0_i32 = arith.constant 0 : i32
    %c0_i32_0 = arith.constant 0 : i32
    %c0_i32_1 = arith.constant 0 : i32
    return %c0_i32, %c0_i32_0 : i32, i32
  }
  func.func @transform_7(%arg0: i32) -> (i32, i32) {
    %c0_i32 = arith.constant 0 : i32
    %c0_i32_0 = arith.constant 0 : i32
    %c0_i32_1 = arith.constant 0 : i32
    return %c0_i32, %c0_i32_0 : i32, i32
  }
  func.func @transform_8(%arg0: i32) -> (i32, i32) {
    %c0_i32 = arith.constant 0 : i32
    %c0_i32_0 = arith.constant 0 : i32
    %c0_i32_1 = arith.constant 0 : i32
    return %c0_i32, %c0_i32_0 : i32, i32
  }
  func.func @transform_9(%arg0: i32) -> (i32, i32) {
    %c0_i32 = arith.constant 0 : i32
    %c0_i32_0 = arith.constant 0 : i32
    %c0_i32_1 = arith.constant 0 : i32
    return %c0_i32, %c0_i32_0 : i32, i32
  }
  func.func @transform_10(%arg0: i32) -> (i32, i32) {
    %c0_i32 = arith.constant 0 : i32
    %c0_i32_0 = arith.constant 0 : i32
    return %arg0, %c0_i32 : i32, i32
  }
  func.func @transform_11(%arg0: i32) -> (i32, i32) {
    %c0_i32 = arith.constant 0 : i32
    %c0_i32_0 = arith.constant 0 : i32
    return %arg0, %c0_i32 : i32, i32
  }
  func.func @transform_12(%arg0: i32) -> (i32, i32) {
    %c0_i32 = arith.constant 0 : i32
    %c0_i32_0 = arith.constant 0 : i32
    return %arg0, %c0_i32 : i32, i32
  }
}

</mosaic_0001>

<sc_bundles>
// kernel: kernel.5.cloned.1.call-start
scs
__scs_entry_jumppad:
0x0: {  	(pc) =	sbr.rel $0x88, $3  }
0x1: {  	(tag) =	ssettag $0x0;
	lr =	simm.s32 $0x1  }
0x2: {  	[smem:$0x3F99] =	sst lr;
	_ =	strace $0xD0000000  }
0x3: {  	_ = 	snop  }
0x4: {  	_ = 	snop  }
0x5: {  	_ = 	snop  }
0x6: {  	_ = 	snop  }
0x7: {  	_ = 	snop  }
__scs_overlays_trampoline_lowered:
0x8: {  	[smem:$0x3FA8] =	sst s0  }
0x9: {  	[smem:$0x3FA9] =	sst s1  }
0xa: {  	[smem:$0x3FAA] =	sst s2  }
0xb: {  	[smem:$0x3FAB] =	sst s3  }
0xc: {  	[smem:$0x3FAC] =	sst s4  }
0xd: {  	[smem:$0x3FAD] =	sst s5  }
0xe: {  	[smem:$0x3FAE] =	sst s6  }
0xf: {  	[smem:$0x3FAF] =	sst s7  }
0x10: {  	[smem:$0x3FB0] =	sst s8  }
0x11: {  	[smem:$0x3FB1] =	sst s9;
	s0 =	simm.s32 @!p0 $0x0  }
0x12: {  	s1 =	sld [smem:$0x3F97];
	s0 =	simm.s32 @p0 $0x1  }
0x13: {  	[smem:$0x3FB2] =	sst s0;
	s0 =	simm.s32 @!p1 $0x0  }
0x14: {  	s2 =	sld [smem:$0x3F96];
	s0 =	simm.s32 @p1 $0x1  }
0x15: {  	[smem:$0x3FB3] =	sst s0;
	s0 =	simm.s32 @!p2 $0x0  }
0x16: {  	s3 =	sld [smem:$0x3FDB];
	s0 =	simm.s32 @p2 $0x1  }
0x17: {  	s4 =	simm.s32 $0x1BF5;
	[smem:$0x3FB5] =	sst s0  }
0x18: {  	s0 =	sld [smem:$0x3F98];
	_ =	swait.ge [sflag:s4], $0x0  }
0x19: {  	s7 =	sld [smem:$0x3F99]  }
0x1a: {  	s8 =	sadd.s32 $0xFFFFE003, lr  }
0x1b: {  	s9 =	sadd.s32 $0xFFFFFEF7, lr;
	s5 =	simm.s32 $0xFFFFFFFF;
	p2 =	slt.u32 s8, $0xFFFFF086  }
0x1c: {  	p1 =	slt.u32 s9, $0xF7A;
	s5 =	simm.s32 @!p2 $0x0  }
0x1d: {  	s5 =	simm.s32 @p1 $0x1;
	p0 =	seq.s32 s7, s2  }
0x1e: {  	s7 =	smul.u32 @!p0 $0xF7A, s2;
	p2 =	seq.s32 @!p0 s5, $0x0  }
0x1f: {  	s9 =	smul.u32 $0xF7A, s1;
	s8 =	simm.s32 @!p0 $0x1BF5;
	p2 =	por !p2, p0  }
0x20: {  	[sflag:s8] =	ssyncset.s32 @!p0 $0xFFFFF086;
	s6 =	sadd.s32 @!p0 s3, s7;
	s7 =	simm.s32 @!p0 $0x108  }
0x21: {  	s3 =	sadd.s32 s3, s9;
	s6 =	sadd.s32 @!p0 $0x88, s6;
	s7 =	simm.s32 @p2 $0x1082  }
0x22: {  	[simem:s7], [sflag:s8] =	dma.local @!p0 [hbm:s6], $0xF7A  }
0x23: {  	s9 =	sor.u32 $0xD0000000, s2;
	s6 =	simm.s32 $0x108;
	_ =	swait.ge @!p0 [sflag:s8], $0x0  }
0x24: {  	s3 =	sadd.s32 $0x88, s3;
	s6 =	simm.s32 @!p1 $0x1082;
	[sflag:s4] =	ssyncset.s32 $0xFFFFF086  }
0x25: {  	[simem:s6], [sflag:s4] =	dma.local [hbm:s3], $0xF7A  }
0x26: {  	[smem:$0x3F99] =	sst s1;
	(tag) =	ssettag s2;
	_ =	strace s9  }
0x27: {  	s1 =	sld [smem:$0x3FA9]  }
0x28: {  	s2 =	sld [smem:$0x3FAA]  }
0x29: {  	s4 =	sld [smem:$0x3FAC]  }
0x2a: {  	p0 =	seq.s32 s5, $0x0;
	s5 =	sld [smem:$0x3FAD]  }
0x2b: {  	s6 =	sld [smem:$0x3FAE]  }
0x2c: {  	s7 =	sld [smem:$0x3FAF]  }
0x2d: {  	s3 =	simm.s32 $0x108;
	s8 =	sld [smem:$0x3FB0]  }
0x2e: {  	s3 =	simm.s32 @!p0 $0x1082;
	s9 =	sld [smem:$0x3FB1]  }
0x2f: {  	lr =	sadd.s32 s0, s3;
	s0 =	sld [smem:$0x3FA8]  }
0x30: {  	s3 =	sld [smem:$0x3FAB]  }
0x31: {  	[smem:$0x3FB4] =	sst s10  }
0x32: {  	s10 =	sld [smem:$0x3FB2];
	_ =	sdelay $0x3  }
0x33: {  	p0 =	seq.s32 s10, $0x1;
	s10 =	sld [smem:$0x3FB4];
	_ =	sdelay $0x3  }
0x34: {  	[smem:$0x3FB4] =	sst s10  }
0x35: {  	s10 =	sld [smem:$0x3FB3];
	_ =	sdelay $0x3  }
0x36: {  	p1 =	seq.s32 s10, $0x1;
	s10 =	sld [smem:$0x3FB4];
	_ =	sdelay $0x3  }
0x37: {  	[smem:$0x3FB4] =	sst s10  }
0x38: {  	s10 =	sld [smem:$0x3FB5]  }
0x39: {  	_ = 	snop;
	(pc) =	sbr.ind lr, $3  }
0x3a: {  	_ = 	snop  }
0x3b: {  	_ = 	snop  }
0x3c: {  	p2 =	seq.s32 s10, $0x1;
	s10 =	sld [smem:$0x3FB4]  }
0x3d: {  	_ =	shalt  }
0x3e: {  	_ =	shalt  }
0x3f: {  	_ =	shalt  }
0x40: {  	_ =	shalt  }
0x41: {  	_ =	shalt  }
0x42: {  	_ =	shalt  }
0x43: {  	_ =	shalt  }
0x44: {  	_ =	shalt  }
0x45: {  	_ =	shalt  }
0x46: {  	_ =	shalt  }
0x47: {  	_ =	shalt  }
0x48: {  	_ =	shalt  }
0x49: {  	_ =	shalt  }
0x4a: {  	_ =	shalt  }
0x4b: {  	_ =	shalt  }
0x4c: {  	_ =	shalt  }
0x4d: {  	_ =	shalt  }
0x4e: {  	_ =	shalt  }
0x4f: {  	_ =	shalt  }
0x50: {  	_ =	shalt  }
0x51: {  	_ =	shalt  }
0x52: {  	_ =	shalt  }
0x53: {  	_ =	shalt  }
0x54: {  	_ =	shalt  }
0x55: {  	_ =	shalt  }
0x56: {  	_ =	shalt  }
0x57: {  	_ =	shalt  }
0x58: {  	_ =	shalt  }
0x59: {  	_ =	shalt  }
0x5a: {  	_ =	shalt  }
0x5b: {  	_ =	shalt  }
0x5c: {  	_ =	shalt  }
0x5d: {  	_ =	shalt  }
0x5e: {  	_ =	shalt  }
0x5f: {  	_ =	shalt  }
0x60: {  	_ =	shalt  }
0x61: {  	_ =	shalt  }
0x62: {  	_ =	shalt  }
0x63: {  	_ =	shalt  }
0x64: {  	_ =	shalt  }
0x65: {  	_ =	shalt  }
0x66: {  	_ =	shalt  }
0x67: {  	_ =	shalt  }
0x68: {  	_ =	shalt  }
0x69: {  	_ =	shalt  }
0x6a: {  	_ =	shalt  }
0x6b: {  	_ =	shalt  }
0x6c: {  	_ =	shalt  }
0x6d: {  	_ =	shalt  }
0x6e: {  	_ =	shalt  }
0x6f: {  	_ =	shalt  }
0x70: {  	_ =	shalt  }
0x71: {  	_ =	shalt  }
0x72: {  	_ =	shalt  }
0x73: {  	_ =	shalt  }
0x74: {  	_ =	shalt  }
0x75: {  	_ =	shalt  }
0x76: {  	_ =	shalt  }
0x77: {  	_ =	shalt  }
0x78: {  	_ =	shalt  }
0x79: {  	_ =	shalt  }
0x7a: {  	_ =	shalt  }
0x7b: {  	_ =	shalt  }
0x7c: {  	_ =	shalt  }
0x7d: {  	_ =	shalt  }
0x7e: {  	_ =	shalt  }
0x7f: {  	_ =	shalt  }
0x80: {  	_ =	shalt  }
0x81: {  	_ =	shalt  }
0x82: {  	_ =	shalt  }
0x83: {  	_ =	shalt  }
0x84: {  	_ =	shalt  }
0x85: {  	_ =	shalt  }
0x86: {  	_ =	shalt  }
0x87: {  	_ =	shalt  }
.Lfunc_end0:
.L_simem_size_0:
called_computation_lowered:
.L_overlay_start_0:
0x88: {  	s2 =	sld [smem:$0x3FD9]  }
0x89: {  	s3 =	sld [smem:$0x3FFE];
	_ =	sdelay $0x1  }
0x8a: {  	s1 =	srdreg.scid  }
0x8b: {  	s0 =	sand.u32 $0x1, s1  }
0x8c: {  	s17 =	sshll.u32 s0, $0xA;
	s2 =	sadd.s32 s3, s2  }
0x8d: {  	s2 =	sadd.s32 s2, s17  }
0x8e: {  	[smem:$0x3FC0] =	sst s2  }
0x8f: {  	_ = 	snop  }
0x90: {  	s2 =	sld [smem:$0x3FC9];
	(tm) =	ssettm $0x1  }
0x91: {  	s18 =	sld [smem:$0x3FFB];
	_ =	sdelay $0x3  }
0x92: {  	_ =	strace s18  }
0x93: {  	s3 =	sld [smem:$0x3FFC];
	_ =	sdelay $0x3  }
0x94: {  	_ =	strace s3  }
0x95: {  	s3 =	sld [smem:$0x3FFD];
	_ =	sdelay $0x3  }
0x96: {  	_ =	strace s3  }
0x97: {  	_ =	strace $0x8FFFFFFF  }
0x98: {  	s19 =	sld [smem:$0x3FDB];
	_ =	sdelay $0x1  }
0x99: {  	s4 =	simm.s32 $_scs_section_size  }
0x9a: {  	s5 =	simm.s32 $_size__tile_overlayer_lowered;
	s6 =	simm.s32 $_tile_overlayer_lowered  }
0x9b: {  	s22 =	simm.s32 $0x1BFF;
	s21 =	sshll.u32 s6, $0x1;
	s3 =	sadd.s32 s4, s19  }
0x9c: {  	s7 =	simm.s32 $0x0;
	s20 =	sshll.u32 s5, $0x1;
	s5 =	sadd.s32 s21, s3  }
0x9d: {  	[timem:s7], [sflag:s22] =	dma.local [hbm:s5], s20  }
0x9e: {  	_ =	swait.ge [sflag:s22], s20  }
0x9f: {  	s4 =	ssub.s32 $0x0, s20;
	[sflag:s22] =	ssyncset.done $0x0  }
0xa0: {  	[sflag:s22] =	ssyncadd.s32 s4;
	_ =	sdelay $0x1  }
0xa1: {  	s23 =	simm.s32 $0x1B8B  }
0xa2: {  	_ =	swait.ge [sflag:s23], $0x1  }
0xa3: {  	[sflag:s23] =	ssyncset.done $0x0  }
0xa4: {  	s25 =	simm.s32 $0x1B8E;
	s24 =	sld [smem:$0x3FFE];
	[sflag:s23] =	ssyncadd.s32 $0xFFFFFFFF  }
0xa5: {  	s26 =	simm.s32 $execute0_lowered;
	[smem:$0x3FD2] =	sst s25  }
0xa6: {  	s5 =	sshll.u32 s26, $0x1;
	_ =	strace $0x80000046;
	[dreg:$0x1] =	wrdreg $0xFFFFFFFF  }
0xa7: {  	s28 =	simm.s32 $_size_execute0_lowered;
	s3 =	sadd.s32 s3, s5;
	[dreg:$0x0] =	wrdreg $0x0  }
0xa8: {  	s5 =	sshll.u32 s28, $0x1;
	[dreg:$0x2] =	wrdreg s3  }
0xa9: {  	[dreg:$0x3] =	wrdreg s5  }
0xaa: {  	[dreg:$0x4] =	wrdreg $0xC0  }
0xab: {  	_ =	task [dreg:s7], $0x5FFFF  }
0xac: {  	[dreg:$0x1] =	wrdreg $0xFFFFFFFF  }
0xad: {  	[dreg:$0x0] =	wrdreg $0x60  }
0xae: {  	[dreg:$0x2] =	wrdreg s24  }
0xaf: {  	[dreg:$0x3] =	wrdreg s2  }
0xb0: {  	[dreg:$0x4] =	wrdreg $0x93000  }
0xb1: {  	[dreg:$0x5] =	wrdreg $0x1D3000  }
0xb2: {  	[dreg:$0x6] =	wrdreg $0x9  }
0xb3: {  	_ =	task.clear_ibuf [dreg:s7], $0x7FFFF;
	_ =	strace $0x90000046  }
0xb4: {  	s29 =	simm.s32 $0x9;
	_ =	strace $0x80000048  }
0xb5: {  	_ =	swait.ge [sflag:s29], $0x1  }
0xb6: {  	[sflag:s29] =	ssyncadd.s32 $0xFFFFFFFF  }
0xb7: {  	_ =	strace $0x90000048  }
0xb8: {  	_ =	sfence  }
0xb9: {  	s30 =	sld [smem:$0x0];
	_ =	sdelay $0x2  }
0xba: {  	s31 =	sshll.u32 s1, $0xD;
	s1 =	sshrl.u32 s1, $0x2  }
0xbb: {  	s3 =	sand.u32 $0x4000, s31;
	s1 =	sadd.s32 s1, s30  }
0xbc: {  	s0 =	sor.u32 s3, s0;
	s1 =	sshll.u32 s1, $0x11  }
0xbd: {  	s0 =	sor.u32 s1, s0  }
0xbe: {  	s0 =	sadd.s32 $0x8F2B, s0  }
0xbf: {  	[sflag:s0] =	ssyncadd.remote.s32 $0x1  }
0xc0: {  	_ =	sfence.sel $0xFFFF  }
0xc1: {  	[dreg:$0x0] =	wrdreg $0xFFFFFFFF;
	(pc) =	sbr.abs _section_cstart, $3  }
0xc2: {  	[dreg:$0x1] =	wrdreg $0xFFFFFFFF  }
0xc3: {  	_ =	task.clear_ibuf [dreg:s7], $0x2FFFF;
	_ =	strace $0x9FFFFFFF  }
0xc4: {  	(tm) =	ssettm $0x7FFFFFFF  }
0xc5: {  	_ =	shalt  }
tec
execute0_lowered:
.L_overlay_start_1:
0x0: {  	(tag) =	ssettag $0x1  }
0x1: {  	s0 =	rddreg [dreg:$0x0]  }
0x2: {  	s2 =	rddreg [dreg:$0x1]  }
0x3: {  	s3 =	rddreg [dreg:$0x2]  }
0x4: {  	s4 =	rddreg [dreg:$0x3];
	s13 =	stileid.u32  }
0x5: {  	s1 =	srdreg.scid;
	s5 =	simm.s32 $0x0;
	s14 =	simm.s32 $0x180  }
0x6: {  	s16 =	simm.s32 $0x200;
	s17 =	simm.s32 $0x280;
	s18 =	simm.s32 $0x300  }
0x7: {  	s28 =	simm.s32 $0xA80;
	s29 =	simm.s32 $0xB00;
	s7 =	smul.u32 $0x2800, s13  }
0x8: {  	s30 =	simm.s32 $0xB80;
	s31 =	simm.s32 $0xC00;
	s8 =	smul.u32 $0x500, s13  }
0x9: {  	s1 =	sand.u32 $0x1, s1;
	[smem:$0x7FF] =	sst s5;
	s10 =	smul.u32 $0x50000, s13  }
0xa: {  	s11 =	sadd.s32 $0x15C00, s0;
	_ =	strace $0x80000047;
	[dreg:$0x8] =	wrdreg s14  }
0xb: {  	s12 =	sadd.s32 $0x3DC00, s0;
	s13 =	smul.u32 $0xA00, s13;
	[dreg:$0x9] =	wrdreg s16  }
0xc: {  	p0 =	seq.s32 s1, $0x0;
	s19 =	sshll.u32 s1, $0x7;
	[dreg:$0xa] =	wrdreg s17  }
0xd: {  	s1 =	ssub.s32 $0x2, s1;
	s16 =	simm.s32 $0x2;
	[dreg:$0xb] =	wrdreg s18  }
0xe: {  	s18 =	simm.s32 $0x800;
	s17 =	simm.s32 $0xD00;
	s6 =	sadd.s32 $0x28000, s7  }
0xf: {  	s20 =	sshrl.u32 s10, $0x2;
	s21 =	sshrl.u32 s1, $0x1;
	s25 =	sshrl.u32 s13, $0x2  }
0x10: {  	s13 =	simm.s32 $0x100;
	s12 =	smov.u32 @p0 s11;
	s11 =	simm.s32 $0x0  }
0x11: {  	s6 =	smov.u32 @p0 s7;
	s1 =	ssub.s32 s1, s21;
	s26 =	sadd.s32 s25, s4  }
0x12: {  	[dreg:$0x7] =	wrdreg s13;
	s15 =	sadd.s32 s12, s7;
	s21 =	simm.s32 $0x480  }
0x13: {  	s25 =	simm.s32 $0x680;
	s7 =	simm.s32 $0xE00;
	[dreg:$0x19] =	wrdreg s26  }
0x14: {  	s12 =	simm.s32 $0xF80;
	s13 =	simm.s32 $0x20;
	[dreg:$0x1c] =	wrdreg s15  }
0x15: {  	s6 =	sshrl.u32 s6, $0x3;
	s1 =	smax.u32 s1, $0x1;
	[dreg:$0xe] =	wrdreg s21  }
0x16: {  	s15 =	simm.s32 $0x1000;
	s21 =	simm.s32 $0x1;
	[dreg:$0x12] =	wrdreg s25  }
0x17: {  	s26 =	simm.s32 $0x700;
	s9 =	sadd.s32 s6, s0;
	[dreg:$0x1b] =	wrdreg s1  }
0x18: {  	s6 =	sor.u32 s19, s8;
	s19 =	simm.s32 $0x380;
	[dreg:$0x13] =	wrdreg s26  }
0x19: {  	s8 =	sshrl.u32 s6, $0x3;
	s6 =	sadd.s32 s20, s3;
	[dreg:$0xc] =	wrdreg s19  }
0x1a: {  	s25 =	simm.s32 $0x980;
	s10 =	sadd.s32 $0x1200, s9;
	[dreg:$0x14] =	wrdreg s6  }
0x1b: {  	s26 =	simm.s32 $0xA00;
	s20 =	simm.s32 $0x400;
	[dreg:$0x6] =	wrdreg s10  }
0x1c: {  	s1 =	simm.s32 $0xC80;
	s22 =	sadd.s32 $0x4000, s6;
	[dreg:$0xd] =	wrdreg s20  }
0x1d: {  	s19 =	simm.s32 $0x80;
	s23 =	sadd.s32 $0x8000, s6;
	[dreg:$0x15] =	wrdreg s22  }
0x1e: {  	s0 =	sadd.s32 s8, s0;
	s24 =	sadd.s32 $0xC000, s6;
	[dreg:$0x16] =	wrdreg s23  }
0x1f: {  	s6 =	sadd.s32 $0x10000, s6;
	s20 =	simm.s32 $0x5000;
	[dreg:$0x17] =	wrdreg s24  }
0x20: {  	s8 =	simm.s32 $0xE80;
	[dreg:$0x18] =	wrdreg s6;
	s0 =	sadd.s32 $0x15200, s0  }
0x21: {  	s10 =	simm.s32 $0xF00;
	s6 =	sadd.s32 $0xB200, s9;
	[dreg:$0x1a] =	wrdreg s0  }
0x22: {  	s22 =	simm.s32 $0x500;
	s23 =	simm.s32 $0x580;
	[dreg:$0x5] =	wrdreg s6  }
0x23: {  	s24 =	simm.s32 $0x600;
	s9 =	simm.s32 $0x780;
	[dreg:$0xf] =	wrdreg s22  }
0x24: {  	s22 =	simm.s32 $0x9000;
	[dreg:$0x10] =	wrdreg s23;
	s23 =	simm.s32 $0x880  }
0x25: {  	v0 =	vimm.f32 $0.0e+00;
	v1 =	vimm.f32 $1.000000000e+00;
	[dreg:$0x11] =	wrdreg s24;
	s24 =	simm.s32 $0x900;
	s0 =	simm.s32 $0xD80  }
.LBB2_1:
0x26: {  	[tilespmem:$0x9080] =	vst v0  }
0x27: {  	[tilespmem:$0x9090] =	vst v0  }
0x28: {  	[tilespmem:$0x90A0] =	vst v0  }
0x29: {  	[tilespmem:$0x90B0] =	vst v0  }
0x2a: {  	[tilespmem:$0x90C0] =	vst v0  }
0x2b: {  	[tilespmem:$0x90D0] =	vst v0  }
0x2c: {  	[tilespmem:$0x90E0] =	vst v0  }
0x2d: {  	[tilespmem:$0x90F0] =	vst v0  }
0x2e: {  	[tilespmem:$0x9100] =	vst v0  }
0x2f: {  	[tilespmem:$0x9110] =	vst v0  }
0x30: {  	[tilespmem:$0x9120] =	vst v0  }
0x31: {  	[tilespmem:$0x9130] =	vst v0  }
0x32: {  	[tilespmem:$0x9140] =	vst v0  }
0x33: {  	[tilespmem:$0x9150] =	vst v0  }
0x34: {  	[tilespmem:$0x9160] =	vst v0  }
0x35: {  	[tilespmem:$0x9170] =	vst v0  }
0x36: {  	[tilespmem:$0x9180] =	vst v0  }
0x37: {  	[tilespmem:$0x9190] =	vst v0  }
0x38: {  	[tilespmem:$0x91A0] =	vst v0  }
0x39: {  	[tilespmem:$0x91B0] =	vst v0  }
0x3a: {  	[tilespmem:$0x91C0] =	vst v0  }
0x3b: {  	[tilespmem:$0x91D0] =	vst v0  }
0x3c: {  	[tilespmem:$0x91E0] =	vst v0  }
0x3d: {  	[tilespmem:$0x91F0] =	vst v0  }
0x3e: {  	[tilespmem:$0x9200] =	vst v0  }
0x3f: {  	[tilespmem:$0x9210] =	vst v0  }
0x40: {  	[tilespmem:$0x9220] =	vst v0  }
0x41: {  	[tilespmem:$0x9230] =	vst v0  }
0x42: {  	[tilespmem:$0x9240] =	vst v0  }
0x43: {  	[tilespmem:$0x9250] =	vst v0  }
0x44: {  	[tilespmem:$0x9260] =	vst v0  }
0x45: {  	[tilespmem:$0x9270] =	vst v0  }
0x46: {  	[tilespmem:$0x9280] =	vst v0  }
0x47: {  	[tilespmem:$0x9290] =	vst v0  }
0x48: {  	[tilespmem:$0x92A0] =	vst v0  }
0x49: {  	[tilespmem:$0x92B0] =	vst v0  }
0x4a: {  	[tilespmem:$0x92C0] =	vst v0  }
0x4b: {  	[tilespmem:$0x92D0] =	vst v0  }
0x4c: {  	[tilespmem:$0x92E0] =	vst v0  }
0x4d: {  	[dreg:$0x1d] =	wrdreg s11;
	[tilespmem:$0x92F0] =	vst v0;
	s14 =	simm.s32 $0x0;
	s11 =	simm.s32 $0x200  }
.LBB2_2:
0x4e: {  	p0 =	sne.s32 s11, $0xFE00;
	[tilespmem:s14+$0x1070] =	vst v0  }
0x4f: {  	[tilespmem:s14+$0x1000] =	vst v0  }
0x50: {  	[tilespmem:s14+$0x1010] =	vst v0  }
.Ltmp0:
0x51: {  	[tilespmem:s14+$0x1020] =	vst v0;
	(pc) =	sbr.rel @p0 .LBB2_2-.Ltmp0, $4  }
0x52: {  	[tilespmem:s14+$0x1030] =	vst v0  }
0x53: {  	[tilespmem:s14+$0x1040] =	vst v0  }
0x54: {  	[tilespmem:s14+$0x1050] =	vst v0  }
0x55: {  	[tilespmem:s14+$0x1060] =	vst v0;
	s14 =	sshra.s32 s11, $0x2;
	s11 =	sadd.s32 $0x200, s11  }
0x56: {  	[tilespmem:s14+$0x1070] =	vst v0  }
0x57: {  	[tilespmem:s14+$0x1000] =	vst v0  }
0x58: {  	[tilespmem:s14+$0x1010] =	vst v0  }
0x59: {  	[tilespmem:s14+$0x1020] =	vst v0  }
0x5a: {  	[tilespmem:s14+$0x1030] =	vst v0  }
0x5b: {  	[tilespmem:s14+$0x1040] =	vst v0  }
0x5c: {  	[tilespmem:s14+$0x1050] =	vst v0  }
0x5d: {  	[tilespmem:s14+$0x1060] =	vst v0  }
0x5e: {  	[tilespmem:$0x9000] =	vst v1  }
0x5f: {  	[tilespmem:$0x9010] =	vst v1  }
0x60: {  	[tilespmem:$0x9020] =	vst v1  }
0x61: {  	[tilespmem:$0x9030] =	vst v1  }
0x62: {  	[tilespmem:$0x9040] =	vst v1  }
0x63: {  	[tilespmem:$0x9050] =	vst v1  }
0x64: {  	[tilespmem:$0x9060] =	vst v1  }
0x65: {  	s6 =	rddreg [dreg:$0x14];
	[tilespmem:$0x9070] =	vst v1  }
0x66: {  	[spmem:s6] =	stream.linear.scatter [tilespmem:s15], [sflag:$0x2], $0x4000, $0x38;
	[tilespmem:$0x1D580] =	vst v63  }
0x67: {  	_ =	swait.ge [sflag:s16], $0x4000  }
0x68: {  	[sflag:s16] =	ssyncset.done $0x0  }
0x69: {  	s14 =	rddreg [dreg:$0x15];
	[sflag:s16] =	ssyncadd.s32 $0xFFFFC000  }
0x6a: {  	[spmem:s14] =	stream.linear.scatter [tilespmem:s15], [sflag:$0x2], $0x4000, $0x38;
	[tilespmem:$0x1D580] =	vst v63  }
0x6b: {  	_ =	swait.ge [sflag:s16], $0x4000  }
0x6c: {  	[sflag:s16] =	ssyncset.done $0x0  }
0x6d: {  	s11 =	rddreg [dreg:$0x16];
	[sflag:s16] =	ssyncadd.s32 $0xFFFFC000  }
0x6e: {  	[spmem:s11] =	stream.linear.scatter [tilespmem:s15], [sflag:$0x2], $0x4000, $0x38;
	[tilespmem:$0x1D580] =	vst v63  }
0x6f: {  	_ =	swait.ge [sflag:s16], $0x4000  }
0x70: {  	[sflag:s16] =	ssyncset.done $0x0  }
0x71: {  	s14 =	rddreg [dreg:$0x17];
	[sflag:s16] =	ssyncadd.s32 $0xFFFFC000  }
0x72: {  	[spmem:s14] =	stream.linear.scatter [tilespmem:s15], [sflag:$0x2], $0x4000, $0x38;
	[tilespmem:$0x1D580] =	vst v63  }
0x73: {  	_ =	swait.ge [sflag:s16], $0x4000  }
0x74: {  	[sflag:s16] =	ssyncset.done $0x0  }
0x75: {  	s11 =	rddreg [dreg:$0x18];
	[sflag:s16] =	ssyncadd.s32 $0xFFFFC000  }
0x76: {  	[spmem:s11] =	stream.linear.scatter [tilespmem:s15], [sflag:$0x2], $0x4000, $0x38;
	[tilespmem:$0x1D580] =	vst v63  }
0x77: {  	_ =	swait.ge [sflag:s16], $0x4000  }
0x78: {  	[sflag:s16] =	ssyncset.done $0x0  }
0x79: {  	s11 =	simm.s32 $0x9080;
	s14 =	rddreg [dreg:$0x19];
	[sflag:s16] =	ssyncadd.s32 $0xFFFFC000  }
0x7a: {  	[spmem:s14] =	stream.linear.scatter [tilespmem:s11], [sflag:$0x2], $0x280, $0x38;
	[tilespmem:$0x1D580] =	vst v63  }
0x7b: {  	_ =	swait.ge [sflag:s16], $0x280  }
0x7c: {  	[sflag:s16] =	ssyncset.done $0x0  }
0x7d: {  	[sflag:s16] =	ssyncadd.s32 $0xFFFFFD80  }
0x7e: {  	[bflag:$0x0] =	sbarrier.arrive $0xFFFF  }
0x7f: {  	s14 =	rddreg [dreg:$0x6]  }
0x80: {  	s11 =	sadd.s32 $0x0, s14  }
0x81: {  	[tilespmem:s5], [sflag:$0x2] =	stream.linear.gather [hbm4b:s11+s5], $0x800, $0x38;
	[tilespmem:$0x1D580] =	vst v63  }
0x82: {  	_ =	swait.ge [sflag:s16], $0x800  }
0x83: {  	s6 =	rddreg [dreg:$0x5];
	[sflag:s16] =	ssyncset.done $0x0  }
0x84: {  	[sflag:s16] =	ssyncadd.s32 $0xFFFFF800;
	s11 =	sadd.s32 $0x0, s6  }
0x85: {  	[tilespmem:s18], [sflag:$0x2] =	stream.linear.gather [hbm4b:s11+s5], $0x800, $0x38;
	[tilespmem:$0x1D580] =	vst v63  }
0x86: {  	_ =	swait.ge [sflag:s16], $0x800  }
0x87: {  	[sflag:s16] =	ssyncset.done $0x0  }
0x88: {  	[sflag:s16] =	ssyncadd.s32 $0xFFFFF800  }
0x89: {  	[tilespmem:s15], [sflag:$0x1] =	stream.indirect.gather [hbm4b:s2+s19], $0x80, s5, s19, $0xb8;
	[tilespmem:$0x1D580] =	vst v63  }
0x8a: {  	_ = 	snop  }
0x8b: {  	[tilespmem:s20], [sflag:$0x1] =	stream.indirect.gather [hbm4b:s2+s19], $0x80, s19, s19, $0xb8;
	[tilespmem:$0x1D580] =	vst v63  }
0x8c: {  	_ =	swait.ge [sflag:s21], $0x4000  }
0x8d: {  	[sflag:s21] =	ssyncset.done $0x0  }
0x8e: {  	[sflag:s21] =	ssyncadd.s32 $0xFFFFC000  }
0x8f: {  	[spmem:s3] =	stream.indirect.scatter.add.f32 [tilespmem:s15], [sflag:$0x2], $0x80, s18, s19, $0xb8;
	[tilespmem:$0x1D580] =	vst v63  }
0x90: {  	_ =	swait.ge [sflag:s16], $0x4000  }
0x91: {  	[sflag:s16] =	ssyncset.done $0x0  }
0x92: {  	[sflag:s16] =	ssyncadd.s32 $0xFFFFC000  }
0x93: {  	[spmem:s4] =	stream.indirect.scatter.add.f32 [tilespmem:s22], [sflag:$0x2], $0x1, s18, s19, $0xb8;
	[tilespmem:$0x1D580] =	vst v63  }
0x94: {  	_ =	swait.ge [sflag:s16], $0x80  }
0x95: {  	[sflag:s16] =	ssyncset.done $0x0  }
0x96: {  	s14 =	rddreg [dreg:$0x7];
	[sflag:s16] =	ssyncadd.s32 $0xFFFFFF80  }
0x97: {  	[tilespmem:s15], [sflag:$0x1] =	stream.indirect.gather [hbm4b:s2+s19], $0x80, s14, s19, $0xb8;
	[tilespmem:$0x1D580] =	vst v63  }
0x98: {  	_ =	swait.ge [sflag:s21], $0x4000  }
0x99: {  	[sflag:s21] =	ssyncset.done $0x0  }
0x9a: {  	[sflag:s21] =	ssyncadd.s32 $0xFFFFC000  }
0x9b: {  	[spmem:s3] =	stream.indirect.scatter.add.f32 [tilespmem:s20], [sflag:$0x2], $0x80, s23, s19, $0xb8;
	[tilespmem:$0x1D580] =	vst v63  }
0x9c: {  	_ =	swait.ge [sflag:s16], $0x4000  }
0x9d: {  	[sflag:s16] =	ssyncset.done $0x0  }
0x9e: {  	[sflag:s16] =	ssyncadd.s32 $0xFFFFC000  }
0x9f: {  	[spmem:s4] =	stream.indirect.scatter.add.f32 [tilespmem:s22], [sflag:$0x2], $0x1, s23, s19, $0xb8;
	[tilespmem:$0x1D580] =	vst v63  }
0xa0: {  	_ =	swait.ge [sflag:s16], $0x80  }
0xa1: {  	[sflag:s16] =	ssyncset.done $0x0  }
0xa2: {  	s6 =	rddreg [dreg:$0x8];
	[sflag:s16] =	ssyncadd.s32 $0xFFFFFF80  }
0xa3: {  	[tilespmem:s20], [sflag:$0x1] =	stream.indirect.gather [hbm4b:s2+s19], $0x80, s6, s19, $0xb8;
	[tilespmem:$0x1D580] =	vst v63  }
0xa4: {  	_ =	swait.ge [sflag:s21], $0x4000  }
0xa5: {  	[sflag:s21] =	ssyncset.done $0x0  }
0xa6: {  	[sflag:s21] =	ssyncadd.s32 $0xFFFFC000  }
0xa7: {  	[spmem:s3] =	stream.indirect.scatter.add.f32 [tilespmem:s15], [sflag:$0x2], $0x80, s24, s19, $0xb8;
	[tilespmem:$0x1D580] =	vst v63  }
0xa8: {  	_ =	swait.ge [sflag:s16], $0x4000  }
0xa9: {  	[sflag:s16] =	ssyncset.done $0x0  }
0xaa: {  	[sflag:s16] =	ssyncadd.s32 $0xFFFFC000  }
0xab: {  	[spmem:s4] =	stream.indirect.scatter.add.f32 [tilespmem:s22], [sflag:$0x2], $0x1, s24, s19, $0xb8;
	[tilespmem:$0x1D580] =	vst v63  }
0xac: {  	_ =	swait.ge [sflag:s16], $0x80  }
0xad: {  	[sflag:s16] =	ssyncset.done $0x0  }
0xae: {  	s14 =	rddreg [dreg:$0x9];
	[sflag:s16] =	ssyncadd.s32 $0xFFFFFF80  }
0xaf: {  	[tilespmem:s15], [sflag:$0x1] =	stream.indirect.gather [hbm4b:s2+s19], $0x80, s14, s19, $0xb8;
	[tilespmem:$0x1D580] =	vst v63  }
0xb0: {  	_ =	swait.ge [sflag:s21], $0x4000  }
0xb1: {  	[sflag:s21] =	ssyncset.done $0x0  }
0xb2: {  	[sflag:s21] =	ssyncadd.s32 $0xFFFFC000  }
0xb3: {  	[spmem:s3] =	stream.indirect.scatter.add.f32 [tilespmem:s20], [sflag:$0x2], $0x80, s25, s19, $0xb8;
	[tilespmem:$0x1D580] =	vst v63  }
0xb4: {  	_ =	swait.ge [sflag:s16], $0x4000  }
0xb5: {  	[sflag:s16] =	ssyncset.done $0x0  }
0xb6: {  	[sflag:s16] =	ssyncadd.s32 $0xFFFFC000  }
0xb7: {  	[spmem:s4] =	stream.indirect.scatter.add.f32 [tilespmem:s22], [sflag:$0x2], $0x1, s25, s19, $0xb8;
	[tilespmem:$0x1D580] =	vst v63  }
0xb8: {  	_ =	swait.ge [sflag:s16], $0x80  }
0xb9: {  	[sflag:s16] =	ssyncset.done $0x0  }
0xba: {  	s6 =	rddreg [dreg:$0xa];
	[sflag:s16] =	ssyncadd.s32 $0xFFFFFF80  }
0xbb: {  	[tilespmem:s20], [sflag:$0x1] =	stream.indirect.gather [hbm4b:s2+s19], $0x80, s6, s19, $0xb8;
	[tilespmem:$0x1D580] =	vst v63  }
0xbc: {  	_ =	swait.ge [sflag:s21], $0x4000  }
0xbd: {  	[sflag:s21] =	ssyncset.done $0x0  }
0xbe: {  	[sflag:s21] =	ssyncadd.s32 $0xFFFFC000  }
0xbf: {  	[spmem:s3] =	stream.indirect.scatter.add.f32 [tilespmem:s15], [sflag:$0x2], $0x80, s26, s19, $0xb8;
	[tilespmem:$0x1D580] =	vst v63  }
0xc0: {  	_ =	swait.ge [sflag:s16], $0x4000  }
0xc1: {  	[sflag:s16] =	ssyncset.done $0x0  }
0xc2: {  	[sflag:s16] =	ssyncadd.s32 $0xFFFFC000  }
0xc3: {  	[spmem:s4] =	stream.indirect.scatter.add.f32 [tilespmem:s22], [sflag:$0x2], $0x1, s26, s19, $0xb8;
	[tilespmem:$0x1D580] =	vst v63  }
0xc4: {  	_ =	swait.ge [sflag:s16], $0x80  }
0xc5: {  	[sflag:s16] =	ssyncset.done $0x0  }
0xc6: {  	s14 =	rddreg [dreg:$0xb];
	[sflag:s16] =	ssyncadd.s32 $0xFFFFFF80  }
0xc7: {  	[tilespmem:s15], [sflag:$0x1] =	stream.indirect.gather [hbm4b:s2+s19], $0x80, s14, s19, $0xb8;
	[tilespmem:$0x1D580] =	vst v63  }
0xc8: {  	_ =	swait.ge [sflag:s21], $0x4000  }
0xc9: {  	[sflag:s21] =	ssyncset.done $0x0  }
0xca: {  	[sflag:s21] =	ssyncadd.s32 $0xFFFFC000  }
0xcb: {  	[spmem:s3] =	stream.indirect.scatter.add.f32 [tilespmem:s20], [sflag:$0x2], $0x80, s28, s19, $0xb8;
	[tilespmem:$0x1D580] =	vst v63  }
0xcc: {  	_ =	swait.ge [sflag:s16], $0x4000  }
0xcd: {  	[sflag:s16] =	ssyncset.done $0x0  }
0xce: {  	[sflag:s16] =	ssyncadd.s32 $0xFFFFC000  }
0xcf: {  	[spmem:s4] =	stream.indirect.scatter.add.f32 [tilespmem:s22], [sflag:$0x2], $0x1, s28, s19, $0xb8;
	[tilespmem:$0x1D580] =	vst v63  }
0xd0: {  	_ =	swait.ge [sflag:s16], $0x80  }
0xd1: {  	[sflag:s16] =	ssyncset.done $0x0  }
0xd2: {  	s6 =	rddreg [dreg:$0xc];
	[sflag:s16] =	ssyncadd.s32 $0xFFFFFF80  }
0xd3: {  	[tilespmem:s20], [sflag:$0x1] =	stream.indirect.gather [hbm4b:s2+s19], $0x80, s6, s19, $0xb8;
	[tilespmem:$0x1D580] =	vst v63  }
0xd4: {  	_ =	swait.ge [sflag:s21], $0x4000  }
0xd5: {  	[sflag:s21] =	ssyncset.done $0x0  }
0xd6: {  	[sflag:s21] =	ssyncadd.s32 $0xFFFFC000  }
0xd7: {  	[spmem:s3] =	stream.indirect.scatter.add.f32 [tilespmem:s15], [sflag:$0x2], $0x80, s29, s19, $0xb8;
	[tilespmem:$0x1D580] =	vst v63  }
0xd8: {  	_ =	swait.ge [sflag:s16], $0x4000  }
0xd9: {  	[sflag:s16] =	ssyncset.done $0x0  }
0xda: {  	[sflag:s16] =	ssyncadd.s32 $0xFFFFC000  }
0xdb: {  	[spmem:s4] =	stream.indirect.scatter.add.f32 [tilespmem:s22], [sflag:$0x2], $0x1, s29, s19, $0xb8;
	[tilespmem:$0x1D580] =	vst v63  }
0xdc: {  	_ =	swait.ge [sflag:s16], $0x80  }
0xdd: {  	[sflag:s16] =	ssyncset.done $0x0  }
0xde: {  	s14 =	rddreg [dreg:$0xd];
	[sflag:s16] =	ssyncadd.s32 $0xFFFFFF80  }
0xdf: {  	[tilespmem:s15], [sflag:$0x1] =	stream.indirect.gather [hbm4b:s2+s19], $0x80, s14, s19, $0xb8;
	[tilespmem:$0x1D580] =	vst v63  }
0xe0: {  	_ =	swait.ge [sflag:s21], $0x4000  }
0xe1: {  	[sflag:s21] =	ssyncset.done $0x0  }
0xe2: {  	[sflag:s21] =	ssyncadd.s32 $0xFFFFC000  }
0xe3: {  	[spmem:s3] =	stream.indirect.scatter.add.f32 [tilespmem:s20], [sflag:$0x2], $0x80, s30, s19, $0xb8;
	[tilespmem:$0x1D580] =	vst v63  }
0xe4: {  	_ =	swait.ge [sflag:s16], $0x4000  }
0xe5: {  	[sflag:s16] =	ssyncset.done $0x0  }
0xe6: {  	[sflag:s16] =	ssyncadd.s32 $0xFFFFC000  }
0xe7: {  	[spmem:s4] =	stream.indirect.scatter.add.f32 [tilespmem:s22], [sflag:$0x2], $0x1, s30, s19, $0xb8;
	[tilespmem:$0x1D580] =	vst v63  }
0xe8: {  	_ =	swait.ge [sflag:s16], $0x80  }
0xe9: {  	[sflag:s16] =	ssyncset.done $0x0  }
0xea: {  	s6 =	rddreg [dreg:$0xe];
	[sflag:s16] =	ssyncadd.s32 $0xFFFFFF80  }
0xeb: {  	[tilespmem:s20], [sflag:$0x1] =	stream.indirect.gather [hbm4b:s2+s19], $0x80, s6, s19, $0xb8;
	[tilespmem:$0x1D580] =	vst v63  }
0xec: {  	_ =	swait.ge [sflag:s21], $0x4000  }
0xed: {  	[sflag:s21] =	ssyncset.done $0x0  }
0xee: {  	[sflag:s21] =	ssyncadd.s32 $0xFFFFC000  }
0xef: {  	[spmem:s3] =	stream.indirect.scatter.add.f32 [tilespmem:s15], [sflag:$0x2], $0x80, s31, s19, $0xb8;
	[tilespmem:$0x1D580] =	vst v63  }
0xf0: {  	_ =	swait.ge [sflag:s16], $0x4000  }
0xf1: {  	[sflag:s16] =	ssyncset.done $0x0  }
0xf2: {  	[sflag:s16] =	ssyncadd.s32 $0xFFFFC000  }
0xf3: {  	[spmem:s4] =	stream.indirect.scatter.add.f32 [tilespmem:s22], [sflag:$0x2], $0x1, s31, s19, $0xb8;
	[tilespmem:$0x1D580] =	vst v63  }
0xf4: {  	_ =	swait.ge [sflag:s16], $0x80  }
0xf5: {  	[sflag:s16] =	ssyncset.done $0x0  }
0xf6: {  	s14 =	rddreg [dreg:$0xf];
	[sflag:s16] =	ssyncadd.s32 $0xFFFFFF80  }
0xf7: {  	[tilespmem:s15], [sflag:$0x1] =	stream.indirect.gather [hbm4b:s2+s19], $0x80, s14, s19, $0xb8;
	[tilespmem:$0x1D580] =	vst v63  }
0xf8: {  	_ =	swait.ge [sflag:s21], $0x4000  }
0xf9: {  	[sflag:s21] =	ssyncset.done $0x0  }
0xfa: {  	[sflag:s21] =	ssyncadd.s32 $0xFFFFC000  }
0xfb: {  	[spmem:s3] =	stream.indirect.scatter.add.f32 [tilespmem:s20], [sflag:$0x2], $0x80, s1, s19, $0xb8;
	[tilespmem:$0x1D580] =	vst v63  }
0xfc: {  	_ =	swait.ge [sflag:s16], $0x4000  }
0xfd: {  	[sflag:s16] =	ssyncset.done $0x0  }
0xfe: {  	[sflag:s16] =	ssyncadd.s32 $0xFFFFC000  }
0xff: {  	[spmem:s4] =	stream.indirect.scatter.add.f32 [tilespmem:s22], [sflag:$0x2], $0x1, s1, s19, $0xb8;
	[tilespmem:$0x1D580] =	vst v63  }
0x100: {  	_ =	swait.ge [sflag:s16], $0x80  }
0x101: {  	[sflag:s16] =	ssyncset.done $0x0  }
0x102: {  	s6 =	rddreg [dreg:$0x10];
	[sflag:s16] =	ssyncadd.s32 $0xFFFFFF80  }
0x103: {  	[tilespmem:s20], [sflag:$0x1] =	stream.indirect.gather [hbm4b:s2+s19], $0x80, s6, s19, $0xb8;
	[tilespmem:$0x1D580] =	vst v63  }
0x104: {  	_ =	swait.ge [sflag:s21], $0x4000  }
0x105: {  	[sflag:s21] =	ssyncset.done $0x0  }
0x106: {  	[sflag:s21] =	ssyncadd.s32 $0xFFFFC000  }
0x107: {  	[spmem:s3] =	stream.indirect.scatter.add.f32 [tilespmem:s15], [sflag:$0x2], $0x80, s17, s19, $0xb8;
	[tilespmem:$0x1D580] =	vst v63  }
0x108: {  	_ =	swait.ge [sflag:s16], $0x4000  }
0x109: {  	[sflag:s16] =	ssyncset.done $0x0  }
0x10a: {  	[sflag:s16] =	ssyncadd.s32 $0xFFFFC000  }
0x10b: {  	[spmem:s4] =	stream.indirect.scatter.add.f32 [tilespmem:s22], [sflag:$0x2], $0x1, s17, s19, $0xb8;
	[tilespmem:$0x1D580] =	vst v63  }
0x10c: {  	_ =	swait.ge [sflag:s16], $0x80  }
0x10d: {  	[sflag:s16] =	ssyncset.done $0x0  }
0x10e: {  	s14 =	rddreg [dreg:$0x11];
	[sflag:s16] =	ssyncadd.s32 $0xFFFFFF80  }
0x10f: {  	[tilespmem:s15], [sflag:$0x1] =	stream.indirect.gather [hbm4b:s2+s19], $0x80, s14, s19, $0xb8;
	[tilespmem:$0x1D580] =	vst v63  }
0x110: {  	_ =	swait.ge [sflag:s21], $0x4000  }
0x111: {  	[sflag:s21] =	ssyncset.done $0x0  }
0x112: {  	[sflag:s21] =	ssyncadd.s32 $0xFFFFC000  }
0x113: {  	[spmem:s3] =	stream.indirect.scatter.add.f32 [tilespmem:s20], [sflag:$0x2], $0x80, s0, s19, $0xb8;
	[tilespmem:$0x1D580] =	vst v63  }
0x114: {  	_ =	swait.ge [sflag:s16], $0x4000  }
0x115: {  	[sflag:s16] =	ssyncset.done $0x0  }
0x116: {  	[sflag:s16] =	ssyncadd.s32 $0xFFFFC000  }
0x117: {  	[spmem:s4] =	stream.indirect.scatter.add.f32 [tilespmem:s22], [sflag:$0x2], $0x1, s0, s19, $0xb8;
	[tilespmem:$0x1D580] =	vst v63  }
0x118: {  	_ =	swait.ge [sflag:s16], $0x80  }
0x119: {  	[sflag:s16] =	ssyncset.done $0x0  }
0x11a: {  	s6 =	rddreg [dreg:$0x12];
	[sflag:s16] =	ssyncadd.s32 $0xFFFFFF80  }
0x11b: {  	[tilespmem:s20], [sflag:$0x1] =	stream.indirect.gather [hbm4b:s2+s19], $0x80, s6, s19, $0xb8;
	[tilespmem:$0x1D580] =	vst v63  }
0x11c: {  	_ =	swait.ge [sflag:s21], $0x4000  }
0x11d: {  	[sflag:s21] =	ssyncset.done $0x0  }
0x11e: {  	[sflag:s21] =	ssyncadd.s32 $0xFFFFC000  }
0x11f: {  	[spmem:s3] =	stream.indirect.scatter.add.f32 [tilespmem:s15], [sflag:$0x2], $0x80, s7, s19, $0xb8;
	[tilespmem:$0x1D580] =	vst v63  }
0x120: {  	_ =	swait.ge [sflag:s16], $0x4000  }
0x121: {  	[sflag:s16] =	ssyncset.done $0x0  }
0x122: {  	[sflag:s16] =	ssyncadd.s32 $0xFFFFC000  }
0x123: {  	[spmem:s4] =	stream.indirect.scatter.add.f32 [tilespmem:s22], [sflag:$0x2], $0x1, s7, s19, $0xb8;
	[tilespmem:$0x1D580] =	vst v63  }
0x124: {  	_ =	swait.ge [sflag:s16], $0x80  }
0x125: {  	[sflag:s16] =	ssyncset.done $0x0  }
0x126: {  	s14 =	rddreg [dreg:$0x13];
	[sflag:s16] =	ssyncadd.s32 $0xFFFFFF80  }
0x127: {  	[tilespmem:s15], [sflag:$0x1] =	stream.indirect.gather [hbm4b:s2+s19], $0x80, s14, s19, $0xb8;
	[tilespmem:$0x1D580] =	vst v63  }
0x128: {  	_ =	swait.ge [sflag:s21], $0x4000  }
0x129: {  	[sflag:s21] =	ssyncset.done $0x0  }
0x12a: {  	[sflag:s21] =	ssyncadd.s32 $0xFFFFC000  }
0x12b: {  	[spmem:s3] =	stream.indirect.scatter.add.f32 [tilespmem:s20], [sflag:$0x2], $0x80, s8, s19, $0xb8;
	[tilespmem:$0x1D580] =	vst v63  }
0x12c: {  	_ =	swait.ge [sflag:s16], $0x4000  }
0x12d: {  	[sflag:s16] =	ssyncset.done $0x0  }
0x12e: {  	[sflag:s16] =	ssyncadd.s32 $0xFFFFC000  }
0x12f: {  	[spmem:s4] =	stream.indirect.scatter.add.f32 [tilespmem:s22], [sflag:$0x2], $0x1, s8, s19, $0xb8;
	[tilespmem:$0x1D580] =	vst v63  }
0x130: {  	_ =	swait.ge [sflag:s16], $0x80  }
0x131: {  	[sflag:s16] =	ssyncset.done $0x0  }
0x132: {  	[sflag:s16] =	ssyncadd.s32 $0xFFFFFF80  }
0x133: {  	[tilespmem:s20], [sflag:$0x1] =	stream.indirect.gather [hbm4b:s2+s19], $0x80, s9, s19, $0xb8;
	[tilespmem:$0x1D580] =	vst v63  }
0x134: {  	_ =	swait.ge [sflag:s21], $0x4000  }
0x135: {  	[sflag:s21] =	ssyncset.done $0x0  }
0x136: {  	[sflag:s21] =	ssyncadd.s32 $0xFFFFC000  }
0x137: {  	[spmem:s3] =	stream.indirect.scatter.add.f32 [tilespmem:s15], [sflag:$0x2], $0x80, s10, s19, $0xb8;
	[tilespmem:$0x1D580] =	vst v63  }
0x138: {  	_ =	swait.ge [sflag:s16], $0x4000  }
0x139: {  	[sflag:s16] =	ssyncset.done $0x0  }
0x13a: {  	[sflag:s16] =	ssyncadd.s32 $0xFFFFC000  }
0x13b: {  	[spmem:s4] =	stream.indirect.scatter.add.f32 [tilespmem:s22], [sflag:$0x2], $0x1, s10, s19, $0xb8;
	[tilespmem:$0x1D580] =	vst v63  }
0x13c: {  	_ =	swait.ge [sflag:s16], $0x80  }
0x13d: {  	[sflag:s16] =	ssyncset.done $0x0  }
0x13e: {  	[sflag:s16] =	ssyncadd.s32 $0xFFFFFF80  }
0x13f: {  	_ =	swait.ge [sflag:s21], $0x4000  }
0x140: {  	[sflag:s21] =	ssyncset.done $0x0  }
0x141: {  	[sflag:s21] =	ssyncadd.s32 $0xFFFFC000  }
0x142: {  	[spmem:s3] =	stream.indirect.scatter.add.f32 [tilespmem:s20], [sflag:$0x2], $0x80, s12, s19, $0xb8;
	[tilespmem:$0x1D580] =	vst v63  }
0x143: {  	_ =	swait.ge [sflag:s16], $0x4000  }
0x144: {  	[sflag:s16] =	ssyncset.done $0x0  }
0x145: {  	[sflag:s16] =	ssyncadd.s32 $0xFFFFC000  }
0x146: {  	[spmem:s4] =	stream.indirect.scatter.add.f32 [tilespmem:s22], [sflag:$0x2], $0x1, s12, s19, $0xb8;
	[tilespmem:$0x1D580] =	vst v63  }
0x147: {  	s14 =	simm.s32 $0x100;
	_ =	swait.ge [sflag:s16], $0x80  }
.LBB2_4:
0x148: {  	s11 =	rddreg [dreg:$0x6];
	s6 =	smov.u32 s14;
	[sflag:s16] =	ssyncset.done $0x0  }
0x149: {  	s11 =	sadd.s32 s6, s11;
	[sflag:s16] =	ssyncadd.s32 $0xFFFFFF80  }
0x14a: {  	[tilespmem:s5], [sflag:$0x2] =	stream.linear.gather [hbm4b:s11+s5], $0x800, $0x38;
	[tilespmem:$0x1D580] =	vst v63  }
0x14b: {  	_ =	swait.ge [sflag:s16], $0x800  }
0x14c: {  	s11 =	rddreg [dreg:$0x5];
	[sflag:s16] =	ssyncset.done $0x0  }
0x14d: {  	[sflag:s16] =	ssyncadd.s32 $0xFFFFF800;
	s6 =	sadd.s32 s6, s11  }
0x14e: {  	[tilespmem:s18], [sflag:$0x2] =	stream.linear.gather [hbm4b:s6+s5], $0x800, $0x38;
	[tilespmem:$0x1D580] =	vst v63  }
0x14f: {  	_ =	swait.ge [sflag:s16], $0x800  }
0x150: {  	[sflag:s16] =	ssyncset.done $0x0  }
0x151: {  	[sflag:s16] =	ssyncadd.s32 $0xFFFFF800  }
0x152: {  	[tilespmem:s15], [sflag:$0x1] =	stream.indirect.gather [hbm4b:s2+s19], $0x80, s5, s19, $0xb8;
	[tilespmem:$0x1D580] =	vst v63  }
0x153: {  	_ = 	snop  }
0x154: {  	[tilespmem:s20], [sflag:$0x1] =	stream.indirect.gather [hbm4b:s2+s19], $0x80, s19, s19, $0xb8;
	[tilespmem:$0x1D580] =	vst v63  }
0x155: {  	_ =	swait.ge [sflag:s21], $0x4000  }
0x156: {  	[sflag:s21] =	ssyncset.done $0x0  }
0x157: {  	[sflag:s21] =	ssyncadd.s32 $0xFFFFC000  }
0x158: {  	[spmem:s3] =	stream.indirect.scatter.add.f32 [tilespmem:s15], [sflag:$0x2], $0x80, s18, s19, $0xb8;
	[tilespmem:$0x1D580] =	vst v63  }
0x159: {  	_ =	swait.ge [sflag:s16], $0x4000  }
0x15a: {  	[sflag:s16] =	ssyncset.done $0x0  }
0x15b: {  	[sflag:s16] =	ssyncadd.s32 $0xFFFFC000  }
0x15c: {  	[spmem:s4] =	stream.indirect.scatter.add.f32 [tilespmem:s22], [sflag:$0x2], $0x1, s18, s19, $0xb8;
	[tilespmem:$0x1D580] =	vst v63  }
0x15d: {  	_ =	swait.ge [sflag:s16], $0x80  }
0x15e: {  	[sflag:s16] =	ssyncset.done $0x0  }
0x15f: {  	s11 =	rddreg [dreg:$0x7];
	[sflag:s16] =	ssyncadd.s32 $0xFFFFFF80  }
0x160: {  	[tilespmem:s15], [sflag:$0x1] =	stream.indirect.gather [hbm4b:s2+s19], $0x80, s11, s19, $0xb8;
	[tilespmem:$0x1D580] =	vst v63  }
0x161: {  	_ =	swait.ge [sflag:s21], $0x4000  }
0x162: {  	[sflag:s21] =	ssyncset.done $0x0  }
0x163: {  	[sflag:s21] =	ssyncadd.s32 $0xFFFFC000  }
0x164: {  	[spmem:s3] =	stream.indirect.scatter.add.f32 [tilespmem:s20], [sflag:$0x2], $0x80, s23, s19, $0xb8;
	[tilespmem:$0x1D580] =	vst v63  }
0x165: {  	_ =	swait.ge [sflag:s16], $0x4000  }
0x166: {  	[sflag:s16] =	ssyncset.done $0x0  }
0x167: {  	[sflag:s16] =	ssyncadd.s32 $0xFFFFC000  }
0x168: {  	[spmem:s4] =	stream.indirect.scatter.add.f32 [tilespmem:s22], [sflag:$0x2], $0x1, s23, s19, $0xb8;
	[tilespmem:$0x1D580] =	vst v63  }
0x169: {  	_ =	swait.ge [sflag:s16], $0x80  }
0x16a: {  	[sflag:s16] =	ssyncset.done $0x0  }
0x16b: {  	s11 =	rddreg [dreg:$0x8];
	[sflag:s16] =	ssyncadd.s32 $0xFFFFFF80  }
0x16c: {  	[tilespmem:s20], [sflag:$0x1] =	stream.indirect.gather [hbm4b:s2+s19], $0x80, s11, s19, $0xb8;
	[tilespmem:$0x1D580] =	vst v63  }
0x16d: {  	_ =	swait.ge [sflag:s21], $0x4000  }
0x16e: {  	[sflag:s21] =	ssyncset.done $0x0  }
0x16f: {  	[sflag:s21] =	ssyncadd.s32 $0xFFFFC000  }
0x170: {  	[spmem:s3] =	stream.indirect.scatter.add.f32 [tilespmem:s15], [sflag:$0x2], $0x80, s24, s19, $0xb8;
	[tilespmem:$0x1D580] =	vst v63  }
0x171: {  	_ =	swait.ge [sflag:s16], $0x4000  }
0x172: {  	[sflag:s16] =	ssyncset.done $0x0  }
0x173: {  	[sflag:s16] =	ssyncadd.s32 $0xFFFFC000  }
0x174: {  	[spmem:s4] =	stream.indirect.scatter.add.f32 [tilespmem:s22], [sflag:$0x2], $0x1, s24, s19, $0xb8;
	[tilespmem:$0x1D580] =	vst v63  }
0x175: {  	_ =	swait.ge [sflag:s16], $0x80  }
0x176: {  	[sflag:s16] =	ssyncset.done $0x0  }
0x177: {  	s11 =	rddreg [dreg:$0x9];
	[sflag:s16] =	ssyncadd.s32 $0xFFFFFF80  }
0x178: {  	[tilespmem:s15], [sflag:$0x1] =	stream.indirect.gather [hbm4b:s2+s19], $0x80, s11, s19, $0xb8;
	[tilespmem:$0x1D580] =	vst v63  }
0x179: {  	_ =	swait.ge [sflag:s21], $0x4000  }
0x17a: {  	[sflag:s21] =	ssyncset.done $0x0  }
0x17b: {  	[sflag:s21] =	ssyncadd.s32 $0xFFFFC000  }
0x17c: {  	[spmem:s3] =	stream.indirect.scatter.add.f32 [tilespmem:s20], [sflag:$0x2], $0x80, s25, s19, $0xb8;
	[tilespmem:$0x1D580] =	vst v63  }
0x17d: {  	_ =	swait.ge [sflag:s16], $0x4000  }
0x17e: {  	[sflag:s16] =	ssyncset.done $0x0  }
0x17f: {  	[sflag:s16] =	ssyncadd.s32 $0xFFFFC000  }
0x180: {  	[spmem:s4] =	stream.indirect.scatter.add.f32 [tilespmem:s22], [sflag:$0x2], $0x1, s25, s19, $0xb8;
	[tilespmem:$0x1D580] =	vst v63  }
0x181: {  	_ =	swait.ge [sflag:s16], $0x80  }
0x182: {  	[sflag:s16] =	ssyncset.done $0x0  }
0x183: {  	s11 =	rddreg [dreg:$0xa];
	[sflag:s16] =	ssyncadd.s32 $0xFFFFFF80  }
0x184: {  	[tilespmem:s20], [sflag:$0x1] =	stream.indirect.gather [hbm4b:s2+s19], $0x80, s11, s19, $0xb8;
	[tilespmem:$0x1D580] =	vst v63  }
0x185: {  	_ =	swait.ge [sflag:s21], $0x4000  }
0x186: {  	[sflag:s21] =	ssyncset.done $0x0  }
0x187: {  	[sflag:s21] =	ssyncadd.s32 $0xFFFFC000  }
0x188: {  	[spmem:s3] =	stream.indirect.scatter.add.f32 [tilespmem:s15], [sflag:$0x2], $0x80, s26, s19, $0xb8;
	[tilespmem:$0x1D580] =	vst v63  }
0x189: {  	_ =	swait.ge [sflag:s16], $0x4000  }
0x18a: {  	[sflag:s16] =	ssyncset.done $0x0  }
0x18b: {  	[sflag:s16] =	ssyncadd.s32 $0xFFFFC000  }
0x18c: {  	[spmem:s4] =	stream.indirect.scatter.add.f32 [tilespmem:s22], [sflag:$0x2], $0x1, s26, s19, $0xb8;
	[tilespmem:$0x1D580] =	vst v63  }
0x18d: {  	_ =	swait.ge [sflag:s16], $0x80  }
0x18e: {  	[sflag:s16] =	ssyncset.done $0x0  }
0x18f: {  	s11 =	rddreg [dreg:$0xb];
	[sflag:s16] =	ssyncadd.s32 $0xFFFFFF80  }
0x190: {  	[tilespmem:s15], [sflag:$0x1] =	stream.indirect.gather [hbm4b:s2+s19], $0x80, s11, s19, $0xb8;
	[tilespmem:$0x1D580] =	vst v63  }
0x191: {  	_ =	swait.ge [sflag:s21], $0x4000  }
0x192: {  	[sflag:s21] =	ssyncset.done $0x0  }
0x193: {  	[sflag:s21] =	ssyncadd.s32 $0xFFFFC000  }
0x194: {  	[spmem:s3] =	stream.indirect.scatter.add.f32 [tilespmem:s20], [sflag:$0x2], $0x80, s28, s19, $0xb8;
	[tilespmem:$0x1D580] =	vst v63  }
0x195: {  	_ =	swait.ge [sflag:s16], $0x4000  }
0x196: {  	[sflag:s16] =	ssyncset.done $0x0  }
0x197: {  	[sflag:s16] =	ssyncadd.s32 $0xFFFFC000  }
0x198: {  	[spmem:s4] =	stream.indirect.scatter.add.f32 [tilespmem:s22], [sflag:$0x2], $0x1, s28, s19, $0xb8;
	[tilespmem:$0x1D580] =	vst v63  }
0x199: {  	_ =	swait.ge [sflag:s16], $0x80  }
0x19a: {  	[sflag:s16] =	ssyncset.done $0x0  }
0x19b: {  	s11 =	rddreg [dreg:$0xc];
	[sflag:s16] =	ssyncadd.s32 $0xFFFFFF80  }
0x19c: {  	[tilespmem:s20], [sflag:$0x1] =	stream.indirect.gather [hbm4b:s2+s19], $0x80, s11, s19, $0xb8;
	[tilespmem:$0x1D580] =	vst v63  }
0x19d: {  	_ =	swait.ge [sflag:s21], $0x4000  }
0x19e: {  	[sflag:s21] =	ssyncset.done $0x0  }
0x19f: {  	[sflag:s21] =	ssyncadd.s32 $0xFFFFC000  }
0x1a0: {  	[spmem:s3] =	stream.indirect.scatter.add.f32 [tilespmem:s15], [sflag:$0x2], $0x80, s29, s19, $0xb8;
	[tilespmem:$0x1D580] =	vst v63  }
0x1a1: {  	_ =	swait.ge [sflag:s16], $0x4000  }
0x1a2: {  	[sflag:s16] =	ssyncset.done $0x0  }
0x1a3: {  	[sflag:s16] =	ssyncadd.s32 $0xFFFFC000  }
0x1a4: {  	[spmem:s4] =	stream.indirect.scatter.add.f32 [tilespmem:s22], [sflag:$0x2], $0x1, s29, s19, $0xb8;
	[tilespmem:$0x1D580] =	vst v63  }
0x1a5: {  	_ =	swait.ge [sflag:s16], $0x80  }
0x1a6: {  	[sflag:s16] =	ssyncset.done $0x0  }
0x1a7: {  	s11 =	rddreg [dreg:$0xd];
	[sflag:s16] =	ssyncadd.s32 $0xFFFFFF80  }
0x1a8: {  	[tilespmem:s15], [sflag:$0x1] =	stream.indirect.gather [hbm4b:s2+s19], $0x80, s11, s19, $0xb8;
	[tilespmem:$0x1D580] =	vst v63  }
0x1a9: {  	_ =	swait.ge [sflag:s21], $0x4000  }
0x1aa: {  	[sflag:s21] =	ssyncset.done $0x0  }
0x1ab: {  	[sflag:s21] =	ssyncadd.s32 $0xFFFFC000  }
0x1ac: {  	[spmem:s3] =	stream.indirect.scatter.add.f32 [tilespmem:s20], [sflag:$0x2], $0x80, s30, s19, $0xb8;
	[tilespmem:$0x1D580] =	vst v63  }
0x1ad: {  	_ =	swait.ge [sflag:s16], $0x4000  }
0x1ae: {  	[sflag:s16] =	ssyncset.done $0x0  }
0x1af: {  	[sflag:s16] =	ssyncadd.s32 $0xFFFFC000  }
0x1b0: {  	[spmem:s4] =	stream.indirect.scatter.add.f32 [tilespmem:s22], [sflag:$0x2], $0x1, s30, s19, $0xb8;
	[tilespmem:$0x1D580] =	vst v63  }
0x1b1: {  	_ =	swait.ge [sflag:s16], $0x80  }
0x1b2: {  	[sflag:s16] =	ssyncset.done $0x0  }
0x1b3: {  	s11 =	rddreg [dreg:$0xe];
	[sflag:s16] =	ssyncadd.s32 $0xFFFFFF80  }
0x1b4: {  	[tilespmem:s20], [sflag:$0x1] =	stream.indirect.gather [hbm4b:s2+s19], $0x80, s11, s19, $0xb8;
	[tilespmem:$0x1D580] =	vst v63  }
0x1b5: {  	_ =	swait.ge [sflag:s21], $0x4000  }
0x1b6: {  	[sflag:s21] =	ssyncset.done $0x0  }
0x1b7: {  	[sflag:s21] =	ssyncadd.s32 $0xFFFFC000  }
0x1b8: {  	[spmem:s3] =	stream.indirect.scatter.add.f32 [tilespmem:s15], [sflag:$0x2], $0x80, s31, s19, $0xb8;
	[tilespmem:$0x1D580] =	vst v63  }
0x1b9: {  	_ =	swait.ge [sflag:s16], $0x4000  }
0x1ba: {  	[sflag:s16] =	ssyncset.done $0x0  }
0x1bb: {  	[sflag:s16] =	ssyncadd.s32 $0xFFFFC000  }
0x1bc: {  	[spmem:s4] =	stream.indirect.scatter.add.f32 [tilespmem:s22], [sflag:$0x2], $0x1, s31, s19, $0xb8;
	[tilespmem:$0x1D580] =	vst v63  }
0x1bd: {  	_ =	swait.ge [sflag:s16], $0x80  }
0x1be: {  	[sflag:s16] =	ssyncset.done $0x0  }
0x1bf: {  	s11 =	rddreg [dreg:$0xf];
	[sflag:s16] =	ssyncadd.s32 $0xFFFFFF80  }
0x1c0: {  	[tilespmem:s15], [sflag:$0x1] =	stream.indirect.gather [hbm4b:s2+s19], $0x80, s11, s19, $0xb8;
	[tilespmem:$0x1D580] =	vst v63  }
0x1c1: {  	_ =	swait.ge [sflag:s21], $0x4000  }
0x1c2: {  	[sflag:s21] =	ssyncset.done $0x0  }
0x1c3: {  	[sflag:s21] =	ssyncadd.s32 $0xFFFFC000  }
0x1c4: {  	[spmem:s3] =	stream.indirect.scatter.add.f32 [tilespmem:s20], [sflag:$0x2], $0x80, s1, s19, $0xb8;
	[tilespmem:$0x1D580] =	vst v63  }
0x1c5: {  	_ =	swait.ge [sflag:s16], $0x4000  }
0x1c6: {  	[sflag:s16] =	ssyncset.done $0x0  }
0x1c7: {  	[sflag:s16] =	ssyncadd.s32 $0xFFFFC000  }
0x1c8: {  	[spmem:s4] =	stream.indirect.scatter.add.f32 [tilespmem:s22], [sflag:$0x2], $0x1, s1, s19, $0xb8;
	[tilespmem:$0x1D580] =	vst v63  }
0x1c9: {  	_ =	swait.ge [sflag:s16], $0x80  }
0x1ca: {  	[sflag:s16] =	ssyncset.done $0x0  }
0x1cb: {  	s11 =	rddreg [dreg:$0x10];
	[sflag:s16] =	ssyncadd.s32 $0xFFFFFF80  }
0x1cc: {  	[tilespmem:s20], [sflag:$0x1] =	stream.indirect.gather [hbm4b:s2+s19], $0x80, s11, s19, $0xb8;
	[tilespmem:$0x1D580] =	vst v63  }
0x1cd: {  	_ =	swait.ge [sflag:s21], $0x4000  }
0x1ce: {  	[sflag:s21] =	ssyncset.done $0x0  }
0x1cf: {  	[sflag:s21] =	ssyncadd.s32 $0xFFFFC000  }
0x1d0: {  	[spmem:s3] =	stream.indirect.scatter.add.f32 [tilespmem:s15], [sflag:$0x2], $0x80, s17, s19, $0xb8;
	[tilespmem:$0x1D580] =	vst v63  }
0x1d1: {  	_ =	swait.ge [sflag:s16], $0x4000  }
0x1d2: {  	[sflag:s16] =	ssyncset.done $0x0  }
0x1d3: {  	[sflag:s16] =	ssyncadd.s32 $0xFFFFC000  }
0x1d4: {  	[spmem:s4] =	stream.indirect.scatter.add.f32 [tilespmem:s22], [sflag:$0x2], $0x1, s17, s19, $0xb8;
	[tilespmem:$0x1D580] =	vst v63  }
0x1d5: {  	_ =	swait.ge [sflag:s16], $0x80  }
0x1d6: {  	[sflag:s16] =	ssyncset.done $0x0  }
0x1d7: {  	s11 =	rddreg [dreg:$0x11];
	[sflag:s16] =	ssyncadd.s32 $0xFFFFFF80  }
0x1d8: {  	[tilespmem:s15], [sflag:$0x1] =	stream.indirect.gather [hbm4b:s2+s19], $0x80, s11, s19, $0xb8;
	[tilespmem:$0x1D580] =	vst v63  }
0x1d9: {  	_ =	swait.ge [sflag:s21], $0x4000  }
0x1da: {  	[sflag:s21] =	ssyncset.done $0x0  }
0x1db: {  	[sflag:s21] =	ssyncadd.s32 $0xFFFFC000  }
0x1dc: {  	[spmem:s3] =	stream.indirect.scatter.add.f32 [tilespmem:s20], [sflag:$0x2], $0x80, s0, s19, $0xb8;
	[tilespmem:$0x1D580] =	vst v63  }
0x1dd: {  	_ =	swait.ge [sflag:s16], $0x4000  }
0x1de: {  	[sflag:s16] =	ssyncset.done $0x0  }
0x1df: {  	[sflag:s16] =	ssyncadd.s32 $0xFFFFC000  }
0x1e0: {  	[spmem:s4] =	stream.indirect.scatter.add.f32 [tilespmem:s22], [sflag:$0x2], $0x1, s0, s19, $0xb8;
	[tilespmem:$0x1D580] =	vst v63  }
0x1e1: {  	_ =	swait.ge [sflag:s16], $0x80  }
0x1e2: {  	[sflag:s16] =	ssyncset.done $0x0  }
0x1e3: {  	s11 =	rddreg [dreg:$0x12];
	[sflag:s16] =	ssyncadd.s32 $0xFFFFFF80  }
0x1e4: {  	[tilespmem:s20], [sflag:$0x1] =	stream.indirect.gather [hbm4b:s2+s19], $0x80, s11, s19, $0xb8;
	[tilespmem:$0x1D580] =	vst v63  }
0x1e5: {  	_ =	swait.ge [sflag:s21], $0x4000  }
0x1e6: {  	[sflag:s21] =	ssyncset.done $0x0  }
0x1e7: {  	[sflag:s21] =	ssyncadd.s32 $0xFFFFC000  }
0x1e8: {  	[spmem:s3] =	stream.indirect.scatter.add.f32 [tilespmem:s15], [sflag:$0x2], $0x80, s7, s19, $0xb8;
	[tilespmem:$0x1D580] =	vst v63  }
0x1e9: {  	_ =	swait.ge [sflag:s16], $0x4000  }
0x1ea: {  	[sflag:s16] =	ssyncset.done $0x0  }
0x1eb: {  	[sflag:s16] =	ssyncadd.s32 $0xFFFFC000  }
0x1ec: {  	[spmem:s4] =	stream.indirect.scatter.add.f32 [tilespmem:s22], [sflag:$0x2], $0x1, s7, s19, $0xb8;
	[tilespmem:$0x1D580] =	vst v63  }
0x1ed: {  	_ =	swait.ge [sflag:s16], $0x80  }
0x1ee: {  	[sflag:s16] =	ssyncset.done $0x0  }
0x1ef: {  	s11 =	rddreg [dreg:$0x13];
	[sflag:s16] =	ssyncadd.s32 $0xFFFFFF80  }
0x1f0: {  	[tilespmem:s15], [sflag:$0x1] =	stream.indirect.gather [hbm4b:s2+s19], $0x80, s11, s19, $0xb8;
	[tilespmem:$0x1D580] =	vst v63  }
0x1f1: {  	_ =	swait.ge [sflag:s21], $0x4000  }
0x1f2: {  	[sflag:s21] =	ssyncset.done $0x0  }
0x1f3: {  	[sflag:s21] =	ssyncadd.s32 $0xFFFFC000  }
0x1f4: {  	[spmem:s3] =	stream.indirect.scatter.add.f32 [tilespmem:s20], [sflag:$0x2], $0x80, s8, s19, $0xb8;
	[tilespmem:$0x1D580] =	vst v63  }
0x1f5: {  	_ =	swait.ge [sflag:s16], $0x4000  }
0x1f6: {  	[sflag:s16] =	ssyncset.done $0x0  }
0x1f7: {  	[sflag:s16] =	ssyncadd.s32 $0xFFFFC000  }
0x1f8: {  	[spmem:s4] =	stream.indirect.scatter.add.f32 [tilespmem:s22], [sflag:$0x2], $0x1, s8, s19, $0xb8;
	[tilespmem:$0x1D580] =	vst v63  }
0x1f9: {  	_ =	swait.ge [sflag:s16], $0x80  }
0x1fa: {  	[sflag:s16] =	ssyncset.done $0x0  }
0x1fb: {  	[sflag:s16] =	ssyncadd.s32 $0xFFFFFF80  }
0x1fc: {  	[tilespmem:s20], [sflag:$0x1] =	stream.indirect.gather [hbm4b:s2+s19], $0x80, s9, s19, $0xb8;
	[tilespmem:$0x1D580] =	vst v63  }
0x1fd: {  	_ =	swait.ge [sflag:s21], $0x4000  }
0x1fe: {  	[sflag:s21] =	ssyncset.done $0x0  }
0x1ff: {  	[sflag:s21] =	ssyncadd.s32 $0xFFFFC000  }
0x200: {  	[spmem:s3] =	stream.indirect.scatter.add.f32 [tilespmem:s15], [sflag:$0x2], $0x80, s10, s19, $0xb8;
	[tilespmem:$0x1D580] =	vst v63  }
0x201: {  	_ =	swait.ge [sflag:s16], $0x4000  }
0x202: {  	[sflag:s16] =	ssyncset.done $0x0  }
0x203: {  	[sflag:s16] =	ssyncadd.s32 $0xFFFFC000  }
0x204: {  	[spmem:s4] =	stream.indirect.scatter.add.f32 [tilespmem:s22], [sflag:$0x2], $0x1, s10, s19, $0xb8;
	[tilespmem:$0x1D580] =	vst v63  }
0x205: {  	_ =	swait.ge [sflag:s16], $0x80  }
0x206: {  	[sflag:s16] =	ssyncset.done $0x0  }
0x207: {  	[sflag:s16] =	ssyncadd.s32 $0xFFFFFF80  }
0x208: {  	_ =	swait.ge [sflag:s21], $0x4000  }
0x209: {  	[sflag:s21] =	ssyncset.done $0x0  }
0x20a: {  	p0 =	sne.s32 s14, $0x400;
	[sflag:s21] =	ssyncadd.s32 $0xFFFFC000  }
0x20b: {  	[spmem:s3] =	stream.indirect.scatter.add.f32 [tilespmem:s20], [sflag:$0x2], $0x80, s12, s19, $0xb8;
	[tilespmem:$0x1D580] =	vst v63  }
.Ltmp1:
0x20c: {  	_ =	swait.ge [sflag:s16], $0x4000;
	(pc) =	sbr.rel @p0 .LBB2_4-.Ltmp1, $4  }
0x20d: {  	[sflag:s16] =	ssyncset.done $0x0  }
0x20e: {  	[sflag:s16] =	ssyncadd.s32 $0xFFFFC000  }
0x20f: {  	[spmem:s4] =	stream.indirect.scatter.add.f32 [tilespmem:s22], [sflag:$0x2], $0x1, s12, s19, $0xb8;
	[tilespmem:$0x1D580] =	vst v63  }
0x210: {  	s14 =	sadd.s32 $0x100, s14;
	_ =	swait.ge [sflag:s16], $0x80  }
0x211: {  	[sflag:s16] =	ssyncset.done $0x0;
	s6 =	stileid.u32  }
0x212: {  	[sflag:s16] =	ssyncadd.s32 $0xFFFFFF80;
	s6 =	sshll.u32 s6, $0x6  }
0x213: {  	[bflag:$0x0] =	sbarrier.arrive $0xFFFF;
	s6 =	sor.u32 $0x1C02, s6  }
0x214: {  	[dreg:$0x1e] =	wrdreg s6  }
0x215: {  	s11 =	rddreg [dreg:$0x14]  }
0x216: {  	s14 =	rddreg [dreg:$0x1c];
	s11 =	sshrl.u32 s11, $0x3  }
0x217: {  	[hbm:s14], [sflag:s6] =	dma.local [spmem:s11], $0x2800  }
0x218: {  	_ =	swait.ge [sflag:s16], $0x2800  }
0x219: {  	s14 =	rddreg [dreg:$0x19]  }
0x21a: {  	s6 =	simm.s32 $0x10;
	[sflag:s16] =	ssyncset.done $0x0;
	s9 =	rddreg [dreg:$0x1e]  }
0x21b: {  	[sflag:s16] =	ssyncadd.s32 $0xFFFFD800;
	s11 =	sshrl.u32 s14, $0x3;
	s14 =	rddreg [dreg:$0x1a]  }
0x21c: {  	[hbm:s14@s13], [sflag:s9] =	dma.strided [spmem:s11@s6], $0x50, s21, $0x10   }
0x21d: {  	_ =	swait.ge [sflag:s16], $0x50  }
0x21e: {  	s6 =	rddreg [dreg:$0x1d]  }
0x21f: {  	s14 =	rddreg [dreg:$0x1b];
	s11 =	sadd.s32 $0x1, s6  }
0x220: {  	p0 =	sne.s32 s11, s14  }
.Ltmp2:
0x221: {  	_ = 	snop;
	(pc) =	sbr.rel @p0 .LBB2_1-.Ltmp2, $3  }
0x222: {  	_ =	sdelay $0x1  }
0x223: {  	[sflag:s16] =	ssyncset.done $0x0  }
0x224: {  	s9 =	simm.s32 $0x780;
	[sflag:s16] =	ssyncadd.s32 $0xFFFFFFB0  }
0x225: {  	_ =	sfence.sel $0x180000  }
0x226: {  	[bflag:$0x0] =	sbarrier.arrive $0xFFFF  }
0x227: {  	_ =	strace $0x90000047  }
0x228: {  	s0 =	stileid.u32;
	[bflag:$0x2] =	sbarrier.arrive $0xFFFF  }
0x229: {  	p0 =	sne.s32 s0, $0x0;
	s0 =	rddreg [dreg:$0x4]  }
0x22a: {  	s0 =	sadd.s32 @!p0 $0x100000, s0  }
0x22b: {  	[sflag:s0] =	ssyncadd.tile.s32 @!p0 $0x1;
	_ =	shalt  }
.Lfunc_end2:
_tile_overlayer_lowered:
.L_overlay_start_2:
0x22c: {  	(tag) =	ssettag $0x2  }
0x22d: {  	s0 =	rddreg [dreg:$0x0];
	s2 =	stileid.u32  }
0x22e: {  	s1 =	rddreg [dreg:$0x1];
	p0 =	sne.s32 s2, $0x0  }
0x22f: {  	s3 =	rddreg [dreg:$0x2];
	[bflag:$0x3] =	sbarrier.arrive $0xFFFF;
	s2 =	simm.s32 @!p0 $0x1C02  }
0x230: {  	[timem:s3], [sflag:s2] =	dma.local @!p0 [hbm:s0], s1  }
0x231: {  	s0 =	simm.s32 @!p0 $0x2  }
0x232: {  	_ =	swait.ge @!p0 [sflag:s0], s1  }
0x233: {  	s1 =	ssub.s32 @!p0 $0x0, s1;
	[sflag:s0] =	ssyncset.done @!p0 $0x0  }
0x234: {  	[sflag:s0] =	ssyncadd.s32 @!p0 s1  }
0x235: {  	[bflag:$0x3] =	sbarrier.arrive $0xFFFF  }
0x236: {  	_ =	shalt  }

// kernel: kernel.8.cloned.1.call-start
scs
__scs_entry_jumppad:
0x0: {  	(pc) =	sbr.rel $0x88, $3  }
0x1: {  	(tag) =	ssettag $0x0;
	lr =	simm.s32 $0x1  }
0x2: {  	[smem:$0x3F99] =	sst lr;
	_ =	strace $0xD0000000  }
0x3: {  	_ = 	snop  }
0x4: {  	_ = 	snop  }
0x5: {  	_ = 	snop  }
0x6: {  	_ = 	snop  }
0x7: {  	_ = 	snop  }
__scs_overlays_trampoline_lowered:
0x8: {  	[smem:$0x3FA8] =	sst s0  }
0x9: {  	[smem:$0x3FA9] =	sst s1  }
0xa: {  	[smem:$0x3FAA] =	sst s2  }
0xb: {  	[smem:$0x3FAB] =	sst s3  }
0xc: {  	[smem:$0x3FAC] =	sst s4  }
0xd: {  	[smem:$0x3FAD] =	sst s5  }
0xe: {  	[smem:$0x3FAE] =	sst s6  }
0xf: {  	[smem:$0x3FAF] =	sst s7  }
0x10: {  	[smem:$0x3FB0] =	sst s8  }
0x11: {  	[smem:$0x3FB1] =	sst s9;
	s0 =	simm.s32 @!p0 $0x0  }
0x12: {  	s1 =	sld [smem:$0x3F97];
	s0 =	simm.s32 @p0 $0x1  }
0x13: {  	[smem:$0x3FB2] =	sst s0;
	s0 =	simm.s32 @!p1 $0x0  }
0x14: {  	s2 =	sld [smem:$0x3F96];
	s0 =	simm.s32 @p1 $0x1  }
0x15: {  	[smem:$0x3FB3] =	sst s0;
	s0 =	simm.s32 @!p2 $0x0  }
0x16: {  	s3 =	sld [smem:$0x3FDB];
	s0 =	simm.s32 @p2 $0x1  }
0x17: {  	s4 =	simm.s32 $0x1BF5;
	[smem:$0x3FB5] =	sst s0  }
0x18: {  	s0 =	sld [smem:$0x3F98];
	_ =	swait.ge [sflag:s4], $0x0  }
0x19: {  	s7 =	sld [smem:$0x3F99]  }
0x1a: {  	s8 =	sadd.s32 $0xFFFFE003, lr  }
0x1b: {  	s9 =	sadd.s32 $0xFFFFFEF7, lr;
	s5 =	simm.s32 $0xFFFFFFFF;
	p2 =	slt.u32 s8, $0xFFFFF086  }
0x1c: {  	p1 =	slt.u32 s9, $0xF7A;
	s5 =	simm.s32 @!p2 $0x0  }
0x1d: {  	s5 =	simm.s32 @p1 $0x1;
	p0 =	seq.s32 s7, s2  }
0x1e: {  	s7 =	smul.u32 @!p0 $0xF7A, s2;
	p2 =	seq.s32 @!p0 s5, $0x0  }
0x1f: {  	s9 =	smul.u32 $0xF7A, s1;
	s8 =	simm.s32 @!p0 $0x1BF5;
	p2 =	por !p2, p0  }
0x20: {  	[sflag:s8] =	ssyncset.s32 @!p0 $0xFFFFF086;
	s6 =	sadd.s32 @!p0 s3, s7;
	s7 =	simm.s32 @!p0 $0x108  }
0x21: {  	s3 =	sadd.s32 s3, s9;
	s6 =	sadd.s32 @!p0 $0x88, s6;
	s7 =	simm.s32 @p2 $0x1082  }
0x22: {  	[simem:s7], [sflag:s8] =	dma.local @!p0 [hbm:s6], $0xF7A  }
0x23: {  	s9 =	sor.u32 $0xD0000000, s2;
	s6 =	simm.s32 $0x108;
	_ =	swait.ge @!p0 [sflag:s8], $0x0  }
0x24: {  	s3 =	sadd.s32 $0x88, s3;
	s6 =	simm.s32 @!p1 $0x1082;
	[sflag:s4] =	ssyncset.s32 $0xFFFFF086  }
0x25: {  	[simem:s6], [sflag:s4] =	dma.local [hbm:s3], $0xF7A  }
0x26: {  	[smem:$0x3F99] =	sst s1;
	(tag) =	ssettag s2;
	_ =	strace s9  }
0x27: {  	s1 =	sld [smem:$0x3FA9]  }
0x28: {  	s2 =	sld [smem:$0x3FAA]  }
0x29: {  	s4 =	sld [smem:$0x3FAC]  }
0x2a: {  	p0 =	seq.s32 s5, $0x0;
	s5 =	sld [smem:$0x3FAD]  }
0x2b: {  	s6 =	sld [smem:$0x3FAE]  }
0x2c: {  	s7 =	sld [smem:$0x3FAF]  }
0x2d: {  	s3 =	simm.s32 $0x108;
	s8 =	sld [smem:$0x3FB0]  }
0x2e: {  	s3 =	simm.s32 @!p0 $0x1082;
	s9 =	sld [smem:$0x3FB1]  }
0x2f: {  	lr =	sadd.s32 s0, s3;
	s0 =	sld [smem:$0x3FA8]  }
0x30: {  	s3 =	sld [smem:$0x3FAB]  }
0x31: {  	[smem:$0x3FB4] =	sst s10  }
0x32: {  	s10 =	sld [smem:$0x3FB2];
	_ =	sdelay $0x3  }
0x33: {  	p0 =	seq.s32 s10, $0x1;
	s10 =	sld [smem:$0x3FB4];
	_ =	sdelay $0x3  }
0x34: {  	[smem:$0x3FB4] =	sst s10  }
0x35: {  	s10 =	sld [smem:$0x3FB3];
	_ =	sdelay $0x3  }
0x36: {  	p1 =	seq.s32 s10, $0x1;
	s10 =	sld [smem:$0x3FB4];
	_ =	sdelay $0x3  }
0x37: {  	[smem:$0x3FB4] =	sst s10  }
0x38: {  	s10 =	sld [smem:$0x3FB5]  }
0x39: {  	_ = 	snop;
	(pc) =	sbr.ind lr, $3  }
0x3a: {  	_ = 	snop  }
0x3b: {  	_ = 	snop  }
0x3c: {  	p2 =	seq.s32 s10, $0x1;
	s10 =	sld [smem:$0x3FB4]  }
0x3d: {  	_ =	shalt  }
0x3e: {  	_ =	shalt  }
0x3f: {  	_ =	shalt  }
0x40: {  	_ =	shalt  }
0x41: {  	_ =	shalt  }
0x42: {  	_ =	shalt  }
0x43: {  	_ =	shalt  }
0x44: {  	_ =	shalt  }
0x45: {  	_ =	shalt  }
0x46: {  	_ =	shalt  }
0x47: {  	_ =	shalt  }
0x48: {  	_ =	shalt  }
0x49: {  	_ =	shalt  }
0x4a: {  	_ =	shalt  }
0x4b: {  	_ =	shalt  }
0x4c: {  	_ =	shalt  }
0x4d: {  	_ =	shalt  }
0x4e: {  	_ =	shalt  }
0x4f: {  	_ =	shalt  }
0x50: {  	_ =	shalt  }
0x51: {  	_ =	shalt  }
0x52: {  	_ =	shalt  }
0x53: {  	_ =	shalt  }
0x54: {  	_ =	shalt  }
0x55: {  	_ =	shalt  }
0x56: {  	_ =	shalt  }
0x57: {  	_ =	shalt  }
0x58: {  	_ =	shalt  }
0x59: {  	_ =	shalt  }
0x5a: {  	_ =	shalt  }
0x5b: {  	_ =	shalt  }
0x5c: {  	_ =	shalt  }
0x5d: {  	_ =	shalt  }
0x5e: {  	_ =	shalt  }
0x5f: {  	_ =	shalt  }
0x60: {  	_ =	shalt  }
0x61: {  	_ =	shalt  }
0x62: {  	_ =	shalt  }
0x63: {  	_ =	shalt  }
0x64: {  	_ =	shalt  }
0x65: {  	_ =	shalt  }
0x66: {  	_ =	shalt  }
0x67: {  	_ =	shalt  }
0x68: {  	_ =	shalt  }
0x69: {  	_ =	shalt  }
0x6a: {  	_ =	shalt  }
0x6b: {  	_ =	shalt  }
0x6c: {  	_ =	shalt  }
0x6d: {  	_ =	shalt  }
0x6e: {  	_ =	shalt  }
0x6f: {  	_ =	shalt  }
0x70: {  	_ =	shalt  }
0x71: {  	_ =	shalt  }
0x72: {  	_ =	shalt  }
0x73: {  	_ =	shalt  }
0x74: {  	_ =	shalt  }
0x75: {  	_ =	shalt  }
0x76: {  	_ =	shalt  }
0x77: {  	_ =	shalt  }
0x78: {  	_ =	shalt  }
0x79: {  	_ =	shalt  }
0x7a: {  	_ =	shalt  }
0x7b: {  	_ =	shalt  }
0x7c: {  	_ =	shalt  }
0x7d: {  	_ =	shalt  }
0x7e: {  	_ =	shalt  }
0x7f: {  	_ =	shalt  }
0x80: {  	_ =	shalt  }
0x81: {  	_ =	shalt  }
0x82: {  	_ =	shalt  }
0x83: {  	_ =	shalt  }
0x84: {  	_ =	shalt  }
0x85: {  	_ =	shalt  }
0x86: {  	_ =	shalt  }
0x87: {  	_ =	shalt  }
.Lfunc_end0:
.L_simem_size_0:
called_computation.1_lowered:
.L_overlay_start_0:
0x88: {  	s2 =	sld [smem:$0x3FD9]  }
0x89: {  	s3 =	sld [smem:$0x3FFE];
	_ =	sdelay $0x1  }
0x8a: {  	s1 =	srdreg.scid  }
0x8b: {  	s0 =	sand.u32 $0x1, s1  }
0x8c: {  	s17 =	sshll.u32 s0, $0xA;
	s2 =	sadd.s32 s3, s2  }
0x8d: {  	s2 =	sadd.s32 s2, s17  }
0x8e: {  	[smem:$0x3FC0] =	sst s2  }
0x8f: {  	_ = 	snop  }
0x90: {  	s2 =	sld [smem:$0x3FD0];
	(tm) =	ssettm $0x1  }
0x91: {  	s18 =	sld [smem:$0x3FFB];
	_ =	sdelay $0x3  }
0x92: {  	_ =	strace s18  }
0x93: {  	s3 =	sld [smem:$0x3FFC];
	_ =	sdelay $0x3  }
0x94: {  	_ =	strace s3  }
0x95: {  	s3 =	sld [smem:$0x3FFD];
	_ =	sdelay $0x3  }
0x96: {  	_ =	strace s3  }
0x97: {  	_ =	strace $0x8FFFFFFF  }
0x98: {  	s19 =	sld [smem:$0x3FDB];
	_ =	sdelay $0x1  }
0x99: {  	s4 =	simm.s32 $_scs_section_size  }
0x9a: {  	s5 =	simm.s32 $_size__tile_overlayer_lowered;
	s6 =	simm.s32 $_tile_overlayer_lowered  }
0x9b: {  	s22 =	simm.s32 $0x1BFF;
	s21 =	sshll.u32 s6, $0x1;
	s3 =	sadd.s32 s4, s19  }
0x9c: {  	s7 =	simm.s32 $0x0;
	s20 =	sshll.u32 s5, $0x1;
	s5 =	sadd.s32 s21, s3  }
0x9d: {  	[timem:s7], [sflag:s22] =	dma.local [hbm:s5], s20  }
0x9e: {  	_ =	swait.ge [sflag:s22], s20  }
0x9f: {  	s4 =	ssub.s32 $0x0, s20;
	[sflag:s22] =	ssyncset.done $0x0  }
0xa0: {  	[sflag:s22] =	ssyncadd.s32 s4;
	_ =	sdelay $0x1  }
0xa1: {  	s23 =	simm.s32 $0x1B8B  }
0xa2: {  	_ =	swait.ge [sflag:s23], $0x1  }
0xa3: {  	[sflag:s23] =	ssyncset.done $0x0  }
0xa4: {  	s25 =	simm.s32 $0x1B8E;
	s24 =	sld [smem:$0x3FFE];
	[sflag:s23] =	ssyncadd.s32 $0xFFFFFFFF  }
0xa5: {  	s26 =	simm.s32 $execute0_lowered;
	[smem:$0x3FD2] =	sst s25  }
0xa6: {  	s5 =	sshll.u32 s26, $0x1;
	_ =	strace $0x80000049;
	[dreg:$0x1] =	wrdreg $0xFFFFFFFF  }
0xa7: {  	s28 =	simm.s32 $_size_execute0_lowered;
	s3 =	sadd.s32 s3, s5;
	[dreg:$0x0] =	wrdreg $0x0  }
0xa8: {  	s5 =	sshll.u32 s28, $0x1;
	[dreg:$0x2] =	wrdreg s3  }
0xa9: {  	[dreg:$0x3] =	wrdreg s5  }
0xaa: {  	[dreg:$0x4] =	wrdreg $0xC0  }
0xab: {  	_ =	task [dreg:s7], $0x5FFFF  }
0xac: {  	[dreg:$0x1] =	wrdreg $0xFFFFFFFF  }
0xad: {  	[dreg:$0x0] =	wrdreg $0x60  }
0xae: {  	[dreg:$0x2] =	wrdreg s24  }
0xaf: {  	[dreg:$0x3] =	wrdreg s2  }
0xb0: {  	[dreg:$0x4] =	wrdreg $0xB2000  }
0xb1: {  	[dreg:$0x5] =	wrdreg $0x9  }
0xb2: {  	_ =	task.clear_ibuf [dreg:s7], $0x6FFFF;
	_ =	strace $0x90000049  }
0xb3: {  	s29 =	simm.s32 $0x9;
	_ =	strace $0x8000004B  }
0xb4: {  	_ =	swait.ge [sflag:s29], $0x1  }
0xb5: {  	[sflag:s29] =	ssyncadd.s32 $0xFFFFFFFF  }
0xb6: {  	_ =	strace $0x9000004B  }
0xb7: {  	_ =	sfence  }
0xb8: {  	s30 =	sld [smem:$0x0];
	_ =	sdelay $0x2  }
0xb9: {  	s31 =	sshll.u32 s1, $0xD;
	s1 =	sshrl.u32 s1, $0x2  }
0xba: {  	s3 =	sand.u32 $0x4000, s31;
	s1 =	sadd.s32 s1, s30  }
0xbb: {  	s0 =	sor.u32 s3, s0;
	s1 =	sshll.u32 s1, $0x11  }
0xbc: {  	s0 =	sor.u32 s1, s0  }
0xbd: {  	s0 =	sadd.s32 $0x8F2B, s0  }
0xbe: {  	[sflag:s0] =	ssyncadd.remote.s32 $0x1  }
0xbf: {  	_ =	sfence.sel $0xFFFF  }
0xc0: {  	[dreg:$0x0] =	wrdreg $0xFFFFFFFF;
	(pc) =	sbr.abs _section_cstart, $3  }
0xc1: {  	[dreg:$0x1] =	wrdreg $0xFFFFFFFF  }
0xc2: {  	_ =	task.clear_ibuf [dreg:s7], $0x2FFFF;
	_ =	strace $0x9FFFFFFF  }
0xc3: {  	(tm) =	ssettm $0x7FFFFFFF  }
tec
execute0_lowered:
.L_overlay_start_1:
0x0: {  	(tag) =	ssettag $0x1  }
0x1: {  	s1 =	srdreg.scid  }
0x2: {  	s1 =	sand.u32 $0x1, s1  }
0x3: {  	p0 =	seq.s32 s1, $0x1  }
.Ltmp0:
0x4: {  	s13 =	rddreg [dreg:$0x0];
	(pc) =	sbr.rel @p0 .LBB2_7-.Ltmp0, $4  }
0x5: {  	s6 =	rddreg [dreg:$0x1]  }
0x6: {  	s2 =	rddreg [dreg:$0x2];
	s3 =	simm.s32 $0x0  }
0x7: {  	[smem:$0x7FF] =	sst s3  }
0x8: {  	s0 =	rddreg [dreg:$0x3];
	_ =	strace $0x8000004A;
	s1 =	stileid.u32  }
0x9: {  	v0 =	vimm.f32 $0.0e+00  }
0xa: {  	[tilespmem:$0xA800] =	vst v0  }
0xb: {  	[tilespmem:$0xA810] =	vst v0  }
0xc: {  	[tilespmem:$0xA820] =	vst v0  }
0xd: {  	[tilespmem:$0xA830] =	vst v0  }
0xe: {  	[tilespmem:$0xA840] =	vst v0  }
0xf: {  	[tilespmem:$0xA850] =	vst v0  }
0x10: {  	[tilespmem:$0xA860] =	vst v0  }
0x11: {  	[tilespmem:$0xA870] =	vst v0  }
0x12: {  	[tilespmem:$0xA880] =	vst v0  }
0x13: {  	[tilespmem:$0xA890] =	vst v0  }
0x14: {  	[tilespmem:$0xA8A0] =	vst v0  }
0x15: {  	[tilespmem:$0xA8B0] =	vst v0  }
0x16: {  	[tilespmem:$0xA8C0] =	vst v0  }
0x17: {  	[tilespmem:$0xA8D0] =	vst v0  }
0x18: {  	[tilespmem:$0xA8E0] =	vst v0  }
0x19: {  	[tilespmem:$0xA8F0] =	vst v0  }
0x1a: {  	[tilespmem:$0xA900] =	vst v0  }
0x1b: {  	[tilespmem:$0xA910] =	vst v0  }
0x1c: {  	[tilespmem:$0xA920] =	vst v0  }
0x1d: {  	[tilespmem:$0xA930] =	vst v0  }
0x1e: {  	[tilespmem:$0xA940] =	vst v0  }
0x1f: {  	[tilespmem:$0xA950] =	vst v0  }
0x20: {  	[tilespmem:$0xA960] =	vst v0  }
0x21: {  	[tilespmem:$0xA970] =	vst v0  }
0x22: {  	[tilespmem:$0xA980] =	vst v0  }
0x23: {  	[tilespmem:$0xA990] =	vst v0  }
0x24: {  	[tilespmem:$0xA9A0] =	vst v0  }
0x25: {  	[tilespmem:$0xA9B0] =	vst v0  }
0x26: {  	[tilespmem:$0xA9C0] =	vst v0  }
0x27: {  	[tilespmem:$0xA9D0] =	vst v0  }
0x28: {  	[tilespmem:$0xA9E0] =	vst v0  }
0x29: {  	[tilespmem:$0xA9F0] =	vst v0  }
0x2a: {  	[tilespmem:$0xAA00] =	vst v0  }
0x2b: {  	[tilespmem:$0xAA10] =	vst v0  }
0x2c: {  	[tilespmem:$0xAA20] =	vst v0  }
0x2d: {  	[tilespmem:$0xAA30] =	vst v0  }
0x2e: {  	[tilespmem:$0xAA40] =	vst v0  }
0x2f: {  	s4 =	smul.u32 $0xA00, s1;
	[tilespmem:$0xAA50] =	vst v0  }
0x30: {  	s5 =	sadd.s32 $0x1200, s13;
	[tilespmem:$0xAA60] =	vst v0  }
0x31: {  	[tilespmem:$0xAA70] =	vst v0;
	s5 =	sadd.s32 s5, s4  }
0x32: {  	[tilespmem:s3], [sflag:$0x2] =	stream.linear.gather [hbm4b:s5+s3], $0x5000, $0x38;
	[tilespmem:$0xB480] =	vst v63  }
0x33: {  	s5 =	simm.s32 $0x2  }
0x34: {  	_ =	swait.ge [sflag:s5], $0x5000  }
0x35: {  	s7 =	sadd.s32 $0xB200, s13;
	[sflag:s5] =	ssyncset.done $0x0  }
0x36: {  	s15 =	simm.s32 $0x5000;
	s4 =	sadd.s32 s7, s4;
	[sflag:s5] =	ssyncadd.s32 $0xFFFFB000  }
0x37: {  	[tilespmem:s15], [sflag:$0x2] =	stream.linear.gather [hbm4b:s4+s3], $0x5000, $0x38;
	[tilespmem:$0xB480] =	vst v63  }
0x38: {  	s15 =	smul.u32 $0x280, s1;
	_ =	swait.ge [sflag:s5], $0x5000  }
0x39: {  	[sflag:s5] =	ssyncset.done $0x0  }
0x3a: {  	s16 =	simm.s32 $0xA800;
	s4 =	sadd.s32 s15, s2;
	[sflag:s5] =	ssyncadd.s32 $0xFFFFB000  }
0x3b: {  	[spmem:s4] =	stream.linear.scatter [tilespmem:s16], [sflag:$0x2], $0x280, $0x38;
	[tilespmem:$0xB480] =	vst v63  }
0x3c: {  	_ =	swait.ge [sflag:s5], $0x280  }
0x3d: {  	[sflag:s5] =	ssyncset.done $0x0  }
0x3e: {  	s8 =	simm.s32 $0x80;
	[sflag:s5] =	ssyncadd.s32 $0xFFFFFD80  }
0x3f: {  	s9 =	simm.s32 $0xA000;
	s7 =	sadd.s32 $0x15200, s13;
	[bflag:$0x0] =	sbarrier.arrive $0xFFFF  }
0x40: {  	[tilespmem:s9], [sflag:$0x1] =	stream.indirect.gather [hbm4b:s7+s8], $0x1, s3, s8, $0xb8;
	[tilespmem:$0xB480] =	vst v63  }
0x41: {  	s10 =	simm.s32 $0xA080  }
0x42: {  	[tilespmem:s10], [sflag:$0x1] =	stream.indirect.gather [hbm4b:s7+s8], $0x1, s8, s8, $0xb8;
	[tilespmem:$0xB480] =	vst v63  }
0x43: {  	s11 =	simm.s32 $0x100;
	s10 =	simm.s32 $0xA100  }
0x44: {  	[tilespmem:s10], [sflag:$0x1] =	stream.indirect.gather [hbm4b:s7+s8], $0x1, s11, s8, $0xb8;
	[tilespmem:$0xB480] =	vst v63  }
0x45: {  	s17 =	simm.s32 $0x180;
	s12 =	simm.s32 $0xA180  }
0x46: {  	[tilespmem:s12], [sflag:$0x1] =	stream.indirect.gather [hbm4b:s7+s8], $0x1, s17, s8, $0xb8;
	[tilespmem:$0xB480] =	vst v63  }
0x47: {  	s18 =	simm.s32 $0x200;
	s11 =	simm.s32 $0xA200  }
0x48: {  	[tilespmem:s11], [sflag:$0x1] =	stream.indirect.gather [hbm4b:s7+s8], $0x1, s18, s8, $0xb8;
	[tilespmem:$0xB480] =	vst v63  }
0x49: {  	s19 =	simm.s32 $0x280;
	s14 =	simm.s32 $0xA280  }
0x4a: {  	[tilespmem:s14], [sflag:$0x1] =	stream.indirect.gather [hbm4b:s7+s8], $0x1, s19, s8, $0xb8;
	[tilespmem:$0xB480] =	vst v63  }
0x4b: {  	s20 =	simm.s32 $0x300;
	s12 =	simm.s32 $0xA300  }
0x4c: {  	[tilespmem:s12], [sflag:$0x1] =	stream.indirect.gather [hbm4b:s7+s8], $0x1, s20, s8, $0xb8;
	[tilespmem:$0xB480] =	vst v63  }
0x4d: {  	s21 =	simm.s32 $0x380;
	s16 =	simm.s32 $0xA380  }
0x4e: {  	[tilespmem:s16], [sflag:$0x1] =	stream.indirect.gather [hbm4b:s7+s8], $0x1, s21, s8, $0xb8;
	[tilespmem:$0xB480] =	vst v63  }
0x4f: {  	s22 =	simm.s32 $0x400;
	s14 =	simm.s32 $0xA400  }
0x50: {  	[tilespmem:s14], [sflag:$0x1] =	stream.indirect.gather [hbm4b:s7+s8], $0x1, s22, s8, $0xb8;
	[tilespmem:$0xB480] =	vst v63  }
0x51: {  	s23 =	simm.s32 $0x480;
	s17 =	simm.s32 $0xA480  }
0x52: {  	[tilespmem:s17], [sflag:$0x1] =	stream.indirect.gather [hbm4b:s7+s8], $0x1, s23, s8, $0xb8;
	[tilespmem:$0xB480] =	vst v63  }
0x53: {  	s24 =	simm.s32 $0x500;
	s25 =	simm.s32 $0x580;
	s16 =	simm.s32 $0xA500  }
0x54: {  	[tilespmem:s16], [sflag:$0x1] =	stream.indirect.gather [hbm4b:s7+s8], $0x1, s24, s8, $0xb8;
	[tilespmem:$0xB480] =	vst v63  }
0x55: {  	s26 =	simm.s32 $0x600;
	s28 =	simm.s32 $0x680;
	s18 =	simm.s32 $0xA580  }
0x56: {  	[tilespmem:s18], [sflag:$0x1] =	stream.indirect.gather [hbm4b:s7+s8], $0x1, s25, s8, $0xb8;
	[tilespmem:$0xB480] =	vst v63  }
0x57: {  	s29 =	simm.s32 $0x700;
	s20 =	sshrl.u32 s15, $0x3;
	s17 =	simm.s32 $0xA600  }
0x58: {  	[tilespmem:s17], [sflag:$0x1] =	stream.indirect.gather [hbm4b:s7+s8], $0x1, s26, s8, $0xb8;
	[tilespmem:$0xB480] =	vst v63  }
0x59: {  	s31 =	simm.s32 $0x780;
	s19 =	simm.s32 $0xA680;
	s30 =	sadd.s32 s20, s13  }
0x5a: {  	[tilespmem:s19], [sflag:$0x1] =	stream.indirect.gather [hbm4b:s7+s8], $0x1, s28, s8, $0xb8;
	[tilespmem:$0xB480] =	vst v63  }
0x5b: {  	s6 =	sadd.s32 s6, s20;
	s20 =	simm.s32 $0x1;
	s18 =	simm.s32 $0xA700  }
0x5c: {  	[tilespmem:s18], [sflag:$0x1] =	stream.indirect.gather [hbm4b:s7+s8], $0x1, s29, s8, $0xb8;
	[tilespmem:$0xB480] =	vst v63  }
0x5d: {  	s15 =	sadd.s32 $0x15800, s30;
	s13 =	sadd.s32 $0x15E00, s30;
	s19 =	simm.s32 $0xA780  }
0x5e: {  	[tilespmem:s19], [sflag:$0x1] =	stream.indirect.gather [hbm4b:s7+s8], $0x1, s31, s8, $0xb8;
	[tilespmem:$0xB480] =	vst v63  }
.LBB2_2:
0x5f: {  	_ =	swait.ge [sflag:s20], $0x80  }
0x60: {  	s21 =	sshra.s32 s3, $0x2;
	[sflag:s20] =	ssyncset.done $0x0  }
0x61: {  	s22 =	sadd.s32 $0x5000, s21;
	[sflag:s20] =	ssyncadd.s32 $0xFFFFFF80  }
0x62: {  	[spmem:s2] =	stream.indirect.scatter.add.f32 [tilespmem:s9], [sflag:$0x2], $0x1, s22, s8, $0xb8;
	[tilespmem:$0xB480] =	vst v63  }
0x63: {  	_ =	swait.ge [sflag:s5], $0x80  }
0x64: {  	p0 =	seq.s32 s3, $0x12000;
	[sflag:s5] =	ssyncset.done $0x0  }
0x65: {  	s24 =	simm.s32 @p0 $0x1;
	[sflag:s5] =	ssyncadd.s32 $0xFFFFFF80  }
0x66: {  	s25 =	sshra.s32 @p0 s3, $0x2;
	_ =	swait.ge @p0 [sflag:s24], $0x80  }
0x67: {  	s26 =	simm.s32 @p0 $0x80;
	s23 =	simm.s32 @p0 $0xA080;
	[sflag:s24] =	ssyncset.done @p0 $0x0  }
0x68: {  	s28 =	simm.s32 @p0 $0x2;
	s22 =	sadd.s32 @p0 $0x5080, s25;
	[sflag:s24] =	ssyncadd.s32 @p0 $0xFFFFFF80  }
0x69: {  	[spmem:s2] =	stream.indirect.scatter.add.f32 @p0 [tilespmem:s23], [sflag:$0x2], $0x1, s22, s26, $0xb8;
	[tilespmem:$0xB480] =	vst v63  }
0x6a: {  	_ =	swait.ge @p0 [sflag:s28], $0x80  }
0x6b: {  	s30 =	simm.s32 @!p0 $0xA000;
	s22 =	sshra.s32 @!p0 s3, $0x2;
	[sflag:s28] =	ssyncset.done @p0 $0x0  }
0x6c: {  	s23 =	simm.s32 @!p0 $0x80;
	s29 =	sadd.s32 @!p0 $0x800, s22;
	[sflag:s28] =	ssyncadd.s32 @p0 $0xFFFFFF80  }
0x6d: {  	[tilespmem:s30], [sflag:$0x1] =	stream.indirect.gather @!p0 [hbm4b:s7+s23], $0x1, s29, s23, $0xb8;
	[tilespmem:$0xB480] =	vst v63  }
0x6e: {  	s29 =	simm.s32 @!p0 $0x1  }
0x6f: {  	_ =	swait.ge @!p0 [sflag:s29], $0x80  }
0x70: {  	[sflag:s29] =	ssyncset.done @!p0 $0x0  }
0x71: {  	s31 =	simm.s32 @!p0 $0xA080;
	s30 =	sadd.s32 @!p0 $0x5080, s22;
	[sflag:s29] =	ssyncadd.s32 @!p0 $0xFFFFFF80  }
0x72: {  	[spmem:s2] =	stream.indirect.scatter.add.f32 @!p0 [tilespmem:s31], [sflag:$0x2], $0x1, s30, s23, $0xb8;
	[tilespmem:$0xB480] =	vst v63  }
0x73: {  	s30 =	simm.s32 @!p0 $0x2  }
0x74: {  	_ =	swait.ge @!p0 [sflag:s30], $0x80  }
0x75: {  	[sflag:s30] =	ssyncset.done @!p0 $0x0  }
0x76: {  	s0 =	sadd.s32 @!p0 $0x880, s22;
	[sflag:s30] =	ssyncadd.s32 @!p0 $0xFFFFFF80  }
0x77: {  	[tilespmem:s31], [sflag:$0x1] =	stream.indirect.gather @!p0 [hbm4b:s7+s23], $0x1, s0, s23, $0xb8;
	[tilespmem:$0xB480] =	vst v63  }
0x78: {  	_ =	swait.ge [sflag:s20], $0x80  }
0x79: {  	[sflag:s20] =	ssyncset.done $0x0  }
0x7a: {  	s31 =	sadd.s32 $0x5100, s21;
	[sflag:s20] =	ssyncadd.s32 $0xFFFFFF80  }
0x7b: {  	[spmem:s2] =	stream.indirect.scatter.add.f32 [tilespmem:s10], [sflag:$0x2], $0x1, s31, s8, $0xb8;
	[tilespmem:$0xB480] =	vst v63  }
0x7c: {  	_ =	swait.ge [sflag:s5], $0x80  }
0x7d: {  	[sflag:s5] =	ssyncset.done $0x0  }
0x7e: {  	[sflag:s5] =	ssyncadd.s32 $0xFFFFFF80  }
0x7f: {  	_ =	swait.ge @p0 [sflag:s24], $0x80  }
0x80: {  	[sflag:s24] =	ssyncset.done @p0 $0x0  }
0x81: {  	s0 =	sadd.s32 @p0 $0x5180, s25;
	s31 =	simm.s32 @p0 $0xA180;
	[sflag:s24] =	ssyncadd.s32 @p0 $0xFFFFFF80  }
0x82: {  	[spmem:s2] =	stream.indirect.scatter.add.f32 @p0 [tilespmem:s31], [sflag:$0x2], $0x1, s0, s26, $0xb8;
	[tilespmem:$0xB480] =	vst v63  }
0x83: {  	_ =	swait.ge @p0 [sflag:s28], $0x80  }
0x84: {  	[sflag:s28] =	ssyncset.done @p0 $0x0  }
0x85: {  	s0 =	sadd.s32 @!p0 $0x900, s22;
	s31 =	simm.s32 @!p0 $0xA100;
	[sflag:s28] =	ssyncadd.s32 @p0 $0xFFFFFF80  }
0x86: {  	[tilespmem:s31], [sflag:$0x1] =	stream.indirect.gather @!p0 [hbm4b:s7+s23], $0x1, s0, s23, $0xb8;
	[tilespmem:$0xB480] =	vst v63  }
0x87: {  	_ =	swait.ge @!p0 [sflag:s29], $0x80  }
0x88: {  	[sflag:s29] =	ssyncset.done @!p0 $0x0  }
0x89: {  	s0 =	sadd.s32 @!p0 $0x5180, s22;
	s31 =	simm.s32 @!p0 $0xA180;
	[sflag:s29] =	ssyncadd.s32 @!p0 $0xFFFFFF80  }
0x8a: {  	[spmem:s2] =	stream.indirect.scatter.add.f32 @!p0 [tilespmem:s31], [sflag:$0x2], $0x1, s0, s23, $0xb8;
	[tilespmem:$0xB480] =	vst v63  }
0x8b: {  	_ =	swait.ge @!p0 [sflag:s30], $0x80  }
0x8c: {  	[sflag:s30] =	ssyncset.done @!p0 $0x0  }
0x8d: {  	s0 =	sadd.s32 @!p0 $0x980, s22;
	[sflag:s30] =	ssyncadd.s32 @!p0 $0xFFFFFF80  }
0x8e: {  	[tilespmem:s31], [sflag:$0x1] =	stream.indirect.gather @!p0 [hbm4b:s7+s23], $0x1, s0, s23, $0xb8;
	[tilespmem:$0xB480] =	vst v63  }
0x8f: {  	_ =	swait.ge [sflag:s20], $0x80  }
0x90: {  	[sflag:s20] =	ssyncset.done $0x0  }
0x91: {  	s31 =	sadd.s32 $0x5200, s21;
	[sflag:s20] =	ssyncadd.s32 $0xFFFFFF80  }
0x92: {  	[spmem:s2] =	stream.indirect.scatter.add.f32 [tilespmem:s11], [sflag:$0x2], $0x1, s31, s8, $0xb8;
	[tilespmem:$0xB480] =	vst v63  }
0x93: {  	_ =	swait.ge [sflag:s5], $0x80  }
0x94: {  	[sflag:s5] =	ssyncset.done $0x0  }
0x95: {  	[sflag:s5] =	ssyncadd.s32 $0xFFFFFF80  }
0x96: {  	_ =	swait.ge @p0 [sflag:s24], $0x80  }
0x97: {  	[sflag:s24] =	ssyncset.done @p0 $0x0  }
0x98: {  	s0 =	sadd.s32 @p0 $0x5280, s25;
	s31 =	simm.s32 @p0 $0xA280;
	[sflag:s24] =	ssyncadd.s32 @p0 $0xFFFFFF80  }
0x99: {  	[spmem:s2] =	stream.indirect.scatter.add.f32 @p0 [tilespmem:s31], [sflag:$0x2], $0x1, s0, s26, $0xb8;
	[tilespmem:$0xB480] =	vst v63  }
0x9a: {  	_ =	swait.ge @p0 [sflag:s28], $0x80  }
0x9b: {  	[sflag:s28] =	ssyncset.done @p0 $0x0  }
0x9c: {  	s0 =	sadd.s32 @!p0 $0xA00, s22;
	s31 =	simm.s32 @!p0 $0xA200;
	[sflag:s28] =	ssyncadd.s32 @p0 $0xFFFFFF80  }
0x9d: {  	[tilespmem:s31], [sflag:$0x1] =	stream.indirect.gather @!p0 [hbm4b:s7+s23], $0x1, s0, s23, $0xb8;
	[tilespmem:$0xB480] =	vst v63  }
0x9e: {  	_ =	swait.ge @!p0 [sflag:s29], $0x80  }
0x9f: {  	[sflag:s29] =	ssyncset.done @!p0 $0x0  }
0xa0: {  	s0 =	sadd.s32 @!p0 $0x5280, s22;
	s31 =	simm.s32 @!p0 $0xA280;
	[sflag:s29] =	ssyncadd.s32 @!p0 $0xFFFFFF80  }
0xa1: {  	[spmem:s2] =	stream.indirect.scatter.add.f32 @!p0 [tilespmem:s31], [sflag:$0x2], $0x1, s0, s23, $0xb8;
	[tilespmem:$0xB480] =	vst v63  }
0xa2: {  	_ =	swait.ge @!p0 [sflag:s30], $0x80  }
0xa3: {  	[sflag:s30] =	ssyncset.done @!p0 $0x0  }
0xa4: {  	s0 =	sadd.s32 @!p0 $0xA80, s22;
	[sflag:s30] =	ssyncadd.s32 @!p0 $0xFFFFFF80  }
0xa5: {  	[tilespmem:s31], [sflag:$0x1] =	stream.indirect.gather @!p0 [hbm4b:s7+s23], $0x1, s0, s23, $0xb8;
	[tilespmem:$0xB480] =	vst v63  }
0xa6: {  	_ =	swait.ge [sflag:s20], $0x80  }
0xa7: {  	[sflag:s20] =	ssyncset.done $0x0  }
0xa8: {  	s31 =	sadd.s32 $0x5300, s21;
	[sflag:s20] =	ssyncadd.s32 $0xFFFFFF80  }
0xa9: {  	[spmem:s2] =	stream.indirect.scatter.add.f32 [tilespmem:s12], [sflag:$0x2], $0x1, s31, s8, $0xb8;
	[tilespmem:$0xB480] =	vst v63  }
0xaa: {  	_ =	swait.ge [sflag:s5], $0x80  }
0xab: {  	[sflag:s5] =	ssyncset.done $0x0  }
0xac: {  	[sflag:s5] =	ssyncadd.s32 $0xFFFFFF80  }
0xad: {  	_ =	swait.ge @p0 [sflag:s24], $0x80  }
0xae: {  	[sflag:s24] =	ssyncset.done @p0 $0x0  }
0xaf: {  	s0 =	sadd.s32 @p0 $0x5380, s25;
	s31 =	simm.s32 @p0 $0xA380;
	[sflag:s24] =	ssyncadd.s32 @p0 $0xFFFFFF80  }
0xb0: {  	[spmem:s2] =	stream.indirect.scatter.add.f32 @p0 [tilespmem:s31], [sflag:$0x2], $0x1, s0, s26, $0xb8;
	[tilespmem:$0xB480] =	vst v63  }
0xb1: {  	_ =	swait.ge @p0 [sflag:s28], $0x80  }
0xb2: {  	[sflag:s28] =	ssyncset.done @p0 $0x0  }
0xb3: {  	s0 =	sadd.s32 @!p0 $0xB00, s22;
	s31 =	simm.s32 @!p0 $0xA300;
	[sflag:s28] =	ssyncadd.s32 @p0 $0xFFFFFF80  }
0xb4: {  	[tilespmem:s31], [sflag:$0x1] =	stream.indirect.gather @!p0 [hbm4b:s7+s23], $0x1, s0, s23, $0xb8;
	[tilespmem:$0xB480] =	vst v63  }
0xb5: {  	_ =	swait.ge @!p0 [sflag:s29], $0x80  }
0xb6: {  	[sflag:s29] =	ssyncset.done @!p0 $0x0  }
0xb7: {  	s0 =	sadd.s32 @!p0 $0x5380, s22;
	s31 =	simm.s32 @!p0 $0xA380;
	[sflag:s29] =	ssyncadd.s32 @!p0 $0xFFFFFF80  }
0xb8: {  	[spmem:s2] =	stream.indirect.scatter.add.f32 @!p0 [tilespmem:s31], [sflag:$0x2], $0x1, s0, s23, $0xb8;
	[tilespmem:$0xB480] =	vst v63  }
0xb9: {  	_ =	swait.ge @!p0 [sflag:s30], $0x80  }
0xba: {  	[sflag:s30] =	ssyncset.done @!p0 $0x0  }
0xbb: {  	s0 =	sadd.s32 @!p0 $0xB80, s22;
	[sflag:s30] =	ssyncadd.s32 @!p0 $0xFFFFFF80  }
0xbc: {  	[tilespmem:s31], [sflag:$0x1] =	stream.indirect.gather @!p0 [hbm4b:s7+s23], $0x1, s0, s23, $0xb8;
	[tilespmem:$0xB480] =	vst v63  }
0xbd: {  	_ =	swait.ge [sflag:s20], $0x80  }
0xbe: {  	[sflag:s20] =	ssyncset.done $0x0  }
0xbf: {  	s31 =	sadd.s32 $0x5400, s21;
	[sflag:s20] =	ssyncadd.s32 $0xFFFFFF80  }
0xc0: {  	[spmem:s2] =	stream.indirect.scatter.add.f32 [tilespmem:s14], [sflag:$0x2], $0x1, s31, s8, $0xb8;
	[tilespmem:$0xB480] =	vst v63  }
0xc1: {  	_ =	swait.ge [sflag:s5], $0x80  }
0xc2: {  	[sflag:s5] =	ssyncset.done $0x0  }
0xc3: {  	[sflag:s5] =	ssyncadd.s32 $0xFFFFFF80  }
0xc4: {  	_ =	swait.ge @p0 [sflag:s24], $0x80  }
0xc5: {  	[sflag:s24] =	ssyncset.done @p0 $0x0  }
0xc6: {  	s0 =	sadd.s32 @p0 $0x5480, s25;
	s31 =	simm.s32 @p0 $0xA480;
	[sflag:s24] =	ssyncadd.s32 @p0 $0xFFFFFF80  }
0xc7: {  	[spmem:s2] =	stream.indirect.scatter.add.f32 @p0 [tilespmem:s31], [sflag:$0x2], $0x1, s0, s26, $0xb8;
	[tilespmem:$0xB480] =	vst v63  }
0xc8: {  	_ =	swait.ge @p0 [sflag:s28], $0x80  }
0xc9: {  	[sflag:s28] =	ssyncset.done @p0 $0x0  }
0xca: {  	s0 =	sadd.s32 @!p0 $0xC00, s22;
	s31 =	simm.s32 @!p0 $0xA400;
	[sflag:s28] =	ssyncadd.s32 @p0 $0xFFFFFF80  }
0xcb: {  	[tilespmem:s31], [sflag:$0x1] =	stream.indirect.gather @!p0 [hbm4b:s7+s23], $0x1, s0, s23, $0xb8;
	[tilespmem:$0xB480] =	vst v63  }
0xcc: {  	_ =	swait.ge @!p0 [sflag:s29], $0x80  }
0xcd: {  	[sflag:s29] =	ssyncset.done @!p0 $0x0  }
0xce: {  	s0 =	sadd.s32 @!p0 $0x5480, s22;
	s31 =	simm.s32 @!p0 $0xA480;
	[sflag:s29] =	ssyncadd.s32 @!p0 $0xFFFFFF80  }
0xcf: {  	[spmem:s2] =	stream.indirect.scatter.add.f32 @!p0 [tilespmem:s31], [sflag:$0x2], $0x1, s0, s23, $0xb8;
	[tilespmem:$0xB480] =	vst v63  }
0xd0: {  	_ =	swait.ge @!p0 [sflag:s30], $0x80  }
0xd1: {  	[sflag:s30] =	ssyncset.done @!p0 $0x0  }
0xd2: {  	s0 =	sadd.s32 @!p0 $0xC80, s22;
	[sflag:s30] =	ssyncadd.s32 @!p0 $0xFFFFFF80  }
0xd3: {  	[tilespmem:s31], [sflag:$0x1] =	stream.indirect.gather @!p0 [hbm4b:s7+s23], $0x1, s0, s23, $0xb8;
	[tilespmem:$0xB480] =	vst v63  }
0xd4: {  	_ =	swait.ge [sflag:s20], $0x80  }
0xd5: {  	[sflag:s20] =	ssyncset.done $0x0  }
0xd6: {  	s31 =	sadd.s32 $0x5500, s21;
	[sflag:s20] =	ssyncadd.s32 $0xFFFFFF80  }
0xd7: {  	[spmem:s2] =	stream.indirect.scatter.add.f32 [tilespmem:s16], [sflag:$0x2], $0x1, s31, s8, $0xb8;
	[tilespmem:$0xB480] =	vst v63  }
0xd8: {  	_ =	swait.ge [sflag:s5], $0x80  }
0xd9: {  	[sflag:s5] =	ssyncset.done $0x0  }
0xda: {  	[sflag:s5] =	ssyncadd.s32 $0xFFFFFF80  }
0xdb: {  	_ =	swait.ge @p0 [sflag:s24], $0x80  }
0xdc: {  	[sflag:s24] =	ssyncset.done @p0 $0x0  }
0xdd: {  	s0 =	sadd.s32 @p0 $0x5580, s25;
	s31 =	simm.s32 @p0 $0xA580;
	[sflag:s24] =	ssyncadd.s32 @p0 $0xFFFFFF80  }
0xde: {  	[spmem:s2] =	stream.indirect.scatter.add.f32 @p0 [tilespmem:s31], [sflag:$0x2], $0x1, s0, s26, $0xb8;
	[tilespmem:$0xB480] =	vst v63  }
0xdf: {  	_ =	swait.ge @p0 [sflag:s28], $0x80  }
0xe0: {  	[sflag:s28] =	ssyncset.done @p0 $0x0  }
0xe1: {  	s0 =	sadd.s32 @!p0 $0xD00, s22;
	s31 =	simm.s32 @!p0 $0xA500;
	[sflag:s28] =	ssyncadd.s32 @p0 $0xFFFFFF80  }
0xe2: {  	[tilespmem:s31], [sflag:$0x1] =	stream.indirect.gather @!p0 [hbm4b:s7+s23], $0x1, s0, s23, $0xb8;
	[tilespmem:$0xB480] =	vst v63  }
0xe3: {  	_ =	swait.ge @!p0 [sflag:s29], $0x80  }
0xe4: {  	[sflag:s29] =	ssyncset.done @!p0 $0x0  }
0xe5: {  	s0 =	sadd.s32 @!p0 $0x5580, s22;
	s31 =	simm.s32 @!p0 $0xA580;
	[sflag:s29] =	ssyncadd.s32 @!p0 $0xFFFFFF80  }
0xe6: {  	[spmem:s2] =	stream.indirect.scatter.add.f32 @!p0 [tilespmem:s31], [sflag:$0x2], $0x1, s0, s23, $0xb8;
	[tilespmem:$0xB480] =	vst v63  }
0xe7: {  	_ =	swait.ge @!p0 [sflag:s30], $0x80  }
0xe8: {  	[sflag:s30] =	ssyncset.done @!p0 $0x0  }
0xe9: {  	s0 =	sadd.s32 @!p0 $0xD80, s22;
	[sflag:s30] =	ssyncadd.s32 @!p0 $0xFFFFFF80  }
0xea: {  	[tilespmem:s31], [sflag:$0x1] =	stream.indirect.gather @!p0 [hbm4b:s7+s23], $0x1, s0, s23, $0xb8;
	[tilespmem:$0xB480] =	vst v63  }
0xeb: {  	_ =	swait.ge [sflag:s20], $0x80  }
0xec: {  	[sflag:s20] =	ssyncset.done $0x0  }
0xed: {  	s31 =	sadd.s32 $0x5600, s21;
	[sflag:s20] =	ssyncadd.s32 $0xFFFFFF80  }
0xee: {  	[spmem:s2] =	stream.indirect.scatter.add.f32 [tilespmem:s17], [sflag:$0x2], $0x1, s31, s8, $0xb8;
	[tilespmem:$0xB480] =	vst v63  }
0xef: {  	_ =	swait.ge [sflag:s5], $0x80  }
0xf0: {  	[sflag:s5] =	ssyncset.done $0x0  }
0xf1: {  	[sflag:s5] =	ssyncadd.s32 $0xFFFFFF80  }
0xf2: {  	_ =	swait.ge @p0 [sflag:s24], $0x80  }
0xf3: {  	[sflag:s24] =	ssyncset.done @p0 $0x0  }
0xf4: {  	s0 =	sadd.s32 @p0 $0x5680, s25;
	[sflag:s24] =	ssyncadd.s32 @p0 $0xFFFFFF80;
	s24 =	simm.s32 @p0 $0xA680  }
0xf5: {  	[spmem:s2] =	stream.indirect.scatter.add.f32 @p0 [tilespmem:s24], [sflag:$0x2], $0x1, s0, s26, $0xb8;
	[tilespmem:$0xB480] =	vst v63  }
0xf6: {  	_ =	swait.ge @p0 [sflag:s28], $0x80  }
0xf7: {  	[sflag:s28] =	ssyncset.done @p0 $0x0  }
0xf8: {  	s0 =	sadd.s32 @!p0 $0xE00, s22;
	s24 =	simm.s32 @!p0 $0xA600;
	[sflag:s28] =	ssyncadd.s32 @p0 $0xFFFFFF80  }
0xf9: {  	[tilespmem:s24], [sflag:$0x1] =	stream.indirect.gather @!p0 [hbm4b:s7+s23], $0x1, s0, s23, $0xb8;
	[tilespmem:$0xB480] =	vst v63  }
0xfa: {  	_ =	swait.ge @!p0 [sflag:s29], $0x80  }
0xfb: {  	[sflag:s29] =	ssyncset.done @!p0 $0x0  }
0xfc: {  	s0 =	sadd.s32 @!p0 $0x5680, s22;
	s24 =	simm.s32 @!p0 $0xA680;
	[sflag:s29] =	ssyncadd.s32 @!p0 $0xFFFFFF80  }
0xfd: {  	[spmem:s2] =	stream.indirect.scatter.add.f32 @!p0 [tilespmem:s24], [sflag:$0x2], $0x1, s0, s23, $0xb8;
	[tilespmem:$0xB480] =	vst v63  }
0xfe: {  	_ =	swait.ge @!p0 [sflag:s30], $0x80  }
0xff: {  	[sflag:s30] =	ssyncset.done @!p0 $0x0  }
0x100: {  	s0 =	sadd.s32 @!p0 $0xE80, s22;
	[sflag:s30] =	ssyncadd.s32 @!p0 $0xFFFFFF80  }
0x101: {  	[tilespmem:s24], [sflag:$0x1] =	stream.indirect.gather @!p0 [hbm4b:s7+s23], $0x1, s0, s23, $0xb8;
	[tilespmem:$0xB480] =	vst v63  }
0x102: {  	_ =	swait.ge [sflag:s20], $0x80  }
0x103: {  	[sflag:s20] =	ssyncset.done $0x0  }
.Ltmp1:
0x104: {  	s31 =	sadd.s32 $0x5700, s21;
	[sflag:s20] =	ssyncadd.s32 $0xFFFFFF80;
	(pc) =	sbr.rel @p0 .LBB2_4-.Ltmp1, $4  }
0x105: {  	[spmem:s2] =	stream.indirect.scatter.add.f32 [tilespmem:s18], [sflag:$0x2], $0x1, s31, s8, $0xb8;
	[tilespmem:$0xB480] =	vst v63  }
0x106: {  	_ =	swait.ge [sflag:s5], $0x80  }
0x107: {  	[sflag:s5] =	ssyncset.done $0x0  }
0x108: {  	[sflag:s5] =	ssyncadd.s32 $0xFFFFFF80  }
0x109: {  	s0 =	sadd.s32 $0xF00, s21  }
0x10a: {  	[tilespmem:s18], [sflag:$0x1] =	stream.indirect.gather [hbm4b:s7+s8], $0x1, s0, s8, $0xb8;
	[tilespmem:$0xB480] =	vst v63  }
0x10b: {  	_ =	swait.ge [sflag:s20], $0x80  }
0x10c: {  	[sflag:s20] =	ssyncset.done $0x0  }
0x10d: {  	s30 =	sadd.s32 $0x5780, s21;
	[sflag:s20] =	ssyncadd.s32 $0xFFFFFF80  }
0x10e: {  	[spmem:s2] =	stream.indirect.scatter.add.f32 [tilespmem:s19], [sflag:$0x2], $0x1, s30, s8, $0xb8;
	[tilespmem:$0xB480] =	vst v63  }
.Ltmp2:
0x10f: {  	_ = 	snop;
	(pc) =	sbr.rel .LBB2_2-.Ltmp2, $4  }
0x110: {  	_ =	swait.ge [sflag:s5], $0x80  }
0x111: {  	[sflag:s5] =	ssyncset.done $0x0  }
0x112: {  	s31 =	sadd.s32 $0xF80, s21;
	s3 =	sadd.s32 $0x2000, s3;
	[sflag:s5] =	ssyncadd.s32 $0xFFFFFF80  }
0x113: {  	[tilespmem:s19], [sflag:$0x1] =	stream.indirect.gather [hbm4b:s7+s8], $0x1, s31, s8, $0xb8;
	[tilespmem:$0xB480] =	vst v63  }
.LBB2_4:
0x114: {  	s0 =	simm.s32 $0x1  }
0x115: {  	_ =	swait.ge [sflag:s0], $0x80  }
0x116: {  	s25 =	sadd.s32 $0x5780, s21;
	s3 =	simm.s32 $0x80;
	[sflag:s0] =	ssyncset.done $0x0  }
0x117: {  	s5 =	simm.s32 $0xA780;
	s26 =	simm.s32 $0x2;
	[sflag:s0] =	ssyncadd.s32 $0xFFFFFF80  }
0x118: {  	[spmem:s2] =	stream.indirect.scatter.add.f32 [tilespmem:s5], [sflag:$0x2], $0x1, s25, s3, $0xb8;
	[tilespmem:$0xB480] =	vst v63  }
0x119: {  	_ =	swait.ge [sflag:s26], $0x80  }
0x11a: {  	[sflag:s26] =	ssyncset.done $0x0  }
0x11b: {  	[sflag:s26] =	ssyncadd.s32 $0xFFFFFF80  }
0x11c: {  	s28 =	simm.s32 $0xA800;
	[bflag:$0x0] =	sbarrier.arrive $0xFFFF  }
0x11d: {  	[tilespmem:s28], [sflag:$0x2] =	stream.linear.gather [spmem:s4], $0x280, $0x38;
	[tilespmem:$0xB480] =	vst v63  }
0x11e: {  	_ =	swait.ge [sflag:s26], $0x280  }
0x11f: {  	[sflag:s26] =	ssyncset.done $0x0  }
0x120: {  	s29 =	simm.s32 $0x0;
	s30 =	simm.s32 $0xAA80;
	[sflag:s26] =	ssyncadd.s32 $0xFFFFFD80  }
0x121: {  	[tilespmem:s30], [sflag:$0x2] =	stream.linear.gather [hbm4b:s15+s29], $0x280, $0x38;
	[tilespmem:$0xB480] =	vst v63  }
0x122: {  	_ =	swait.ge [sflag:s26], $0x280  }
0x123: {  	[sflag:s26] =	ssyncset.done $0x0  }
0x124: {  	s31 =	simm.s32 $0xAD00;
	[sflag:s26] =	ssyncadd.s32 $0xFFFFFD80  }
0x125: {  	[tilespmem:s31], [sflag:$0x2] =	stream.linear.gather [hbm4b:s13+s29], $0x280, $0x38;
	[tilespmem:$0xB480] =	vst v63  }
0x126: {  	_ =	swait.ge [sflag:s26], $0x280  }
0x127: {  	[sflag:s26] =	ssyncset.done $0x0  }
0x128: {  	s2 =	simm.s32 $0x0;
	[sflag:s26] =	ssyncadd.s32 $0xFFFFFD80  }
0x129: {  	v0 =	vld [tilespmem:s2+$0xA800]  }
0x12a: {  	v1 =	vld [tilespmem:s2+$0xAA80];
	_ =	sdelay $0x1  }
0x12b: {  	v2 =	vld [tilespmem:s2+$0xAD00]  }
0x12c: {  	s3 =	simm.s32 $0x40  }
.LBB2_5:
0x12d: {  	s0 =	sshra.s32 s3, $0x2;
	p0 =	sne.s32 s3, $0x9C0  }
.Ltmp3:
0x12e: {  	s3 =	sadd.s32 $0x40, s3;
	v3 =	vmul.f32 v1, v0;
	v0 =	vld [tilespmem:s0+$0xA800];
	(pc) =	sbr.rel @p0 .LBB2_5-.Ltmp3, $4  }
0x12f: {  	v1 =	vld [tilespmem:s0+$0xAA80]  }
0x130: {  	v3 =	vadd.f32 v2, v3  }
0x131: {  	v2 =	vld [tilespmem:s0+$0xAD00]  }
0x132: {  	[tilespmem:s2+$0xAF80] =	vst v3;
	s2 =	smov.u32 s0  }
0x133: {  	_ = 	snop  }
0x134: {  	v0 =	vmul.f32 v1, v0;
	_ =	sdelay $0x1  }
0x135: {  	v0 =	vadd.f32 v2, v0;
	_ =	sdelay $0x1  }
0x136: {  	s0 =	simm.s32 $0x0;
	s30 =	simm.s32 $0xAF80;
	s31 =	simm.s32 $0x2;
	[tilespmem:s2+$0xAF80] =	vst v0  }
0x137: {  	[hbm4b:s6+s0] =	stream.linear.scatter [tilespmem:s30], [sflag:$0x2], $0x280, $0x38;
	[tilespmem:$0xB480] =	vst v63  }
0x138: {  	_ =	swait.ge [sflag:s31], $0x280  }
0x139: {  	[sflag:s31] =	ssyncset.done $0x0  }
0x13a: {  	[sflag:s31] =	ssyncadd.s32 $0xFFFFFD80  }
0x13b: {  	s0 =	rddreg [dreg:$0x3]  }
.LBB2_7:
0x13c: {  	_ =	sfence.sel $0x180000  }
0x13d: {  	[bflag:$0x0] =	sbarrier.arrive $0xFFFF  }
0x13e: {  	p0 =	sne.s32 s1, $0x0;
	_ =	strace $0x9000004A  }
0x13f: {  	s0 =	sadd.s32 @!p0 $0x100000, s0;
	[bflag:$0x2] =	sbarrier.arrive $0xFFFF  }
0x140: {  	[sflag:s0] =	ssyncadd.tile.s32 @!p0 $0x1;
	_ =	shalt  }
.Lfunc_end2:
_tile_overlayer_lowered:
.L_overlay_start_2:
0x141: {  	(tag) =	ssettag $0x2  }
0x142: {  	s0 =	rddreg [dreg:$0x0];
	s2 =	stileid.u32  }
0x143: {  	s1 =	rddreg [dreg:$0x1];
	p0 =	sne.s32 s2, $0x0  }
0x144: {  	s3 =	rddreg [dreg:$0x2];
	[bflag:$0x3] =	sbarrier.arrive $0xFFFF;
	s2 =	simm.s32 @!p0 $0x1C02  }
0x145: {  	[timem:s3], [sflag:s2] =	dma.local @!p0 [hbm:s0], s1  }
0x146: {  	s0 =	simm.s32 @!p0 $0x2  }
0x147: {  	_ =	swait.ge @!p0 [sflag:s0], s1  }
0x148: {  	s1 =	ssub.s32 @!p0 $0x0, s1;
	[sflag:s0] =	ssyncset.done @!p0 $0x0  }
0x149: {  	[sflag:s0] =	ssyncadd.s32 @!p0 s1  }
0x14a: {  	[bflag:$0x3] =	sbarrier.arrive $0xFFFF  }
0x14b: {  	_ =	shalt  }

</sc_bundles>
